<compile_context>
chip_gen: v7x
topology: tpu7x:2x2x1
jax: 0.10.2.dev20260603
libtpu: 0.0.44.dev20260713+nightly
codegen_flags: <defaults>
</compile_context>

<pallas_src>
import functools

import jax
import jax.numpy as jnp
from jax import lax
from jax.experimental import pallas as pl
from jax.experimental.pallas import tpu as pltpu
from jax.experimental.pallas import tpu_sc as plsc

_F32 = jnp.float32

_K = 80
_CH = 96
_NPAD = 10240
_NPASS = 8
_SEG = _NPAD // _NPASS
_ACC = _SEG + 128
_R = 2000



def _tc_proj(x, WpT, bp, W0T, b0):
    B, N, C = x.shape
    grid = (B, N // _R)

    def body(x_ref, wp_ref, bp_ref, w0_ref, b0_ref, h_ref, t_ref):
        h = jnp.dot(x_ref[0], wp_ref[...], preferred_element_type=_F32)
        h = h + bp_ref[...]
        h_ref[0] = h
        t_ref[0] = jnp.dot(h, w0_ref[...], preferred_element_type=_F32) + b0_ref[...]

    blk = pl.BlockSpec((1, _R, C), lambda b, i: (b, i, 0))
    blk_w = pl.BlockSpec((C, C), lambda b, i: (0, 0))
    blk_b = pl.BlockSpec((1, C), lambda b, i: (0, 0))
    return pl.pallas_call(
        body,
        grid=grid,
        in_specs=[blk, blk_w, blk_b, blk_w, blk_b],
        out_specs=[blk, blk],
        out_shape=[
            jax.ShapeDtypeStruct((B, N, C), _F32),
            jax.ShapeDtypeStruct((B, _NPAD, C), _F32),
        ],
    )(x, WpT, bp.reshape(1, C), W0T, b0.reshape(1, C))


def _tc_post(sums, cnt, g, be, n_nodes, WT=None, b=None, shortcut=None):
    B, NP, C = sums.shape
    N = n_nodes
    grid = (B, N // _R)

    blk = pl.BlockSpec((1, _R, C), lambda b_, i: (b_, i, 0))
    blk_cnt = pl.BlockSpec((_R, C), lambda b_, i: (i, 0))
    blk_vec = pl.BlockSpec((1, C), lambda b_, i: (0, 0))
    blk_w = pl.BlockSpec((C, C), lambda b_, i: (0, 0))

    def stage(s_ref, c_ref, g_ref, be_ref):
        cnt_col = c_ref[:, :1]
        mean = s_ref[0] / jnp.maximum(cnt_col, 1.0)
        mu = jnp.mean(mean, axis=-1, keepdims=True)
        var = jnp.mean((mean - mu) ** 2, axis=-1, keepdims=True)
        h = (mean - mu) * lax.rsqrt(var + 1e-5) * g_ref[...] + be_ref[...]
        return h * jax.nn.sigmoid(h)

    if WT is not None:
        def body(s_ref, c_ref, g_ref, be_ref, w_ref, b_ref, o_ref):
            h = stage(s_ref, c_ref, g_ref, be_ref)
            o_ref[0] = jnp.dot(h, w_ref[...], preferred_element_type=_F32) + b_ref[...]

        in_specs = [blk, blk_cnt, blk_vec, blk_vec, blk_w, blk_vec]
        args = (sums, cnt, g.reshape(1, C), be.reshape(1, C), WT, b.reshape(1, C))
        out_shape = jax.ShapeDtypeStruct((B, _NPAD, C), _F32)
    else:
        def body(s_ref, c_ref, g_ref, be_ref, sc_ref, o_ref):
            o_ref[0] = stage(s_ref, c_ref, g_ref, be_ref) + sc_ref[0]

        in_specs = [blk, blk_cnt, blk_vec, blk_vec, blk]
        args = (sums, cnt, g.reshape(1, C), be.reshape(1, C), shortcut)
        out_shape = jax.ShapeDtypeStruct((B, N, C), _F32)

    return pl.pallas_call(
        body,
        grid=grid,
        in_specs=in_specs,
        out_specs=blk,
        out_shape=out_shape,
    )(*args)



def _sc_agg(table, src_all, dst3, zeros_acc, ones_rows=None):
    C = table.shape[1]
    cps = dst3.shape[1]
    ne = cps * _K
    with_cnt = ones_rows is not None
    info = plsc.get_sparse_core_info()
    NS = info.num_subcores
    zps = _ACC // NS
    wps = _SEG // NS
    mesh = plsc.VectorSubcoreMesh(core_axis_name="c", subcore_axis_name="s")

    out_type = jax.ShapeDtypeStruct((2 * _NPAD, C), _F32)
    scratch = [
        pltpu.VMEM((cps, _K), jnp.int32),
        pltpu.VMEM((cps, _K), jnp.int32),
        pltpu.VMEM((ne + 2 * _CH,), jnp.int32),
        pltpu.VMEM((ne + 2 * _CH,), jnp.int32),
        pltpu.VMEM((1, _CH), jnp.int32),
        pltpu.VMEM((_CH, C), _F32),
        pltpu.VMEM_SHARED((_ACC, C), _F32),
        pltpu.SemaphoreType.DMA,
    ]
    if with_cnt:
        out_type = [out_type, jax.ShapeDtypeStruct((_NPAD, C), _F32)]

    @functools.partial(
        pl.kernel, out_type=out_type, mesh=mesh, scratch_types=scratch,
        compiler_params=pltpu.CompilerParams(needs_layout_passes=False))
    def agg(*refs):
        if with_cnt:
            (table_h, src_h, dst_h, zacc_h, ones_h, out_h, cnt_h,
             src_v, d_v, srcc, dstc, idx2, rows_v, acc_sh, sem) = refs
        else:
            (table_h, src_h, dst_h, zacc_h, out_h,
             src_v, d_v, srcc, dstc, idx2, rows_v, acc_sh, sem) = refs
        c = lax.axis_index("c")
        s = lax.axis_index("s")
        z0 = s * zps
        w0 = s * wps

        def zero_acc():
            pltpu.sync_copy(zacc_h.at[pl.ds(z0, zps)],
                            acc_sh.at[pl.ds(z0, zps)])

        zero_acc()
        pltpu.sync_copy(src_h.at[c, s], src_v)
        pltpu.sync_copy(dst_h.at[s], d_v)
        plsc.subcore_barrier()

        def pass_body(p, carry):
            lo = p * _SEG

            def row_body(t, pos):
                parts = []
                for l in range(_K // 16):
                    d = d_v[t, pl.ds(l * 16, 16)]
                    sv = src_v[t, pl.ds(l * 16, 16)]
                    local = d - lo
                    m = (local >= 0) & (local < _SEG)
                    mi = m.astype(jnp.int32)
                    cs = plsc.cumsum(mi)
                    parts.append((local, sv, m, mi, cs))
                for local, sv, m, mi, cs in parts:
                    tgt = pos + cs - mi
                    plsc.store_scatter(dstc, [tgt], local, mask=m)
                    plsc.store_scatter(srcc, [tgt], sv, mask=m)
                    pos = pos + jnp.sum(mi, axis=0)
                return pos

            pos = lax.fori_loop(0, cps, row_body, 0)
            padd = jnp.full((16,), _SEG, jnp.int32)
            pads = jnp.broadcast_to(c * _NPAD, (16,)).astype(jnp.int32)
            for l in range(_CH // 16):
                dstc[pl.ds(pos + l * 16, 16)] = padd
                srcc[pl.ds(pos + l * 16, 16)] = pads
            nch = (pos + _CH - 1) // _CH

            def load_idx2(j):
                for l in range(_CH // 16):
                    idx2[0, pl.ds(l * 16, 16)] = dstc[pl.ds(j * _CH + l * 16, 16)]

            def chunk_body(j, carry):
                load_idx2(j)
                pltpu.async_copy(table_h.at[srcc.at[pl.ds(j * _CH, _CH)]],
                                 rows_v, sem).wait()
                pltpu.sync_copy(rows_v, acc_sh.at[idx2.at[0]], add=True)
                return carry

            lax.fori_loop(0, nch, chunk_body, 0)
            plsc.subcore_barrier()
            pltpu.sync_copy(
                acc_sh.at[pl.ds(w0, wps)],
                out_h.at[pl.ds(c * _NPAD + p * _SEG + w0, wps)])
            zero_acc()
            plsc.subcore_barrier()

            if with_cnt:
                @pl.when(c == p // (_NPASS // 2))
                def _():
                    pltpu.sync_copy(ones_h, rows_v)

                    def cnt_body(j, carry2):
                        load_idx2(j)
                        pltpu.sync_copy(rows_v, acc_sh.at[idx2.at[0]],
                                        add=True)
                        return carry2

                    lax.fori_loop(0, nch, cnt_body, 0)
                    plsc.subcore_barrier()
                    pltpu.sync_copy(acc_sh.at[pl.ds(w0, wps)],
                                    cnt_h.at[pl.ds(p * _SEG + w0, wps)])
                    zero_acc()
                    plsc.subcore_barrier()
            return carry

        lax.fori_loop(0, _NPASS, pass_body, 0)

    return agg(table, src_all, dst3, zeros_acc,
               *((ones_rows,) if with_cnt else ()))



def kernel(x, edge_index, W_proj, b_proj, W0, b0, g0, be0, W1, b1, g1, be1):
    B, N, C = x.shape
    E = edge_index.shape[1]

    h_sc, t0 = _tc_proj(x, W_proj.T, b_proj, W0.T, b0)

    src = edge_index[0].astype(jnp.int32)
    dst = edge_index[1].astype(jnp.int32)
    ns = 16
    cps = E // _K // ns
    src_all = jnp.stack([src, src + _NPAD]).reshape(2, ns, cps, _K)
    dst3 = dst.reshape(ns, cps, _K)
    zeros_acc = jnp.zeros((_ACC, C), _F32)
    ones_rows = jnp.ones((_CH, C), _F32)

    def flat(t):
        return t.reshape(2 * _NPAD, C)

    def unflat(t):
        return t.reshape(2, _NPAD, C)

    s0, cnt = _sc_agg(flat(t0), src_all, dst3, zeros_acc, ones_rows)
    t1 = _tc_post(unflat(s0), cnt, g0, be0, N, WT=W1.T, b=b1)
    s1 = _sc_agg(flat(t1), src_all, dst3, zeros_acc)
    out = _tc_post(unflat(s1), cnt, g1, be1, N, shortcut=h_sc)
    return out

# --- scband reference (transcript-rebuilt; emitter-appended) ---
"""Pipeline reference for scband-graph-up-block-60129542144695 (READ-ONLY COPY).

The authoritative reference and input builder live on the scoring server;
editing this copy changes nothing except your own understanding.
"""

import jax, jax.numpy as jnp
import numpy as np

B, N, C = 2, 10000, 128
E = 320000


def _layer_norm(h, g, b):
    mu = jnp.mean(h, axis=-1, keepdims=True)
    var = jnp.mean((h - mu) ** 2, axis=-1, keepdims=True)
    return (h - mu) / jnp.sqrt(var + 1e-5) * g + b


def _graph_conv(h, W, b, src, dst):
    # lin
    h = h @ W.T + b  # (B, N, C)
    ht = jnp.transpose(h, (1, 0, 2))  # (N, B, C) like node_dim=0 after transpose
    msgs = ht[src]  # gather: (E, B, C)
    summed = jax.ops.segment_sum(msgs, dst, num_segments=N)  # (N, B, C)
    cnt = jax.ops.segment_sum(jnp.ones((E,), dtype=h.dtype), dst, num_segments=N)
    mean = summed / jnp.clip(cnt, 1.0)[:, None, None]
    return jnp.transpose(mean, (1, 0, 2))  # back to (B, N, C)


def setup_inputs(seed: int = 0):
    key = jax.random.key(seed)
    ks = jax.random.split(key, 12)
    x = jax.random.normal(ks[0], (B, N, C), dtype=jnp.float32)
    edge_index = jax.random.randint(ks[1], (2, E), 0, N, dtype=jnp.int32)
    s = 1.0 / np.sqrt(C)
    W_proj = jax.random.normal(ks[2], (C, C), dtype=jnp.float32) * s
    b_proj = jnp.zeros((C,), dtype=jnp.float32)
    W0 = jax.random.normal(ks[3], (C, C), dtype=jnp.float32) * s
    b0 = jnp.zeros((C,), dtype=jnp.float32)
    g0 = jnp.ones((C,), dtype=jnp.float32)
    be0 = jnp.zeros((C,), dtype=jnp.float32)
    W1 = jax.random.normal(ks[4], (C, C), dtype=jnp.float32) * s
    b1 = jnp.zeros((C,), dtype=jnp.float32)
    g1 = jnp.ones((C,), dtype=jnp.float32)
    be1 = jnp.zeros((C,), dtype=jnp.float32)
    return {"x": x, "edge_index": edge_index, "W_proj": W_proj, "b_proj": b_proj,
            "W0": W0, "b0": b0, "g0": g0, "be0": be0,
            "W1": W1, "b1": b1, "g1": g1, "be1": be1}


def reference(x, edge_index, W_proj, b_proj, W0, b0, g0, be0, W1, b1, g1, be1):
    src = edge_index[0]
    dst = edge_index[1]
    h = x @ W_proj.T + b_proj
    shortcut = h
    for (W, b, g, be) in ((W0, b0, g0, be0), (W1, b1, g1, be1)):
        h = _graph_conv(h, W, b, src, dst)
        h = _layer_norm(h, g, be)
        h = h * jax.nn.sigmoid(h)  # SiLU
    return h + shortcut

if __name__ == "__main__":
    import jax
    _d = setup_inputs()
    print(jax.jit(kernel)(*tuple(_d.values())))

</pallas_src>

<mosaic_0001>
#map = affine_map<(d0, d1) -> (0, 0)>
#map1 = affine_map<(d0, d1) -> (0, 0, 0, 0)>
#map2 = affine_map<(d0, d1) -> (0, 0, 0)>
module attributes {stable_mosaic.version = 14 : i64} {
  func.func @agg(%arg0: i32, %arg1: i32, %arg2: memref<20480x128xf32, #tpu.memory_space<hbm>>, %arg3: memref<2x16x250x80xi32, #tpu.memory_space<hbm>>, %arg4: memref<16x250x80xi32, #tpu.memory_space<hbm>>, %arg5: memref<1408x128xf32, #tpu.memory_space<hbm>>, %arg6: memref<20480x128xf32, #tpu.memory_space<hbm>>, %arg7: memref<250x80xi32, #tpu.memory_space<vmem>>, %arg8: memref<250x80xi32, #tpu.memory_space<vmem>>, %arg9: memref<20192xi32, #tpu.memory_space<vmem>>, %arg10: memref<20192xi32, #tpu.memory_space<vmem>>, %arg11: memref<1x96xi32, #tpu.memory_space<vmem>>, %arg12: memref<96x128xf32, #tpu.memory_space<vmem>>, %arg13: memref<1408x128xf32, #tpu.memory_space<vmem_shared>>, %arg14: memref<!tpu.dma_semaphore, #tpu.memory_space<semaphore_mem>>) attributes {dimension_semantics = [#tpu.dimension_semantics<core_parallel>, #tpu.dimension_semantics<subcore_parallel>], iteration_bounds = array<i64: 2, 16>, scalar_prefetch = 0 : i64, scratch_operands = 8 : i64, tpu.core_type = #tpu.core_type<sc_vector_subcore>, window_params = [{transform_indices = #map}, {transform_indices = #map1}, {transform_indices = #map2}, {transform_indices = #map}, {transform_indices = #map}]} {
    %mul3A = arith.constant 88 : i32
    %mul3A_0 = arith.muli %arg1, %mul3A : i32
    %mul3A_1 = arith.constant 80 : i32
    %mul3A_2 = arith.muli %arg1, %mul3A_1 : i32
    "tpu.region"() ({
      %run_scoped3A = tpu.sem_alloc : memref<!tpu.dma_semaphore, #tpu.memory_space<semaphore_mem>>
      %dma_start3A = arith.constant 0 : i32
      %dma_start3A_8 = tpu.memref_slice %arg13[%mul3A_0, %dma_start3A] : memref<1408x128xf32, #tpu.memory_space<vmem_shared>> -> memref<88x128xf32, #tpu.memory_space<vmem_shared>>
      %dma_start3A_9 = arith.constant 0 : i32
      %dma_start3A_10 = tpu.memref_slice %arg5[%mul3A_0, %dma_start3A_9] : memref<1408x128xf32, #tpu.memory_space<hbm>> -> memref<88x128xf32, #tpu.memory_space<hbm>>
      tpu.enqueue_dma source(%dma_start3A_10 : memref<88x128xf32, #tpu.memory_space<hbm>>) target(%dma_start3A_8 : memref<88x128xf32, #tpu.memory_space<vmem_shared>>) target_semaphore(%run_scoped3A : memref<!tpu.dma_semaphore, #tpu.memory_space<semaphore_mem>>)
      %dma_wait3A = arith.constant 0 : i32
      %dma_wait3A_11 = tpu.memref_slice %arg13[%mul3A_0, %dma_wait3A] : memref<1408x128xf32, #tpu.memory_space<vmem_shared>> -> memref<88x128xf32, #tpu.memory_space<vmem_shared>>
      %dma_wait3A_12 = arith.constant 0 : i32
      %dma_wait3A_13 = tpu.memref_slice %arg5[%mul3A_0, %dma_wait3A_12] : memref<1408x128xf32, #tpu.memory_space<hbm>> -> memref<88x128xf32, #tpu.memory_space<hbm>>
      tpu.wait_dma2 semaphore(%run_scoped3A : memref<!tpu.dma_semaphore, #tpu.memory_space<semaphore_mem>>) src(%dma_wait3A_13 : memref<88x128xf32, #tpu.memory_space<hbm>>) dst(%dma_wait3A_11 : memref<88x128xf32, #tpu.memory_space<vmem_shared>>)
      tpu.yield
    }) : () -> ()
    "tpu.region"() ({
      %run_scoped3A = tpu.sem_alloc : memref<!tpu.dma_semaphore, #tpu.memory_space<semaphore_mem>>
      %dma_start3A = arith.constant 0 : i32
      %dma_start3A_8 = arith.constant 0 : i32
      %dma_start3A_9 = tpu.memref_slice %arg3[%arg0, %arg1, %dma_start3A, %dma_start3A_8] : memref<2x16x250x80xi32, #tpu.memory_space<hbm>> -> memref<1x1x250x80xi32, #tpu.memory_space<hbm>>
      %dma_start3A_10 = tpu.memref_squeeze %dma_start3A_9 : memref<1x1x250x80xi32, #tpu.memory_space<hbm>> -> memref<250x80xi32, #tpu.memory_space<hbm>>
      %dma_start3A_11 = arith.constant 0 : i32
      %dma_start3A_12 = arith.constant 0 : i32
      %dma_start3A_13 = tpu.memref_slice %arg3[%arg0, %arg1, %dma_start3A_11, %dma_start3A_12] : memref<2x16x250x80xi32, #tpu.memory_space<hbm>> -> memref<1x1x250x80xi32, #tpu.memory_space<hbm>>
      %dma_start3A_14 = tpu.memref_squeeze %dma_start3A_13 : memref<1x1x250x80xi32, #tpu.memory_space<hbm>> -> memref<250x80xi32, #tpu.memory_space<hbm>>
      tpu.enqueue_dma source(%dma_start3A_14 : memref<250x80xi32, #tpu.memory_space<hbm>>) target(%arg7 : memref<250x80xi32, #tpu.memory_space<vmem>>) target_semaphore(%run_scoped3A : memref<!tpu.dma_semaphore, #tpu.memory_space<semaphore_mem>>)
      %dma_wait3A = arith.constant 0 : i32
      %dma_wait3A_15 = arith.constant 0 : i32
      %dma_wait3A_16 = tpu.memref_slice %arg3[%arg0, %arg1, %dma_wait3A, %dma_wait3A_15] : memref<2x16x250x80xi32, #tpu.memory_space<hbm>> -> memref<1x1x250x80xi32, #tpu.memory_space<hbm>>
      %dma_wait3A_17 = tpu.memref_squeeze %dma_wait3A_16 : memref<1x1x250x80xi32, #tpu.memory_space<hbm>> -> memref<250x80xi32, #tpu.memory_space<hbm>>
      %dma_wait3A_18 = arith.constant 0 : i32
      %dma_wait3A_19 = arith.constant 0 : i32
      %dma_wait3A_20 = tpu.memref_slice %arg3[%arg0, %arg1, %dma_wait3A_18, %dma_wait3A_19] : memref<2x16x250x80xi32, #tpu.memory_space<hbm>> -> memref<1x1x250x80xi32, #tpu.memory_space<hbm>>
      %dma_wait3A_21 = tpu.memref_squeeze %dma_wait3A_20 : memref<1x1x250x80xi32, #tpu.memory_space<hbm>> -> memref<250x80xi32, #tpu.memory_space<hbm>>
      tpu.wait_dma2 semaphore(%run_scoped3A : memref<!tpu.dma_semaphore, #tpu.memory_space<semaphore_mem>>) src(%dma_wait3A_21 : memref<250x80xi32, #tpu.memory_space<hbm>>) dst(%arg7 : memref<250x80xi32, #tpu.memory_space<vmem>>)
      tpu.yield
    }) : () -> ()
    "tpu.region"() ({
      %run_scoped3A = tpu.sem_alloc : memref<!tpu.dma_semaphore, #tpu.memory_space<semaphore_mem>>
      %dma_start3A = arith.constant 0 : i32
      %dma_start3A_8 = arith.constant 0 : i32
      %dma_start3A_9 = tpu.memref_slice %arg4[%arg1, %dma_start3A, %dma_start3A_8] : memref<16x250x80xi32, #tpu.memory_space<hbm>> -> memref<1x250x80xi32, #tpu.memory_space<hbm>>
      %dma_start3A_10 = tpu.memref_squeeze %dma_start3A_9 : memref<1x250x80xi32, #tpu.memory_space<hbm>> -> memref<250x80xi32, #tpu.memory_space<hbm>>
      %dma_start3A_11 = arith.constant 0 : i32
      %dma_start3A_12 = arith.constant 0 : i32
      %dma_start3A_13 = tpu.memref_slice %arg4[%arg1, %dma_start3A_11, %dma_start3A_12] : memref<16x250x80xi32, #tpu.memory_space<hbm>> -> memref<1x250x80xi32, #tpu.memory_space<hbm>>
      %dma_start3A_14 = tpu.memref_squeeze %dma_start3A_13 : memref<1x250x80xi32, #tpu.memory_space<hbm>> -> memref<250x80xi32, #tpu.memory_space<hbm>>
      tpu.enqueue_dma source(%dma_start3A_14 : memref<250x80xi32, #tpu.memory_space<hbm>>) target(%arg8 : memref<250x80xi32, #tpu.memory_space<vmem>>) target_semaphore(%run_scoped3A : memref<!tpu.dma_semaphore, #tpu.memory_space<semaphore_mem>>)
      %dma_wait3A = arith.constant 0 : i32
      %dma_wait3A_15 = arith.constant 0 : i32
      %dma_wait3A_16 = tpu.memref_slice %arg4[%arg1, %dma_wait3A, %dma_wait3A_15] : memref<16x250x80xi32, #tpu.memory_space<hbm>> -> memref<1x250x80xi32, #tpu.memory_space<hbm>>
      %dma_wait3A_17 = tpu.memref_squeeze %dma_wait3A_16 : memref<1x250x80xi32, #tpu.memory_space<hbm>> -> memref<250x80xi32, #tpu.memory_space<hbm>>
      %dma_wait3A_18 = arith.constant 0 : i32
      %dma_wait3A_19 = arith.constant 0 : i32
      %dma_wait3A_20 = tpu.memref_slice %arg4[%arg1, %dma_wait3A_18, %dma_wait3A_19] : memref<16x250x80xi32, #tpu.memory_space<hbm>> -> memref<1x250x80xi32, #tpu.memory_space<hbm>>
      %dma_wait3A_21 = tpu.memref_squeeze %dma_wait3A_20 : memref<1x250x80xi32, #tpu.memory_space<hbm>> -> memref<250x80xi32, #tpu.memory_space<hbm>>
      tpu.wait_dma2 semaphore(%run_scoped3A : memref<!tpu.dma_semaphore, #tpu.memory_space<semaphore_mem>>) src(%dma_wait3A_21 : memref<250x80xi32, #tpu.memory_space<hbm>>) dst(%arg8 : memref<250x80xi32, #tpu.memory_space<vmem>>)
      tpu.yield
    }) : () -> ()
    %barrier3A = arith.constant 0 : index
    tpu.barrier barrier_id(%barrier3A)
    %scan3A = arith.constant 0 : i32
    %scan3A_3 = arith.constant 0 : i32
    %scan3A_4 = arith.constant 8 : i32
    %scan3A_5 = arith.addi %scan3A_3, %scan3A_4 : i32
    %scan3A_6 = arith.constant 1 : i32
    scf.for %scan3A_8 = %scan3A_3 to %scan3A_5 step %scan3A_6  : i32 {
      %mul3A_9 = arith.constant 1280 : i32
      %mul3A_10 = arith.muli %scan3A_8, %mul3A_9 : i32
      %scan3A_11 = arith.constant 0 : i32
      %scan3A_12 = arith.constant 0 : i32
      %scan3A_13 = arith.constant 250 : i32
      %scan3A_14 = arith.addi %scan3A_12, %scan3A_13 : i32
      %scan3A_15 = arith.constant 1 : i32
      %scan3A_16 = scf.for %scan3A_105 = %scan3A_12 to %scan3A_14 step %scan3A_15 iter_args(%scan3A_106 = %scan3A_11) -> (i32)  : i32 {
        %get3A = arith.index_cast %scan3A_105 : i32 to index
        %get3A_107 = arith.constant 0 : index
        %get3A_108 = tpu.vector_load %arg8[%get3A, %get3A_107] {strides = array<i32>} : memref<250x80xi32, #tpu.memory_space<vmem>>, vector<16xi32>,
        %get3A_109 = arith.index_cast %scan3A_105 : i32 to index
        %get3A_110 = arith.constant 0 : index
        %get3A_111 = tpu.vector_load %arg7[%get3A_109, %get3A_110] {strides = array<i32>} : memref<250x80xi32, #tpu.memory_space<vmem>>, vector<16xi32>,
        %sub3A_112 = vector.broadcast %mul3A_10 : i32 to vector<16xi32>
        %sub3A_113 = arith.subi %get3A_108, %sub3A_112 : vector<16xi32>
        %ge3A = arith.constant 0 : i32
        %ge3A_114 = vector.broadcast %ge3A : i32 to vector<16xi32>
        %ge3A_115 = arith.cmpi sge, %sub3A_113, %ge3A_114 : vector<16xi32>
        %lt3A = arith.constant 1280 : i32
        %lt3A_116 = vector.broadcast %lt3A : i32 to vector<16xi32>
        %lt3A_117 = arith.cmpi slt, %sub3A_113, %lt3A_116 : vector<16xi32>
        %and3A_118 = arith.andi %ge3A_115, %lt3A_117 : vector<16xi1>
        %convert_element_type3A = arith.extui %and3A_118 : vector<16xi1> to vector<16xi32>
        %broadcast_in_dim3A_119 = arith.constant true
        %broadcast_in_dim3A_120 = vector.broadcast %broadcast_in_dim3A_119 : i1 to vector<16xi1>
        %masked_cumsum3A = tpu.scan <sum>, %convert_element_type3A masked %broadcast_in_dim3A_120 : vector<16xi32>, vector<16xi1> -> vector<16xi32>
        %get3A_121 = arith.index_cast %scan3A_105 : i32 to index
        %get3A_122 = arith.constant 16 : index
        %get3A_123 = tpu.vector_load %arg8[%get3A_121, %get3A_122] {strides = array<i32>} : memref<250x80xi32, #tpu.memory_space<vmem>>, vector<16xi32>,
        %get3A_124 = arith.index_cast %scan3A_105 : i32 to index
        %get3A_125 = arith.constant 16 : index
        %get3A_126 = tpu.vector_load %arg7[%get3A_124, %get3A_125] {strides = array<i32>} : memref<250x80xi32, #tpu.memory_space<vmem>>, vector<16xi32>,
        %sub3A_127 = vector.broadcast %mul3A_10 : i32 to vector<16xi32>
        %sub3A_128 = arith.subi %get3A_123, %sub3A_127 : vector<16xi32>
        %ge3A_129 = arith.constant 0 : i32
        %ge3A_130 = vector.broadcast %ge3A_129 : i32 to vector<16xi32>
        %ge3A_131 = arith.cmpi sge, %sub3A_128, %ge3A_130 : vector<16xi32>
        %lt3A_132 = arith.constant 1280 : i32
        %lt3A_133 = vector.broadcast %lt3A_132 : i32 to vector<16xi32>
        %lt3A_134 = arith.cmpi slt, %sub3A_128, %lt3A_133 : vector<16xi32>
        %and3A_135 = arith.andi %ge3A_131, %lt3A_134 : vector<16xi1>
        %convert_element_type3A_136 = arith.extui %and3A_135 : vector<16xi1> to vector<16xi32>
        %broadcast_in_dim3A_137 = arith.constant true
        %broadcast_in_dim3A_138 = vector.broadcast %broadcast_in_dim3A_137 : i1 to vector<16xi1>
        %masked_cumsum3A_139 = tpu.scan <sum>, %convert_element_type3A_136 masked %broadcast_in_dim3A_138 : vector<16xi32>, vector<16xi1> -> vector<16xi32>
        %get3A_140 = arith.index_cast %scan3A_105 : i32 to index
        %get3A_141 = arith.constant 32 : index
        %get3A_142 = tpu.vector_load %arg8[%get3A_140, %get3A_141] {strides = array<i32>} : memref<250x80xi32, #tpu.memory_space<vmem>>, vector<16xi32>,
        %get3A_143 = arith.index_cast %scan3A_105 : i32 to index
        %get3A_144 = arith.constant 32 : index
        %get3A_145 = tpu.vector_load %arg7[%get3A_143, %get3A_144] {strides = array<i32>} : memref<250x80xi32, #tpu.memory_space<vmem>>, vector<16xi32>,
        %sub3A_146 = vector.broadcast %mul3A_10 : i32 to vector<16xi32>
        %sub3A_147 = arith.subi %get3A_142, %sub3A_146 : vector<16xi32>
        %ge3A_148 = arith.constant 0 : i32
        %ge3A_149 = vector.broadcast %ge3A_148 : i32 to vector<16xi32>
        %ge3A_150 = arith.cmpi sge, %sub3A_147, %ge3A_149 : vector<16xi32>
        %lt3A_151 = arith.constant 1280 : i32
        %lt3A_152 = vector.broadcast %lt3A_151 : i32 to vector<16xi32>
        %lt3A_153 = arith.cmpi slt, %sub3A_147, %lt3A_152 : vector<16xi32>
        %and3A_154 = arith.andi %ge3A_150, %lt3A_153 : vector<16xi1>
        %convert_element_type3A_155 = arith.extui %and3A_154 : vector<16xi1> to vector<16xi32>
        %broadcast_in_dim3A_156 = arith.constant true
        %broadcast_in_dim3A_157 = vector.broadcast %broadcast_in_dim3A_156 : i1 to vector<16xi1>
        %masked_cumsum3A_158 = tpu.scan <sum>, %convert_element_type3A_155 masked %broadcast_in_dim3A_157 : vector<16xi32>, vector<16xi1> -> vector<16xi32>
        %get3A_159 = arith.index_cast %scan3A_105 : i32 to index
        %get3A_160 = arith.constant 48 : index
        %get3A_161 = tpu.vector_load %arg8[%get3A_159, %get3A_160] {strides = array<i32>} : memref<250x80xi32, #tpu.memory_space<vmem>>, vector<16xi32>,
        %get3A_162 = arith.index_cast %scan3A_105 : i32 to index
        %get3A_163 = arith.constant 48 : index
        %get3A_164 = tpu.vector_load %arg7[%get3A_162, %get3A_163] {strides = array<i32>} : memref<250x80xi32, #tpu.memory_space<vmem>>, vector<16xi32>,
        %sub3A_165 = vector.broadcast %mul3A_10 : i32 to vector<16xi32>
        %sub3A_166 = arith.subi %get3A_161, %sub3A_165 : vector<16xi32>
        %ge3A_167 = arith.constant 0 : i32
        %ge3A_168 = vector.broadcast %ge3A_167 : i32 to vector<16xi32>
        %ge3A_169 = arith.cmpi sge, %sub3A_166, %ge3A_168 : vector<16xi32>
        %lt3A_170 = arith.constant 1280 : i32
        %lt3A_171 = vector.broadcast %lt3A_170 : i32 to vector<16xi32>
        %lt3A_172 = arith.cmpi slt, %sub3A_166, %lt3A_171 : vector<16xi32>
        %and3A_173 = arith.andi %ge3A_169, %lt3A_172 : vector<16xi1>
        %convert_element_type3A_174 = arith.extui %and3A_173 : vector<16xi1> to vector<16xi32>
        %broadcast_in_dim3A_175 = arith.constant true
        %broadcast_in_dim3A_176 = vector.broadcast %broadcast_in_dim3A_175 : i1 to vector<16xi1>
        %masked_cumsum3A_177 = tpu.scan <sum>, %convert_element_type3A_174 masked %broadcast_in_dim3A_176 : vector<16xi32>, vector<16xi1> -> vector<16xi32>
        %get3A_178 = arith.index_cast %scan3A_105 : i32 to index
        %get3A_179 = arith.constant 64 : index
        %get3A_180 = tpu.vector_load %arg8[%get3A_178, %get3A_179] {strides = array<i32>} : memref<250x80xi32, #tpu.memory_space<vmem>>, vector<16xi32>,
        %get3A_181 = arith.index_cast %scan3A_105 : i32 to index
        %get3A_182 = arith.constant 64 : index
        %get3A_183 = tpu.vector_load %arg7[%get3A_181, %get3A_182] {strides = array<i32>} : memref<250x80xi32, #tpu.memory_space<vmem>>, vector<16xi32>,
        %sub3A_184 = vector.broadcast %mul3A_10 : i32 to vector<16xi32>
        %sub3A_185 = arith.subi %get3A_180, %sub3A_184 : vector<16xi32>
        %ge3A_186 = arith.constant 0 : i32
        %ge3A_187 = vector.broadcast %ge3A_186 : i32 to vector<16xi32>
        %ge3A_188 = arith.cmpi sge, %sub3A_185, %ge3A_187 : vector<16xi32>
        %lt3A_189 = arith.constant 1280 : i32
        %lt3A_190 = vector.broadcast %lt3A_189 : i32 to vector<16xi32>
        %lt3A_191 = arith.cmpi slt, %sub3A_185, %lt3A_190 : vector<16xi32>
        %and3A_192 = arith.andi %ge3A_188, %lt3A_191 : vector<16xi1>
        %convert_element_type3A_193 = arith.extui %and3A_192 : vector<16xi1> to vector<16xi32>
        %broadcast_in_dim3A_194 = arith.constant true
        %broadcast_in_dim3A_195 = vector.broadcast %broadcast_in_dim3A_194 : i1 to vector<16xi1>
        %masked_cumsum3A_196 = tpu.scan <sum>, %convert_element_type3A_193 masked %broadcast_in_dim3A_195 : vector<16xi32>, vector<16xi1> -> vector<16xi32>
        %add3A_197 = vector.broadcast %scan3A_106 : i32 to vector<16xi32>
        %add3A_198 = arith.addi %add3A_197, %masked_cumsum3A : vector<16xi32>
        %sub3A_199 = arith.subi %add3A_198, %convert_element_type3A : vector<16xi32>
        tpu.vector_store_idx %arg10[%sub3A_199], %sub3A_113 masked %and3A_118 : memref<20192xi32, #tpu.memory_space<vmem>>[vector<16xi32>], vector<16xi32>, vector<16xi1>
        tpu.vector_store_idx %arg9[%sub3A_199], %get3A_111 masked %and3A_118 : memref<20192xi32, #tpu.memory_space<vmem>>[vector<16xi32>], vector<16xi32>, vector<16xi1>
        %reduce_sum3A = arith.constant true
        %reduce_sum3A_200 = vector.broadcast %reduce_sum3A : i1 to vector<16xi1>
        %reduce_sum3A_201 = tpu.scan <sum>, %convert_element_type3A masked %reduce_sum3A_200 : vector<16xi32>, vector<16xi1> -> vector<16xi32>
        %reduce_sum3A_202 = vector.extract %reduce_sum3A_201[15] : i32 from vector<16xi32>
        %add3A_203 = arith.addi %scan3A_106, %reduce_sum3A_202 : i32
        %add3A_204 = vector.broadcast %add3A_203 : i32 to vector<16xi32>
        %add3A_205 = arith.addi %add3A_204, %masked_cumsum3A_139 : vector<16xi32>
        %sub3A_206 = arith.subi %add3A_205, %convert_element_type3A_136 : vector<16xi32>
        tpu.vector_store_idx %arg10[%sub3A_206], %sub3A_128 masked %and3A_135 : memref<20192xi32, #tpu.memory_space<vmem>>[vector<16xi32>], vector<16xi32>, vector<16xi1>
        tpu.vector_store_idx %arg9[%sub3A_206], %get3A_126 masked %and3A_135 : memref<20192xi32, #tpu.memory_space<vmem>>[vector<16xi32>], vector<16xi32>, vector<16xi1>
        %reduce_sum3A_207 = arith.constant true
        %reduce_sum3A_208 = vector.broadcast %reduce_sum3A_207 : i1 to vector<16xi1>
        %reduce_sum3A_209 = tpu.scan <sum>, %convert_element_type3A_136 masked %reduce_sum3A_208 : vector<16xi32>, vector<16xi1> -> vector<16xi32>
        %reduce_sum3A_210 = vector.extract %reduce_sum3A_209[15] : i32 from vector<16xi32>
        %add3A_211 = arith.addi %add3A_203, %reduce_sum3A_210 : i32
        %add3A_212 = vector.broadcast %add3A_211 : i32 to vector<16xi32>
        %add3A_213 = arith.addi %add3A_212, %masked_cumsum3A_158 : vector<16xi32>
        %sub3A_214 = arith.subi %add3A_213, %convert_element_type3A_155 : vector<16xi32>
        tpu.vector_store_idx %arg10[%sub3A_214], %sub3A_147 masked %and3A_154 : memref<20192xi32, #tpu.memory_space<vmem>>[vector<16xi32>], vector<16xi32>, vector<16xi1>
        tpu.vector_store_idx %arg9[%sub3A_214], %get3A_145 masked %and3A_154 : memref<20192xi32, #tpu.memory_space<vmem>>[vector<16xi32>], vector<16xi32>, vector<16xi1>
        %reduce_sum3A_215 = arith.constant true
        %reduce_sum3A_216 = vector.broadcast %reduce_sum3A_215 : i1 to vector<16xi1>
        %reduce_sum3A_217 = tpu.scan <sum>, %convert_element_type3A_155 masked %reduce_sum3A_216 : vector<16xi32>, vector<16xi1> -> vector<16xi32>
        %reduce_sum3A_218 = vector.extract %reduce_sum3A_217[15] : i32 from vector<16xi32>
        %add3A_219 = arith.addi %add3A_211, %reduce_sum3A_218 : i32
        %add3A_220 = vector.broadcast %add3A_219 : i32 to vector<16xi32>
        %add3A_221 = arith.addi %add3A_220, %masked_cumsum3A_177 : vector<16xi32>
        %sub3A_222 = arith.subi %add3A_221, %convert_element_type3A_174 : vector<16xi32>
        tpu.vector_store_idx %arg10[%sub3A_222], %sub3A_166 masked %and3A_173 : memref<20192xi32, #tpu.memory_space<vmem>>[vector<16xi32>], vector<16xi32>, vector<16xi1>
        tpu.vector_store_idx %arg9[%sub3A_222], %get3A_164 masked %and3A_173 : memref<20192xi32, #tpu.memory_space<vmem>>[vector<16xi32>], vector<16xi32>, vector<16xi1>
        %reduce_sum3A_223 = arith.constant true
        %reduce_sum3A_224 = vector.broadcast %reduce_sum3A_223 : i1 to vector<16xi1>
        %reduce_sum3A_225 = tpu.scan <sum>, %convert_element_type3A_174 masked %reduce_sum3A_224 : vector<16xi32>, vector<16xi1> -> vector<16xi32>
        %reduce_sum3A_226 = vector.extract %reduce_sum3A_225[15] : i32 from vector<16xi32>
        %add3A_227 = arith.addi %add3A_219, %reduce_sum3A_226 : i32
        %add3A_228 = vector.broadcast %add3A_227 : i32 to vector<16xi32>
        %add3A_229 = arith.addi %add3A_228, %masked_cumsum3A_196 : vector<16xi32>
        %sub3A_230 = arith.subi %add3A_229, %convert_element_type3A_193 : vector<16xi32>
        tpu.vector_store_idx %arg10[%sub3A_230], %sub3A_185 masked %and3A_192 : memref<20192xi32, #tpu.memory_space<vmem>>[vector<16xi32>], vector<16xi32>, vector<16xi1>
        tpu.vector_store_idx %arg9[%sub3A_230], %get3A_183 masked %and3A_192 : memref<20192xi32, #tpu.memory_space<vmem>>[vector<16xi32>], vector<16xi32>, vector<16xi1>
        %reduce_sum3A_231 = arith.constant true
        %reduce_sum3A_232 = vector.broadcast %reduce_sum3A_231 : i1 to vector<16xi1>
        %reduce_sum3A_233 = tpu.scan <sum>, %convert_element_type3A_193 masked %reduce_sum3A_232 : vector<16xi32>, vector<16xi1> -> vector<16xi32>
        %reduce_sum3A_234 = vector.extract %reduce_sum3A_233[15] : i32 from vector<16xi32>
        %add3A_235 = arith.addi %add3A_227, %reduce_sum3A_234 : i32
        scf.yield %add3A_235 : i32
      }
      %scan3A_17 = arith.constant 250 : i32
      %broadcast_in_dim3A = arith.constant 1280 : i32
      %broadcast_in_dim3A_18 = vector.broadcast %broadcast_in_dim3A : i32 to vector<16xi32>
      %mul3A_19 = arith.constant 10240 : i32
      %mul3A_20 = arith.muli %arg0, %mul3A_19 : i32
      %broadcast_in_dim3A_21 = vector.broadcast %mul3A_20 : i32 to vector<16xi32>
      %add3A = arith.constant 0 : i32
      %add3A_22 = arith.addi %scan3A_16, %add3A : i32
      %swap3A = arith.index_cast %add3A_22 : i32 to index
      %swap3A_23 = tpu.vector_load %arg10[%swap3A] {strides = array<i32>} : memref<20192xi32, #tpu.memory_space<vmem>>, vector<16xi32>,
      tpu.vector_store %arg10[%swap3A], %broadcast_in_dim3A_18 {strides = array<i32>} : memref<20192xi32, #tpu.memory_space<vmem>>, vector<16xi32>,
      %add3A_24 = arith.constant 0 : i32
      %add3A_25 = arith.addi %scan3A_16, %add3A_24 : i32
      %swap3A_26 = arith.index_cast %add3A_25 : i32 to index
      %swap3A_27 = tpu.vector_load %arg9[%swap3A_26] {strides = array<i32>} : memref<20192xi32, #tpu.memory_space<vmem>>, vector<16xi32>,
      tpu.vector_store %arg9[%swap3A_26], %broadcast_in_dim3A_21 {strides = array<i32>} : memref<20192xi32, #tpu.memory_space<vmem>>, vector<16xi32>,
      %add3A_28 = arith.constant 16 : i32
      %add3A_29 = arith.addi %scan3A_16, %add3A_28 : i32
      %swap3A_30 = arith.index_cast %add3A_29 : i32 to index
      %swap3A_31 = tpu.vector_load %arg10[%swap3A_30] {strides = array<i32>} : memref<20192xi32, #tpu.memory_space<vmem>>, vector<16xi32>,
      tpu.vector_store %arg10[%swap3A_30], %broadcast_in_dim3A_18 {strides = array<i32>} : memref<20192xi32, #tpu.memory_space<vmem>>, vector<16xi32>,
      %add3A_32 = arith.constant 16 : i32
      %add3A_33 = arith.addi %scan3A_16, %add3A_32 : i32
      %swap3A_34 = arith.index_cast %add3A_33 : i32 to index
      %swap3A_35 = tpu.vector_load %arg9[%swap3A_34] {strides = array<i32>} : memref<20192xi32, #tpu.memory_space<vmem>>, vector<16xi32>,
      tpu.vector_store %arg9[%swap3A_34], %broadcast_in_dim3A_21 {strides = array<i32>} : memref<20192xi32, #tpu.memory_space<vmem>>, vector<16xi32>,
      %add3A_36 = arith.constant 32 : i32
      %add3A_37 = arith.addi %scan3A_16, %add3A_36 : i32
      %swap3A_38 = arith.index_cast %add3A_37 : i32 to index
      %swap3A_39 = tpu.vector_load %arg10[%swap3A_38] {strides = array<i32>} : memref<20192xi32, #tpu.memory_space<vmem>>, vector<16xi32>,
      tpu.vector_store %arg10[%swap3A_38], %broadcast_in_dim3A_18 {strides = array<i32>} : memref<20192xi32, #tpu.memory_space<vmem>>, vector<16xi32>,
      %add3A_40 = arith.constant 32 : i32
      %add3A_41 = arith.addi %scan3A_16, %add3A_40 : i32
      %swap3A_42 = arith.index_cast %add3A_41 : i32 to index
      %swap3A_43 = tpu.vector_load %arg9[%swap3A_42] {strides = array<i32>} : memref<20192xi32, #tpu.memory_space<vmem>>, vector<16xi32>,
      tpu.vector_store %arg9[%swap3A_42], %broadcast_in_dim3A_21 {strides = array<i32>} : memref<20192xi32, #tpu.memory_space<vmem>>, vector<16xi32>,
      %add3A_44 = arith.constant 48 : i32
      %add3A_45 = arith.addi %scan3A_16, %add3A_44 : i32
      %swap3A_46 = arith.index_cast %add3A_45 : i32 to index
      %swap3A_47 = tpu.vector_load %arg10[%swap3A_46] {strides = array<i32>} : memref<20192xi32, #tpu.memory_space<vmem>>, vector<16xi32>,
      tpu.vector_store %arg10[%swap3A_46], %broadcast_in_dim3A_18 {strides = array<i32>} : memref<20192xi32, #tpu.memory_space<vmem>>, vector<16xi32>,
      %add3A_48 = arith.constant 48 : i32
      %add3A_49 = arith.addi %scan3A_16, %add3A_48 : i32
      %swap3A_50 = arith.index_cast %add3A_49 : i32 to index
      %swap3A_51 = tpu.vector_load %arg9[%swap3A_50] {strides = array<i32>} : memref<20192xi32, #tpu.memory_space<vmem>>, vector<16xi32>,
      tpu.vector_store %arg9[%swap3A_50], %broadcast_in_dim3A_21 {strides = array<i32>} : memref<20192xi32, #tpu.memory_space<vmem>>, vector<16xi32>,
      %add3A_52 = arith.constant 64 : i32
      %add3A_53 = arith.addi %scan3A_16, %add3A_52 : i32
      %swap3A_54 = arith.index_cast %add3A_53 : i32 to index
      %swap3A_55 = tpu.vector_load %arg10[%swap3A_54] {strides = array<i32>} : memref<20192xi32, #tpu.memory_space<vmem>>, vector<16xi32>,
      tpu.vector_store %arg10[%swap3A_54], %broadcast_in_dim3A_18 {strides = array<i32>} : memref<20192xi32, #tpu.memory_space<vmem>>, vector<16xi32>,
      %add3A_56 = arith.constant 64 : i32
      %add3A_57 = arith.addi %scan3A_16, %add3A_56 : i32
      %swap3A_58 = arith.index_cast %add3A_57 : i32 to index
      %swap3A_59 = tpu.vector_load %arg9[%swap3A_58] {strides = array<i32>} : memref<20192xi32, #tpu.memory_space<vmem>>, vector<16xi32>,
      tpu.vector_store %arg9[%swap3A_58], %broadcast_in_dim3A_21 {strides = array<i32>} : memref<20192xi32, #tpu.memory_space<vmem>>, vector<16xi32>,
      %add3A_60 = arith.constant 80 : i32
      %add3A_61 = arith.addi %scan3A_16, %add3A_60 : i32
      %swap3A_62 = arith.index_cast %add3A_61 : i32 to index
      %swap3A_63 = tpu.vector_load %arg10[%swap3A_62] {strides = array<i32>} : memref<20192xi32, #tpu.memory_space<vmem>>, vector<16xi32>,
      tpu.vector_store %arg10[%swap3A_62], %broadcast_in_dim3A_18 {strides = array<i32>} : memref<20192xi32, #tpu.memory_space<vmem>>, vector<16xi32>,
      %add3A_64 = arith.constant 80 : i32
      %add3A_65 = arith.addi %scan3A_16, %add3A_64 : i32
      %swap3A_66 = arith.index_cast %add3A_65 : i32 to index
      %swap3A_67 = tpu.vector_load %arg9[%swap3A_66] {strides = array<i32>} : memref<20192xi32, #tpu.memory_space<vmem>>, vector<16xi32>,
      tpu.vector_store %arg9[%swap3A_66], %broadcast_in_dim3A_21 {strides = array<i32>} : memref<20192xi32, #tpu.memory_space<vmem>>, vector<16xi32>,
      %add3A_68 = arith.constant 96 : i32
      %add3A_69 = arith.addi %scan3A_16, %add3A_68 : i32
      %sub3A = arith.constant 1 : i32
      %sub3A_70 = arith.subi %add3A_69, %sub3A : i32
      %jit3A = arith.constant 96 : i32
      %div3A = arith.divsi %sub3A_70, %jit3A : i32
      %sign3A = arith.constant 0 : i32
      %sign3A_71 = arith.cmpi sgt, %sub3A_70, %sign3A : i32
      %sign3A_72 = arith.extui %sign3A_71 : i1 to i32
      %sign3A_73 = arith.constant 0 : i32
      %sign3A_74 = arith.cmpi slt, %sub3A_70, %sign3A_73 : i32
      %sign3A_75 = arith.extui %sign3A_74 : i1 to i32
      %sign3A_76 = arith.subi %sign3A_72, %sign3A_75 : i32
      %sign3A_77 = arith.constant 0 : i32
      %sign3A_78 = arith.cmpi sgt, %jit3A, %sign3A_77 : i32
      %sign3A_79 = arith.extui %sign3A_78 : i1 to i32
      %sign3A_80 = arith.constant 0 : i32
      %sign3A_81 = arith.cmpi slt, %jit3A, %sign3A_80 : i32
      %sign3A_82 = arith.extui %sign3A_81 : i1 to i32
      %sign3A_83 = arith.subi %sign3A_79, %sign3A_82 : i32
      %ne3A = arith.cmpi ne, %sign3A_76, %sign3A_83 : i32
      %rem3A = arith.remsi %sub3A_70, %jit3A : i32
      %ne3A_84 = arith.constant 0 : i32
      %ne3A_85 = arith.cmpi ne, %rem3A, %ne3A_84 : i32
      %and3A = arith.andi %ne3A, %ne3A_85 : i1
      %sub3A_86 = arith.constant 1 : i32
      %sub3A_87 = arith.subi %div3A, %sub3A_86 : i32
      %select_n3A = arith.select %and3A, %sub3A_87, %div3A : i32
      %while3A = arith.constant 0 : i32
      %while3A_88 = arith.constant 0 : i32
      %while3A_89 = arith.subi %select_n3A, %while3A_88 : i32
      %while3A_90 = arith.addi %while3A_88, %while3A_89 : i32
      %while3A_91 = arith.constant 1 : i32
      %while3A_92 = arith.divsi %while3A_89, %while3A_91 : i32
      %while3A_93 = arith.muli %while3A_92, %while3A_91 : i32
      %while3A_94 = arith.addi %while3A_88, %while3A_93 : i32
      %while3A_95 = arith.constant 1 : i32
      scf.for %while3A_105 = %while3A_88 to %while3A_94 step %while3A_95  : i32 {
        %mul3A_106 = arith.constant 96 : i32
        %mul3A_107 = arith.muli %while3A_105, %mul3A_106 : i32
        %add3A_108 = arith.constant 0 : i32
        %add3A_109 = arith.addi %mul3A_107, %add3A_108 : i32
        %get3A = arith.index_cast %add3A_109 : i32 to index
        %get3A_110 = tpu.vector_load %arg10[%get3A] {strides = array<i32>} : memref<20192xi32, #tpu.memory_space<vmem>>, vector<16xi32>,
        %swap3A_111 = arith.constant 0 : i32
        %swap3A_112 = arith.index_cast %swap3A_111 : i32 to index
        %swap3A_113 = arith.constant 0 : index
        %swap3A_114 = tpu.vector_load %arg11[%swap3A_112, %swap3A_113] {strides = array<i32>} : memref<1x96xi32, #tpu.memory_space<vmem>>, vector<16xi32>,
        tpu.vector_store %arg11[%swap3A_112, %swap3A_113], %get3A_110 {strides = array<i32>} : memref<1x96xi32, #tpu.memory_space<vmem>>, vector<16xi32>,
        %mul3A_115 = arith.constant 96 : i32
        %mul3A_116 = arith.muli %while3A_105, %mul3A_115 : i32
        %add3A_117 = arith.constant 16 : i32
        %add3A_118 = arith.addi %mul3A_116, %add3A_117 : i32
        %get3A_119 = arith.index_cast %add3A_118 : i32 to index
        %get3A_120 = tpu.vector_load %arg10[%get3A_119] {strides = array<i32>} : memref<20192xi32, #tpu.memory_space<vmem>>, vector<16xi32>,
        %swap3A_121 = arith.constant 0 : i32
        %swap3A_122 = arith.index_cast %swap3A_121 : i32 to index
        %swap3A_123 = arith.constant 16 : index
        %swap3A_124 = tpu.vector_load %arg11[%swap3A_122, %swap3A_123] {strides = array<i32>} : memref<1x96xi32, #tpu.memory_space<vmem>>, vector<16xi32>,
        tpu.vector_store %arg11[%swap3A_122, %swap3A_123], %get3A_120 {strides = array<i32>} : memref<1x96xi32, #tpu.memory_space<vmem>>, vector<16xi32>,
        %mul3A_125 = arith.constant 96 : i32
        %mul3A_126 = arith.muli %while3A_105, %mul3A_125 : i32
        %add3A_127 = arith.constant 32 : i32
        %add3A_128 = arith.addi %mul3A_126, %add3A_127 : i32
        %get3A_129 = arith.index_cast %add3A_128 : i32 to index
        %get3A_130 = tpu.vector_load %arg10[%get3A_129] {strides = array<i32>} : memref<20192xi32, #tpu.memory_space<vmem>>, vector<16xi32>,
        %swap3A_131 = arith.constant 0 : i32
        %swap3A_132 = arith.index_cast %swap3A_131 : i32 to index
        %swap3A_133 = arith.constant 32 : index
        %swap3A_134 = tpu.vector_load %arg11[%swap3A_132, %swap3A_133] {strides = array<i32>} : memref<1x96xi32, #tpu.memory_space<vmem>>, vector<16xi32>,
        tpu.vector_store %arg11[%swap3A_132, %swap3A_133], %get3A_130 {strides = array<i32>} : memref<1x96xi32, #tpu.memory_space<vmem>>, vector<16xi32>,
        %mul3A_135 = arith.constant 96 : i32
        %mul3A_136 = arith.muli %while3A_105, %mul3A_135 : i32
        %add3A_137 = arith.constant 48 : i32
        %add3A_138 = arith.addi %mul3A_136, %add3A_137 : i32
        %get3A_139 = arith.index_cast %add3A_138 : i32 to index
        %get3A_140 = tpu.vector_load %arg10[%get3A_139] {strides = array<i32>} : memref<20192xi32, #tpu.memory_space<vmem>>, vector<16xi32>,
        %swap3A_141 = arith.constant 0 : i32
        %swap3A_142 = arith.index_cast %swap3A_141 : i32 to index
        %swap3A_143 = arith.constant 48 : index
        %swap3A_144 = tpu.vector_load %arg11[%swap3A_142, %swap3A_143] {strides = array<i32>} : memref<1x96xi32, #tpu.memory_space<vmem>>, vector<16xi32>,
        tpu.vector_store %arg11[%swap3A_142, %swap3A_143], %get3A_140 {strides = array<i32>} : memref<1x96xi32, #tpu.memory_space<vmem>>, vector<16xi32>,
        %mul3A_145 = arith.constant 96 : i32
        %mul3A_146 = arith.muli %while3A_105, %mul3A_145 : i32
        %add3A_147 = arith.constant 64 : i32
        %add3A_148 = arith.addi %mul3A_146, %add3A_147 : i32
        %get3A_149 = arith.index_cast %add3A_148 : i32 to index
        %get3A_150 = tpu.vector_load %arg10[%get3A_149] {strides = array<i32>} : memref<20192xi32, #tpu.memory_space<vmem>>, vector<16xi32>,
        %swap3A_151 = arith.constant 0 : i32
        %swap3A_152 = arith.index_cast %swap3A_151 : i32 to index
        %swap3A_153 = arith.constant 64 : index
        %swap3A_154 = tpu.vector_load %arg11[%swap3A_152, %swap3A_153] {strides = array<i32>} : memref<1x96xi32, #tpu.memory_space<vmem>>, vector<16xi32>,
        tpu.vector_store %arg11[%swap3A_152, %swap3A_153], %get3A_150 {strides = array<i32>} : memref<1x96xi32, #tpu.memory_space<vmem>>, vector<16xi32>,
        %mul3A_155 = arith.constant 96 : i32
        %mul3A_156 = arith.muli %while3A_105, %mul3A_155 : i32
        %add3A_157 = arith.constant 80 : i32
        %add3A_158 = arith.addi %mul3A_156, %add3A_157 : i32
        %get3A_159 = arith.index_cast %add3A_158 : i32 to index
        %get3A_160 = tpu.vector_load %arg10[%get3A_159] {strides = array<i32>} : memref<20192xi32, #tpu.memory_space<vmem>>, vector<16xi32>,
        %swap3A_161 = arith.constant 0 : i32
        %swap3A_162 = arith.index_cast %swap3A_161 : i32 to index
        %swap3A_163 = arith.constant 80 : index
        %swap3A_164 = tpu.vector_load %arg11[%swap3A_162, %swap3A_163] {strides = array<i32>} : memref<1x96xi32, #tpu.memory_space<vmem>>, vector<16xi32>,
        tpu.vector_store %arg11[%swap3A_162, %swap3A_163], %get3A_160 {strides = array<i32>} : memref<1x96xi32, #tpu.memory_space<vmem>>, vector<16xi32>,
        %mul3A_165 = arith.constant 96 : i32
        %mul3A_166 = arith.muli %while3A_105, %mul3A_165 : i32
        %dma_start3A = tpu.memref_slice %arg9[%mul3A_166] : memref<20192xi32, #tpu.memory_space<vmem>> -> memref<96xi32, #tpu.memory_space<vmem>>
        %dma_start3A_167 = arith.constant 0 : i32
        %dma_start3A_168 = arith.constant 0 : i32
        %dma_start3A_169 = tpu.memref_slice %arg2[%dma_start3A_167, %dma_start3A_168] : memref<20480x128xf32, #tpu.memory_space<hbm>> -> memref<20480x128xf32, #tpu.memory_space<hbm>>
        tpu.enqueue_indirect_dma source(%dma_start3A_169 : memref<20480x128xf32, #tpu.memory_space<hbm>>) target(%arg12 : memref<96x128xf32, #tpu.memory_space<vmem>>) offsets(%dma_start3A : memref<96xi32, #tpu.memory_space<vmem>>) semaphore(%arg14 : memref<!tpu.dma_semaphore, #tpu.memory_space<semaphore_mem>>)
        %dma_wait3A = tpu.memref_slice %arg9[%mul3A_166] : memref<20192xi32, #tpu.memory_space<vmem>> -> memref<96xi32, #tpu.memory_space<vmem>>
        %dma_wait3A_170 = arith.constant 0 : i32
        %dma_wait3A_171 = arith.constant 0 : i32
        %dma_wait3A_172 = tpu.memref_slice %arg2[%dma_wait3A_170, %dma_wait3A_171] : memref<20480x128xf32, #tpu.memory_space<hbm>> -> memref<20480x128xf32, #tpu.memory_space<hbm>>
        tpu.wait_indirect_dma semaphore(%arg14 : memref<!tpu.dma_semaphore, #tpu.memory_space<semaphore_mem>>) src(%dma_wait3A_172 : memref<20480x128xf32, #tpu.memory_space<hbm>>) dst(%arg12 : memref<96x128xf32, #tpu.memory_space<vmem>>)
        %run_scoped3A = arith.constant 0 : i32
        "tpu.region"() ({
          %run_scoped3A_173 = tpu.sem_alloc : memref<!tpu.dma_semaphore, #tpu.memory_space<semaphore_mem>>
          %dma_start3A_174 = arith.constant 0 : i32
          %dma_start3A_175 = tpu.memref_slice %arg11[%run_scoped3A, %dma_start3A_174] : memref<1x96xi32, #tpu.memory_space<vmem>> -> memref<1x96xi32, #tpu.memory_space<vmem>>
          %dma_start3A_176 = tpu.memref_squeeze %dma_start3A_175 : memref<1x96xi32, #tpu.memory_space<vmem>> -> memref<96xi32, #tpu.memory_space<vmem>>
          %dma_start3A_177 = arith.constant 0 : i32
          %dma_start3A_178 = arith.constant 0 : i32
          %dma_start3A_179 = tpu.memref_slice %arg13[%dma_start3A_177, %dma_start3A_178] : memref<1408x128xf32, #tpu.memory_space<vmem_shared>> -> memref<1408x128xf32, #tpu.memory_space<vmem_shared>>
          tpu.enqueue_indirect_dma source(%arg12 : memref<96x128xf32, #tpu.memory_space<vmem>>) target(%dma_start3A_179 : memref<1408x128xf32, #tpu.memory_space<vmem_shared>>) offsets(%dma_start3A_176 : memref<96xi32, #tpu.memory_space<vmem>>) semaphore(%run_scoped3A_173 : memref<!tpu.dma_semaphore, #tpu.memory_space<semaphore_mem>>) {add = true}
          %dma_wait3A_180 = arith.constant 0 : i32
          %dma_wait3A_181 = tpu.memref_slice %arg11[%run_scoped3A, %dma_wait3A_180] : memref<1x96xi32, #tpu.memory_space<vmem>> -> memref<1x96xi32, #tpu.memory_space<vmem>>
          %dma_wait3A_182 = tpu.memref_squeeze %dma_wait3A_181 : memref<1x96xi32, #tpu.memory_space<vmem>> -> memref<96xi32, #tpu.memory_space<vmem>>
          %dma_wait3A_183 = arith.constant 0 : i32
          %dma_wait3A_184 = arith.constant 0 : i32
          %dma_wait3A_185 = tpu.memref_slice %arg13[%dma_wait3A_183, %dma_wait3A_184] : memref<1408x128xf32, #tpu.memory_space<vmem_shared>> -> memref<1408x128xf32, #tpu.memory_space<vmem_shared>>
          tpu.wait_indirect_dma semaphore(%run_scoped3A_173 : memref<!tpu.dma_semaphore, #tpu.memory_space<semaphore_mem>>) src(%arg12 : memref<96x128xf32, #tpu.memory_space<vmem>>) dst(%dma_wait3A_185 : memref<1408x128xf32, #tpu.memory_space<vmem_shared>>)
          tpu.yield
        }) : () -> ()
      }
      %while3A_96 = arith.constant 1 : i32
      scf.for %while3A_105 = %while3A_94 to %while3A_90 step %while3A_96  : i32 {
        %mul3A_106 = arith.constant 96 : i32
        %mul3A_107 = arith.muli %while3A_105, %mul3A_106 : i32
        %add3A_108 = arith.constant 0 : i32
        %add3A_109 = arith.addi %mul3A_107, %add3A_108 : i32
        %get3A = arith.index_cast %add3A_109 : i32 to index
        %get3A_110 = tpu.vector_load %arg10[%get3A] {strides = array<i32>} : memref<20192xi32, #tpu.memory_space<vmem>>, vector<16xi32>,
        %swap3A_111 = arith.constant 0 : i32
        %swap3A_112 = arith.index_cast %swap3A_111 : i32 to index
        %swap3A_113 = arith.constant 0 : index
        %swap3A_114 = tpu.vector_load %arg11[%swap3A_112, %swap3A_113] {strides = array<i32>} : memref<1x96xi32, #tpu.memory_space<vmem>>, vector<16xi32>,
        tpu.vector_store %arg11[%swap3A_112, %swap3A_113], %get3A_110 {strides = array<i32>} : memref<1x96xi32, #tpu.memory_space<vmem>>, vector<16xi32>,
        %mul3A_115 = arith.constant 96 : i32
        %mul3A_116 = arith.muli %while3A_105, %mul3A_115 : i32
        %add3A_117 = arith.constant 16 : i32
        %add3A_118 = arith.addi %mul3A_116, %add3A_117 : i32
        %get3A_119 = arith.index_cast %add3A_118 : i32 to index
        %get3A_120 = tpu.vector_load %arg10[%get3A_119] {strides = array<i32>} : memref<20192xi32, #tpu.memory_space<vmem>>, vector<16xi32>,
        %swap3A_121 = arith.constant 0 : i32
        %swap3A_122 = arith.index_cast %swap3A_121 : i32 to index
        %swap3A_123 = arith.constant 16 : index
        %swap3A_124 = tpu.vector_load %arg11[%swap3A_122, %swap3A_123] {strides = array<i32>} : memref<1x96xi32, #tpu.memory_space<vmem>>, vector<16xi32>,
        tpu.vector_store %arg11[%swap3A_122, %swap3A_123], %get3A_120 {strides = array<i32>} : memref<1x96xi32, #tpu.memory_space<vmem>>, vector<16xi32>,
        %mul3A_125 = arith.constant 96 : i32
        %mul3A_126 = arith.muli %while3A_105, %mul3A_125 : i32
        %add3A_127 = arith.constant 32 : i32
        %add3A_128 = arith.addi %mul3A_126, %add3A_127 : i32
        %get3A_129 = arith.index_cast %add3A_128 : i32 to index
        %get3A_130 = tpu.vector_load %arg10[%get3A_129] {strides = array<i32>} : memref<20192xi32, #tpu.memory_space<vmem>>, vector<16xi32>,
        %swap3A_131 = arith.constant 0 : i32
        %swap3A_132 = arith.index_cast %swap3A_131 : i32 to index
        %swap3A_133 = arith.constant 32 : index
        %swap3A_134 = tpu.vector_load %arg11[%swap3A_132, %swap3A_133] {strides = array<i32>} : memref<1x96xi32, #tpu.memory_space<vmem>>, vector<16xi32>,
        tpu.vector_store %arg11[%swap3A_132, %swap3A_133], %get3A_130 {strides = array<i32>} : memref<1x96xi32, #tpu.memory_space<vmem>>, vector<16xi32>,
        %mul3A_135 = arith.constant 96 : i32
        %mul3A_136 = arith.muli %while3A_105, %mul3A_135 : i32
        %add3A_137 = arith.constant 48 : i32
        %add3A_138 = arith.addi %mul3A_136, %add3A_137 : i32
        %get3A_139 = arith.index_cast %add3A_138 : i32 to index
        %get3A_140 = tpu.vector_load %arg10[%get3A_139] {strides = array<i32>} : memref<20192xi32, #tpu.memory_space<vmem>>, vector<16xi32>,
        %swap3A_141 = arith.constant 0 : i32
        %swap3A_142 = arith.index_cast %swap3A_141 : i32 to index
        %swap3A_143 = arith.constant 48 : index
        %swap3A_144 = tpu.vector_load %arg11[%swap3A_142, %swap3A_143] {strides = array<i32>} : memref<1x96xi32, #tpu.memory_space<vmem>>, vector<16xi32>,
        tpu.vector_store %arg11[%swap3A_142, %swap3A_143], %get3A_140 {strides = array<i32>} : memref<1x96xi32, #tpu.memory_space<vmem>>, vector<16xi32>,
        %mul3A_145 = arith.constant 96 : i32
        %mul3A_146 = arith.muli %while3A_105, %mul3A_145 : i32
        %add3A_147 = arith.constant 64 : i32
        %add3A_148 = arith.addi %mul3A_146, %add3A_147 : i32
        %get3A_149 = arith.index_cast %add3A_148 : i32 to index
        %get3A_150 = tpu.vector_load %arg10[%get3A_149] {strides = array<i32>} : memref<20192xi32, #tpu.memory_space<vmem>>, vector<16xi32>,
        %swap3A_151 = arith.constant 0 : i32
        %swap3A_152 = arith.index_cast %swap3A_151 : i32 to index
        %swap3A_153 = arith.constant 64 : index
        %swap3A_154 = tpu.vector_load %arg11[%swap3A_152, %swap3A_153] {strides = array<i32>} : memref<1x96xi32, #tpu.memory_space<vmem>>, vector<16xi32>,
        tpu.vector_store %arg11[%swap3A_152, %swap3A_153], %get3A_150 {strides = array<i32>} : memref<1x96xi32, #tpu.memory_space<vmem>>, vector<16xi32>,
        %mul3A_155 = arith.constant 96 : i32
        %mul3A_156 = arith.muli %while3A_105, %mul3A_155 : i32
        %add3A_157 = arith.constant 80 : i32
        %add3A_158 = arith.addi %mul3A_156, %add3A_157 : i32
        %get3A_159 = arith.index_cast %add3A_158 : i32 to index
        %get3A_160 = tpu.vector_load %arg10[%get3A_159] {strides = array<i32>} : memref<20192xi32, #tpu.memory_space<vmem>>, vector<16xi32>,
        %swap3A_161 = arith.constant 0 : i32
        %swap3A_162 = arith.index_cast %swap3A_161 : i32 to index
        %swap3A_163 = arith.constant 80 : index
        %swap3A_164 = tpu.vector_load %arg11[%swap3A_162, %swap3A_163] {strides = array<i32>} : memref<1x96xi32, #tpu.memory_space<vmem>>, vector<16xi32>,
        tpu.vector_store %arg11[%swap3A_162, %swap3A_163], %get3A_160 {strides = array<i32>} : memref<1x96xi32, #tpu.memory_space<vmem>>, vector<16xi32>,
        %mul3A_165 = arith.constant 96 : i32
        %mul3A_166 = arith.muli %while3A_105, %mul3A_165 : i32
        %dma_start3A = tpu.memref_slice %arg9[%mul3A_166] : memref<20192xi32, #tpu.memory_space<vmem>> -> memref<96xi32, #tpu.memory_space<vmem>>
        %dma_start3A_167 = arith.constant 0 : i32
        %dma_start3A_168 = arith.constant 0 : i32
        %dma_start3A_169 = tpu.memref_slice %arg2[%dma_start3A_167, %dma_start3A_168] : memref<20480x128xf32, #tpu.memory_space<hbm>> -> memref<20480x128xf32, #tpu.memory_space<hbm>>
        tpu.enqueue_indirect_dma source(%dma_start3A_169 : memref<20480x128xf32, #tpu.memory_space<hbm>>) target(%arg12 : memref<96x128xf32, #tpu.memory_space<vmem>>) offsets(%dma_start3A : memref<96xi32, #tpu.memory_space<vmem>>) semaphore(%arg14 : memref<!tpu.dma_semaphore, #tpu.memory_space<semaphore_mem>>)
        %dma_wait3A = tpu.memref_slice %arg9[%mul3A_166] : memref<20192xi32, #tpu.memory_space<vmem>> -> memref<96xi32, #tpu.memory_space<vmem>>
        %dma_wait3A_170 = arith.constant 0 : i32
        %dma_wait3A_171 = arith.constant 0 : i32
        %dma_wait3A_172 = tpu.memref_slice %arg2[%dma_wait3A_170, %dma_wait3A_171] : memref<20480x128xf32, #tpu.memory_space<hbm>> -> memref<20480x128xf32, #tpu.memory_space<hbm>>
        tpu.wait_indirect_dma semaphore(%arg14 : memref<!tpu.dma_semaphore, #tpu.memory_space<semaphore_mem>>) src(%dma_wait3A_172 : memref<20480x128xf32, #tpu.memory_space<hbm>>) dst(%arg12 : memref<96x128xf32, #tpu.memory_space<vmem>>)
        %run_scoped3A = arith.constant 0 : i32
        "tpu.region"() ({
          %run_scoped3A_173 = tpu.sem_alloc : memref<!tpu.dma_semaphore, #tpu.memory_space<semaphore_mem>>
          %dma_start3A_174 = arith.constant 0 : i32
          %dma_start3A_175 = tpu.memref_slice %arg11[%run_scoped3A, %dma_start3A_174] : memref<1x96xi32, #tpu.memory_space<vmem>> -> memref<1x96xi32, #tpu.memory_space<vmem>>
          %dma_start3A_176 = tpu.memref_squeeze %dma_start3A_175 : memref<1x96xi32, #tpu.memory_space<vmem>> -> memref<96xi32, #tpu.memory_space<vmem>>
          %dma_start3A_177 = arith.constant 0 : i32
          %dma_start3A_178 = arith.constant 0 : i32
          %dma_start3A_179 = tpu.memref_slice %arg13[%dma_start3A_177, %dma_start3A_178] : memref<1408x128xf32, #tpu.memory_space<vmem_shared>> -> memref<1408x128xf32, #tpu.memory_space<vmem_shared>>
          tpu.enqueue_indirect_dma source(%arg12 : memref<96x128xf32, #tpu.memory_space<vmem>>) target(%dma_start3A_179 : memref<1408x128xf32, #tpu.memory_space<vmem_shared>>) offsets(%dma_start3A_176 : memref<96xi32, #tpu.memory_space<vmem>>) semaphore(%run_scoped3A_173 : memref<!tpu.dma_semaphore, #tpu.memory_space<semaphore_mem>>) {add = true}
          %dma_wait3A_180 = arith.constant 0 : i32
          %dma_wait3A_181 = tpu.memref_slice %arg11[%run_scoped3A, %dma_wait3A_180] : memref<1x96xi32, #tpu.memory_space<vmem>> -> memref<1x96xi32, #tpu.memory_space<vmem>>
          %dma_wait3A_182 = tpu.memref_squeeze %dma_wait3A_181 : memref<1x96xi32, #tpu.memory_space<vmem>> -> memref<96xi32, #tpu.memory_space<vmem>>
          %dma_wait3A_183 = arith.constant 0 : i32
          %dma_wait3A_184 = arith.constant 0 : i32
          %dma_wait3A_185 = tpu.memref_slice %arg13[%dma_wait3A_183, %dma_wait3A_184] : memref<1408x128xf32, #tpu.memory_space<vmem_shared>> -> memref<1408x128xf32, #tpu.memory_space<vmem_shared>>
          tpu.wait_indirect_dma semaphore(%run_scoped3A_173 : memref<!tpu.dma_semaphore, #tpu.memory_space<semaphore_mem>>) src(%arg12 : memref<96x128xf32, #tpu.memory_space<vmem>>) dst(%dma_wait3A_185 : memref<1408x128xf32, #tpu.memory_space<vmem_shared>>)
          tpu.yield
        }) : () -> ()
      }
      %barrier3A_97 = arith.constant 0 : index
      tpu.barrier barrier_id(%barrier3A_97)
      %mul3A_98 = arith.constant 10240 : i32
      %mul3A_99 = arith.muli %arg0, %mul3A_98 : i32
      %mul3A_100 = arith.constant 1280 : i32
      %mul3A_101 = arith.muli %scan3A_8, %mul3A_100 : i32
      %add3A_102 = arith.addi %mul3A_99, %mul3A_101 : i32
      %add3A_103 = arith.addi %add3A_102, %mul3A_2 : i32
      "tpu.region"() ({
        %run_scoped3A = tpu.sem_alloc : memref<!tpu.dma_semaphore, #tpu.memory_space<semaphore_mem>>
        %dma_start3A = arith.constant 0 : i32
        %dma_start3A_105 = tpu.memref_slice %arg6[%add3A_103, %dma_start3A] : memref<20480x128xf32, #tpu.memory_space<hbm>> -> memref<80x128xf32, #tpu.memory_space<hbm>>
        %dma_start3A_106 = arith.constant 0 : i32
        %dma_start3A_107 = tpu.memref_slice %arg13[%mul3A_2, %dma_start3A_106] : memref<1408x128xf32, #tpu.memory_space<vmem_shared>> -> memref<80x128xf32, #tpu.memory_space<vmem_shared>>
        tpu.enqueue_dma source(%dma_start3A_107 : memref<80x128xf32, #tpu.memory_space<vmem_shared>>) target(%dma_start3A_105 : memref<80x128xf32, #tpu.memory_space<hbm>>) target_semaphore(%run_scoped3A : memref<!tpu.dma_semaphore, #tpu.memory_space<semaphore_mem>>)
        %dma_wait3A = arith.constant 0 : i32
        %dma_wait3A_108 = tpu.memref_slice %arg6[%add3A_103, %dma_wait3A] : memref<20480x128xf32, #tpu.memory_space<hbm>> -> memref<80x128xf32, #tpu.memory_space<hbm>>
        %dma_wait3A_109 = arith.constant 0 : i32
        %dma_wait3A_110 = tpu.memref_slice %arg13[%mul3A_2, %dma_wait3A_109] : memref<1408x128xf32, #tpu.memory_space<vmem_shared>> -> memref<80x128xf32, #tpu.memory_space<vmem_shared>>
        tpu.wait_dma2 semaphore(%run_scoped3A : memref<!tpu.dma_semaphore, #tpu.memory_space<semaphore_mem>>) src(%dma_wait3A_110 : memref<80x128xf32, #tpu.memory_space<vmem_shared>>) dst(%dma_wait3A_108 : memref<80x128xf32, #tpu.memory_space<hbm>>)
        tpu.yield
      }) : () -> ()
      "tpu.region"() ({
        %run_scoped3A = tpu.sem_alloc : memref<!tpu.dma_semaphore, #tpu.memory_space<semaphore_mem>>
        %dma_start3A = arith.constant 0 : i32
        %dma_start3A_105 = tpu.memref_slice %arg13[%mul3A_0, %dma_start3A] : memref<1408x128xf32, #tpu.memory_space<vmem_shared>> -> memref<88x128xf32, #tpu.memory_space<vmem_shared>>
        %dma_start3A_106 = arith.constant 0 : i32
        %dma_start3A_107 = tpu.memref_slice %arg5[%mul3A_0, %dma_start3A_106] : memref<1408x128xf32, #tpu.memory_space<hbm>> -> memref<88x128xf32, #tpu.memory_space<hbm>>
        tpu.enqueue_dma source(%dma_start3A_107 : memref<88x128xf32, #tpu.memory_space<hbm>>) target(%dma_start3A_105 : memref<88x128xf32, #tpu.memory_space<vmem_shared>>) target_semaphore(%run_scoped3A : memref<!tpu.dma_semaphore, #tpu.memory_space<semaphore_mem>>)
        %dma_wait3A = arith.constant 0 : i32
        %dma_wait3A_108 = tpu.memref_slice %arg13[%mul3A_0, %dma_wait3A] : memref<1408x128xf32, #tpu.memory_space<vmem_shared>> -> memref<88x128xf32, #tpu.memory_space<vmem_shared>>
        %dma_wait3A_109 = arith.constant 0 : i32
        %dma_wait3A_110 = tpu.memref_slice %arg5[%mul3A_0, %dma_wait3A_109] : memref<1408x128xf32, #tpu.memory_space<hbm>> -> memref<88x128xf32, #tpu.memory_space<hbm>>
        tpu.wait_dma2 semaphore(%run_scoped3A : memref<!tpu.dma_semaphore, #tpu.memory_space<semaphore_mem>>) src(%dma_wait3A_110 : memref<88x128xf32, #tpu.memory_space<hbm>>) dst(%dma_wait3A_108 : memref<88x128xf32, #tpu.memory_space<vmem_shared>>)
        tpu.yield
      }) : () -> ()
      %barrier3A_104 = arith.constant 0 : index
      tpu.barrier barrier_id(%barrier3A_104)
    }
    %scan3A_7 = arith.constant 8 : i32
    return
  }
}

#map = affine_map<(d0, d1) -> (0, 0)>
#map1 = affine_map<(d0, d1) -> (0, 0, 0, 0)>
#map2 = affine_map<(d0, d1) -> (0, 0, 0)>
module attributes {stable_mosaic.version = 14 : i64} {
  func.func @agg(%arg0: i32, %arg1: i32, %arg2: memref<20480x128xf32, #tpu.memory_space<hbm>>, %arg3: memref<2x16x250x80xi32, #tpu.memory_space<hbm>>, %arg4: memref<16x250x80xi32, #tpu.memory_space<hbm>>, %arg5: memref<1408x128xf32, #tpu.memory_space<hbm>>, %arg6: memref<96x128xf32, #tpu.memory_space<hbm>>, %arg7: memref<20480x128xf32, #tpu.memory_space<hbm>>, %arg8: memref<10240x128xf32, #tpu.memory_space<hbm>>, %arg9: memref<250x80xi32, #tpu.memory_space<vmem>>, %arg10: memref<250x80xi32, #tpu.memory_space<vmem>>, %arg11: memref<20192xi32, #tpu.memory_space<vmem>>, %arg12: memref<20192xi32, #tpu.memory_space<vmem>>, %arg13: memref<1x96xi32, #tpu.memory_space<vmem>>, %arg14: memref<96x128xf32, #tpu.memory_space<vmem>>, %arg15: memref<1408x128xf32, #tpu.memory_space<vmem_shared>>, %arg16: memref<!tpu.dma_semaphore, #tpu.memory_space<semaphore_mem>>) attributes {dimension_semantics = [#tpu.dimension_semantics<core_parallel>, #tpu.dimension_semantics<subcore_parallel>], iteration_bounds = array<i64: 2, 16>, scalar_prefetch = 0 : i64, scratch_operands = 8 : i64, tpu.core_type = #tpu.core_type<sc_vector_subcore>, window_params = [{transform_indices = #map}, {transform_indices = #map1}, {transform_indices = #map2}, {transform_indices = #map}, {transform_indices = #map}, {transform_indices = #map}, {transform_indices = #map}]} {
    %mul3A = arith.constant 88 : i32
    %mul3A_0 = arith.muli %arg1, %mul3A : i32
    %mul3A_1 = arith.constant 80 : i32
    %mul3A_2 = arith.muli %arg1, %mul3A_1 : i32
    "tpu.region"() ({
      %run_scoped3A = tpu.sem_alloc : memref<!tpu.dma_semaphore, #tpu.memory_space<semaphore_mem>>
      %dma_start3A = arith.constant 0 : i32
      %dma_start3A_8 = tpu.memref_slice %arg15[%mul3A_0, %dma_start3A] : memref<1408x128xf32, #tpu.memory_space<vmem_shared>> -> memref<88x128xf32, #tpu.memory_space<vmem_shared>>
      %dma_start3A_9 = arith.constant 0 : i32
      %dma_start3A_10 = tpu.memref_slice %arg5[%mul3A_0, %dma_start3A_9] : memref<1408x128xf32, #tpu.memory_space<hbm>> -> memref<88x128xf32, #tpu.memory_space<hbm>>
      tpu.enqueue_dma source(%dma_start3A_10 : memref<88x128xf32, #tpu.memory_space<hbm>>) target(%dma_start3A_8 : memref<88x128xf32, #tpu.memory_space<vmem_shared>>) target_semaphore(%run_scoped3A : memref<!tpu.dma_semaphore, #tpu.memory_space<semaphore_mem>>)
      %dma_wait3A = arith.constant 0 : i32
      %dma_wait3A_11 = tpu.memref_slice %arg15[%mul3A_0, %dma_wait3A] : memref<1408x128xf32, #tpu.memory_space<vmem_shared>> -> memref<88x128xf32, #tpu.memory_space<vmem_shared>>
      %dma_wait3A_12 = arith.constant 0 : i32
      %dma_wait3A_13 = tpu.memref_slice %arg5[%mul3A_0, %dma_wait3A_12] : memref<1408x128xf32, #tpu.memory_space<hbm>> -> memref<88x128xf32, #tpu.memory_space<hbm>>
      tpu.wait_dma2 semaphore(%run_scoped3A : memref<!tpu.dma_semaphore, #tpu.memory_space<semaphore_mem>>) src(%dma_wait3A_13 : memref<88x128xf32, #tpu.memory_space<hbm>>) dst(%dma_wait3A_11 : memref<88x128xf32, #tpu.memory_space<vmem_shared>>)
      tpu.yield
    }) : () -> ()
    "tpu.region"() ({
      %run_scoped3A = tpu.sem_alloc : memref<!tpu.dma_semaphore, #tpu.memory_space<semaphore_mem>>
      %dma_start3A = arith.constant 0 : i32
      %dma_start3A_8 = arith.constant 0 : i32
      %dma_start3A_9 = tpu.memref_slice %arg3[%arg0, %arg1, %dma_start3A, %dma_start3A_8] : memref<2x16x250x80xi32, #tpu.memory_space<hbm>> -> memref<1x1x250x80xi32, #tpu.memory_space<hbm>>
      %dma_start3A_10 = tpu.memref_squeeze %dma_start3A_9 : memref<1x1x250x80xi32, #tpu.memory_space<hbm>> -> memref<250x80xi32, #tpu.memory_space<hbm>>
      %dma_start3A_11 = arith.constant 0 : i32
      %dma_start3A_12 = arith.constant 0 : i32
      %dma_start3A_13 = tpu.memref_slice %arg3[%arg0, %arg1, %dma_start3A_11, %dma_start3A_12] : memref<2x16x250x80xi32, #tpu.memory_space<hbm>> -> memref<1x1x250x80xi32, #tpu.memory_space<hbm>>
      %dma_start3A_14 = tpu.memref_squeeze %dma_start3A_13 : memref<1x1x250x80xi32, #tpu.memory_space<hbm>> -> memref<250x80xi32, #tpu.memory_space<hbm>>
      tpu.enqueue_dma source(%dma_start3A_14 : memref<250x80xi32, #tpu.memory_space<hbm>>) target(%arg9 : memref<250x80xi32, #tpu.memory_space<vmem>>) target_semaphore(%run_scoped3A : memref<!tpu.dma_semaphore, #tpu.memory_space<semaphore_mem>>)
      %dma_wait3A = arith.constant 0 : i32
      %dma_wait3A_15 = arith.constant 0 : i32
      %dma_wait3A_16 = tpu.memref_slice %arg3[%arg0, %arg1, %dma_wait3A, %dma_wait3A_15] : memref<2x16x250x80xi32, #tpu.memory_space<hbm>> -> memref<1x1x250x80xi32, #tpu.memory_space<hbm>>
      %dma_wait3A_17 = tpu.memref_squeeze %dma_wait3A_16 : memref<1x1x250x80xi32, #tpu.memory_space<hbm>> -> memref<250x80xi32, #tpu.memory_space<hbm>>
      %dma_wait3A_18 = arith.constant 0 : i32
      %dma_wait3A_19 = arith.constant 0 : i32
      %dma_wait3A_20 = tpu.memref_slice %arg3[%arg0, %arg1, %dma_wait3A_18, %dma_wait3A_19] : memref<2x16x250x80xi32, #tpu.memory_space<hbm>> -> memref<1x1x250x80xi32, #tpu.memory_space<hbm>>
      %dma_wait3A_21 = tpu.memref_squeeze %dma_wait3A_20 : memref<1x1x250x80xi32, #tpu.memory_space<hbm>> -> memref<250x80xi32, #tpu.memory_space<hbm>>
      tpu.wait_dma2 semaphore(%run_scoped3A : memref<!tpu.dma_semaphore, #tpu.memory_space<semaphore_mem>>) src(%dma_wait3A_21 : memref<250x80xi32, #tpu.memory_space<hbm>>) dst(%arg9 : memref<250x80xi32, #tpu.memory_space<vmem>>)
      tpu.yield
    }) : () -> ()
    "tpu.region"() ({
      %run_scoped3A = tpu.sem_alloc : memref<!tpu.dma_semaphore, #tpu.memory_space<semaphore_mem>>
      %dma_start3A = arith.constant 0 : i32
      %dma_start3A_8 = arith.constant 0 : i32
      %dma_start3A_9 = tpu.memref_slice %arg4[%arg1, %dma_start3A, %dma_start3A_8] : memref<16x250x80xi32, #tpu.memory_space<hbm>> -> memref<1x250x80xi32, #tpu.memory_space<hbm>>
      %dma_start3A_10 = tpu.memref_squeeze %dma_start3A_9 : memref<1x250x80xi32, #tpu.memory_space<hbm>> -> memref<250x80xi32, #tpu.memory_space<hbm>>
      %dma_start3A_11 = arith.constant 0 : i32
      %dma_start3A_12 = arith.constant 0 : i32
      %dma_start3A_13 = tpu.memref_slice %arg4[%arg1, %dma_start3A_11, %dma_start3A_12] : memref<16x250x80xi32, #tpu.memory_space<hbm>> -> memref<1x250x80xi32, #tpu.memory_space<hbm>>
      %dma_start3A_14 = tpu.memref_squeeze %dma_start3A_13 : memref<1x250x80xi32, #tpu.memory_space<hbm>> -> memref<250x80xi32, #tpu.memory_space<hbm>>
      tpu.enqueue_dma source(%dma_start3A_14 : memref<250x80xi32, #tpu.memory_space<hbm>>) target(%arg10 : memref<250x80xi32, #tpu.memory_space<vmem>>) target_semaphore(%run_scoped3A : memref<!tpu.dma_semaphore, #tpu.memory_space<semaphore_mem>>)
      %dma_wait3A = arith.constant 0 : i32
      %dma_wait3A_15 = arith.constant 0 : i32
      %dma_wait3A_16 = tpu.memref_slice %arg4[%arg1, %dma_wait3A, %dma_wait3A_15] : memref<16x250x80xi32, #tpu.memory_space<hbm>> -> memref<1x250x80xi32, #tpu.memory_space<hbm>>
      %dma_wait3A_17 = tpu.memref_squeeze %dma_wait3A_16 : memref<1x250x80xi32, #tpu.memory_space<hbm>> -> memref<250x80xi32, #tpu.memory_space<hbm>>
      %dma_wait3A_18 = arith.constant 0 : i32
      %dma_wait3A_19 = arith.constant 0 : i32
      %dma_wait3A_20 = tpu.memref_slice %arg4[%arg1, %dma_wait3A_18, %dma_wait3A_19] : memref<16x250x80xi32, #tpu.memory_space<hbm>> -> memref<1x250x80xi32, #tpu.memory_space<hbm>>
      %dma_wait3A_21 = tpu.memref_squeeze %dma_wait3A_20 : memref<1x250x80xi32, #tpu.memory_space<hbm>> -> memref<250x80xi32, #tpu.memory_space<hbm>>
      tpu.wait_dma2 semaphore(%run_scoped3A : memref<!tpu.dma_semaphore, #tpu.memory_space<semaphore_mem>>) src(%dma_wait3A_21 : memref<250x80xi32, #tpu.memory_space<hbm>>) dst(%arg10 : memref<250x80xi32, #tpu.memory_space<vmem>>)
      tpu.yield
    }) : () -> ()
    %barrier3A = arith.constant 0 : index
    tpu.barrier barrier_id(%barrier3A)
    %scan3A = arith.constant 0 : i32
    %scan3A_3 = arith.constant 0 : i32
    %scan3A_4 = arith.constant 8 : i32
    %scan3A_5 = arith.addi %scan3A_3, %scan3A_4 : i32
    %scan3A_6 = arith.constant 1 : i32
    scf.for %scan3A_8 = %scan3A_3 to %scan3A_5 step %scan3A_6  : i32 {
      %mul3A_9 = arith.constant 1280 : i32
      %mul3A_10 = arith.muli %scan3A_8, %mul3A_9 : i32
      %scan3A_11 = arith.constant 0 : i32
      %scan3A_12 = arith.constant 0 : i32
      %scan3A_13 = arith.constant 250 : i32
      %scan3A_14 = arith.addi %scan3A_12, %scan3A_13 : i32
      %scan3A_15 = arith.constant 1 : i32
      %scan3A_16 = scf.for %scan3A_130 = %scan3A_12 to %scan3A_14 step %scan3A_15 iter_args(%scan3A_131 = %scan3A_11) -> (i32)  : i32 {
        %get3A = arith.index_cast %scan3A_130 : i32 to index
        %get3A_132 = arith.constant 0 : index
        %get3A_133 = tpu.vector_load %arg10[%get3A, %get3A_132] {strides = array<i32>} : memref<250x80xi32, #tpu.memory_space<vmem>>, vector<16xi32>,
        %get3A_134 = arith.index_cast %scan3A_130 : i32 to index
        %get3A_135 = arith.constant 0 : index
        %get3A_136 = tpu.vector_load %arg9[%get3A_134, %get3A_135] {strides = array<i32>} : memref<250x80xi32, #tpu.memory_space<vmem>>, vector<16xi32>,
        %sub3A_137 = vector.broadcast %mul3A_10 : i32 to vector<16xi32>
        %sub3A_138 = arith.subi %get3A_133, %sub3A_137 : vector<16xi32>
        %ge3A = arith.constant 0 : i32
        %ge3A_139 = vector.broadcast %ge3A : i32 to vector<16xi32>
        %ge3A_140 = arith.cmpi sge, %sub3A_138, %ge3A_139 : vector<16xi32>
        %lt3A = arith.constant 1280 : i32
        %lt3A_141 = vector.broadcast %lt3A : i32 to vector<16xi32>
        %lt3A_142 = arith.cmpi slt, %sub3A_138, %lt3A_141 : vector<16xi32>
        %and3A_143 = arith.andi %ge3A_140, %lt3A_142 : vector<16xi1>
        %convert_element_type3A_144 = arith.extui %and3A_143 : vector<16xi1> to vector<16xi32>
        %broadcast_in_dim3A_145 = arith.constant true
        %broadcast_in_dim3A_146 = vector.broadcast %broadcast_in_dim3A_145 : i1 to vector<16xi1>
        %masked_cumsum3A = tpu.scan <sum>, %convert_element_type3A_144 masked %broadcast_in_dim3A_146 : vector<16xi32>, vector<16xi1> -> vector<16xi32>
        %get3A_147 = arith.index_cast %scan3A_130 : i32 to index
        %get3A_148 = arith.constant 16 : index
        %get3A_149 = tpu.vector_load %arg10[%get3A_147, %get3A_148] {strides = array<i32>} : memref<250x80xi32, #tpu.memory_space<vmem>>, vector<16xi32>,
        %get3A_150 = arith.index_cast %scan3A_130 : i32 to index
        %get3A_151 = arith.constant 16 : index
        %get3A_152 = tpu.vector_load %arg9[%get3A_150, %get3A_151] {strides = array<i32>} : memref<250x80xi32, #tpu.memory_space<vmem>>, vector<16xi32>,
        %sub3A_153 = vector.broadcast %mul3A_10 : i32 to vector<16xi32>
        %sub3A_154 = arith.subi %get3A_149, %sub3A_153 : vector<16xi32>
        %ge3A_155 = arith.constant 0 : i32
        %ge3A_156 = vector.broadcast %ge3A_155 : i32 to vector<16xi32>
        %ge3A_157 = arith.cmpi sge, %sub3A_154, %ge3A_156 : vector<16xi32>
        %lt3A_158 = arith.constant 1280 : i32
        %lt3A_159 = vector.broadcast %lt3A_158 : i32 to vector<16xi32>
        %lt3A_160 = arith.cmpi slt, %sub3A_154, %lt3A_159 : vector<16xi32>
        %and3A_161 = arith.andi %ge3A_157, %lt3A_160 : vector<16xi1>
        %convert_element_type3A_162 = arith.extui %and3A_161 : vector<16xi1> to vector<16xi32>
        %broadcast_in_dim3A_163 = arith.constant true
        %broadcast_in_dim3A_164 = vector.broadcast %broadcast_in_dim3A_163 : i1 to vector<16xi1>
        %masked_cumsum3A_165 = tpu.scan <sum>, %convert_element_type3A_162 masked %broadcast_in_dim3A_164 : vector<16xi32>, vector<16xi1> -> vector<16xi32>
        %get3A_166 = arith.index_cast %scan3A_130 : i32 to index
        %get3A_167 = arith.constant 32 : index
        %get3A_168 = tpu.vector_load %arg10[%get3A_166, %get3A_167] {strides = array<i32>} : memref<250x80xi32, #tpu.memory_space<vmem>>, vector<16xi32>,
        %get3A_169 = arith.index_cast %scan3A_130 : i32 to index
        %get3A_170 = arith.constant 32 : index
        %get3A_171 = tpu.vector_load %arg9[%get3A_169, %get3A_170] {strides = array<i32>} : memref<250x80xi32, #tpu.memory_space<vmem>>, vector<16xi32>,
        %sub3A_172 = vector.broadcast %mul3A_10 : i32 to vector<16xi32>
        %sub3A_173 = arith.subi %get3A_168, %sub3A_172 : vector<16xi32>
        %ge3A_174 = arith.constant 0 : i32
        %ge3A_175 = vector.broadcast %ge3A_174 : i32 to vector<16xi32>
        %ge3A_176 = arith.cmpi sge, %sub3A_173, %ge3A_175 : vector<16xi32>
        %lt3A_177 = arith.constant 1280 : i32
        %lt3A_178 = vector.broadcast %lt3A_177 : i32 to vector<16xi32>
        %lt3A_179 = arith.cmpi slt, %sub3A_173, %lt3A_178 : vector<16xi32>
        %and3A_180 = arith.andi %ge3A_176, %lt3A_179 : vector<16xi1>
        %convert_element_type3A_181 = arith.extui %and3A_180 : vector<16xi1> to vector<16xi32>
        %broadcast_in_dim3A_182 = arith.constant true
        %broadcast_in_dim3A_183 = vector.broadcast %broadcast_in_dim3A_182 : i1 to vector<16xi1>
        %masked_cumsum3A_184 = tpu.scan <sum>, %convert_element_type3A_181 masked %broadcast_in_dim3A_183 : vector<16xi32>, vector<16xi1> -> vector<16xi32>
        %get3A_185 = arith.index_cast %scan3A_130 : i32 to index
        %get3A_186 = arith.constant 48 : index
        %get3A_187 = tpu.vector_load %arg10[%get3A_185, %get3A_186] {strides = array<i32>} : memref<250x80xi32, #tpu.memory_space<vmem>>, vector<16xi32>,
        %get3A_188 = arith.index_cast %scan3A_130 : i32 to index
        %get3A_189 = arith.constant 48 : index
        %get3A_190 = tpu.vector_load %arg9[%get3A_188, %get3A_189] {strides = array<i32>} : memref<250x80xi32, #tpu.memory_space<vmem>>, vector<16xi32>,
        %sub3A_191 = vector.broadcast %mul3A_10 : i32 to vector<16xi32>
        %sub3A_192 = arith.subi %get3A_187, %sub3A_191 : vector<16xi32>
        %ge3A_193 = arith.constant 0 : i32
        %ge3A_194 = vector.broadcast %ge3A_193 : i32 to vector<16xi32>
        %ge3A_195 = arith.cmpi sge, %sub3A_192, %ge3A_194 : vector<16xi32>
        %lt3A_196 = arith.constant 1280 : i32
        %lt3A_197 = vector.broadcast %lt3A_196 : i32 to vector<16xi32>
        %lt3A_198 = arith.cmpi slt, %sub3A_192, %lt3A_197 : vector<16xi32>
        %and3A_199 = arith.andi %ge3A_195, %lt3A_198 : vector<16xi1>
        %convert_element_type3A_200 = arith.extui %and3A_199 : vector<16xi1> to vector<16xi32>
        %broadcast_in_dim3A_201 = arith.constant true
        %broadcast_in_dim3A_202 = vector.broadcast %broadcast_in_dim3A_201 : i1 to vector<16xi1>
        %masked_cumsum3A_203 = tpu.scan <sum>, %convert_element_type3A_200 masked %broadcast_in_dim3A_202 : vector<16xi32>, vector<16xi1> -> vector<16xi32>
        %get3A_204 = arith.index_cast %scan3A_130 : i32 to index
        %get3A_205 = arith.constant 64 : index
        %get3A_206 = tpu.vector_load %arg10[%get3A_204, %get3A_205] {strides = array<i32>} : memref<250x80xi32, #tpu.memory_space<vmem>>, vector<16xi32>,
        %get3A_207 = arith.index_cast %scan3A_130 : i32 to index
        %get3A_208 = arith.constant 64 : index
        %get3A_209 = tpu.vector_load %arg9[%get3A_207, %get3A_208] {strides = array<i32>} : memref<250x80xi32, #tpu.memory_space<vmem>>, vector<16xi32>,
        %sub3A_210 = vector.broadcast %mul3A_10 : i32 to vector<16xi32>
        %sub3A_211 = arith.subi %get3A_206, %sub3A_210 : vector<16xi32>
        %ge3A_212 = arith.constant 0 : i32
        %ge3A_213 = vector.broadcast %ge3A_212 : i32 to vector<16xi32>
        %ge3A_214 = arith.cmpi sge, %sub3A_211, %ge3A_213 : vector<16xi32>
        %lt3A_215 = arith.constant 1280 : i32
        %lt3A_216 = vector.broadcast %lt3A_215 : i32 to vector<16xi32>
        %lt3A_217 = arith.cmpi slt, %sub3A_211, %lt3A_216 : vector<16xi32>
        %and3A_218 = arith.andi %ge3A_214, %lt3A_217 : vector<16xi1>
        %convert_element_type3A_219 = arith.extui %and3A_218 : vector<16xi1> to vector<16xi32>
        %broadcast_in_dim3A_220 = arith.constant true
        %broadcast_in_dim3A_221 = vector.broadcast %broadcast_in_dim3A_220 : i1 to vector<16xi1>
        %masked_cumsum3A_222 = tpu.scan <sum>, %convert_element_type3A_219 masked %broadcast_in_dim3A_221 : vector<16xi32>, vector<16xi1> -> vector<16xi32>
        %add3A_223 = vector.broadcast %scan3A_131 : i32 to vector<16xi32>
        %add3A_224 = arith.addi %add3A_223, %masked_cumsum3A : vector<16xi32>
        %sub3A_225 = arith.subi %add3A_224, %convert_element_type3A_144 : vector<16xi32>
        tpu.vector_store_idx %arg12[%sub3A_225], %sub3A_138 masked %and3A_143 : memref<20192xi32, #tpu.memory_space<vmem>>[vector<16xi32>], vector<16xi32>, vector<16xi1>
        tpu.vector_store_idx %arg11[%sub3A_225], %get3A_136 masked %and3A_143 : memref<20192xi32, #tpu.memory_space<vmem>>[vector<16xi32>], vector<16xi32>, vector<16xi1>
        %reduce_sum3A = arith.constant true
        %reduce_sum3A_226 = vector.broadcast %reduce_sum3A : i1 to vector<16xi1>
        %reduce_sum3A_227 = tpu.scan <sum>, %convert_element_type3A_144 masked %reduce_sum3A_226 : vector<16xi32>, vector<16xi1> -> vector<16xi32>
        %reduce_sum3A_228 = vector.extract %reduce_sum3A_227[15] : i32 from vector<16xi32>
        %add3A_229 = arith.addi %scan3A_131, %reduce_sum3A_228 : i32
        %add3A_230 = vector.broadcast %add3A_229 : i32 to vector<16xi32>
        %add3A_231 = arith.addi %add3A_230, %masked_cumsum3A_165 : vector<16xi32>
        %sub3A_232 = arith.subi %add3A_231, %convert_element_type3A_162 : vector<16xi32>
        tpu.vector_store_idx %arg12[%sub3A_232], %sub3A_154 masked %and3A_161 : memref<20192xi32, #tpu.memory_space<vmem>>[vector<16xi32>], vector<16xi32>, vector<16xi1>
        tpu.vector_store_idx %arg11[%sub3A_232], %get3A_152 masked %and3A_161 : memref<20192xi32, #tpu.memory_space<vmem>>[vector<16xi32>], vector<16xi32>, vector<16xi1>
        %reduce_sum3A_233 = arith.constant true
        %reduce_sum3A_234 = vector.broadcast %reduce_sum3A_233 : i1 to vector<16xi1>
        %reduce_sum3A_235 = tpu.scan <sum>, %convert_element_type3A_162 masked %reduce_sum3A_234 : vector<16xi32>, vector<16xi1> -> vector<16xi32>
        %reduce_sum3A_236 = vector.extract %reduce_sum3A_235[15] : i32 from vector<16xi32>
        %add3A_237 = arith.addi %add3A_229, %reduce_sum3A_236 : i32
        %add3A_238 = vector.broadcast %add3A_237 : i32 to vector<16xi32>
        %add3A_239 = arith.addi %add3A_238, %masked_cumsum3A_184 : vector<16xi32>
        %sub3A_240 = arith.subi %add3A_239, %convert_element_type3A_181 : vector<16xi32>
        tpu.vector_store_idx %arg12[%sub3A_240], %sub3A_173 masked %and3A_180 : memref<20192xi32, #tpu.memory_space<vmem>>[vector<16xi32>], vector<16xi32>, vector<16xi1>
        tpu.vector_store_idx %arg11[%sub3A_240], %get3A_171 masked %and3A_180 : memref<20192xi32, #tpu.memory_space<vmem>>[vector<16xi32>], vector<16xi32>, vector<16xi1>
        %reduce_sum3A_241 = arith.constant true
        %reduce_sum3A_242 = vector.broadcast %reduce_sum3A_241 : i1 to vector<16xi1>
        %reduce_sum3A_243 = tpu.scan <sum>, %convert_element_type3A_181 masked %reduce_sum3A_242 : vector<16xi32>, vector<16xi1> -> vector<16xi32>
        %reduce_sum3A_244 = vector.extract %reduce_sum3A_243[15] : i32 from vector<16xi32>
        %add3A_245 = arith.addi %add3A_237, %reduce_sum3A_244 : i32
        %add3A_246 = vector.broadcast %add3A_245 : i32 to vector<16xi32>
        %add3A_247 = arith.addi %add3A_246, %masked_cumsum3A_203 : vector<16xi32>
        %sub3A_248 = arith.subi %add3A_247, %convert_element_type3A_200 : vector<16xi32>
        tpu.vector_store_idx %arg12[%sub3A_248], %sub3A_192 masked %and3A_199 : memref<20192xi32, #tpu.memory_space<vmem>>[vector<16xi32>], vector<16xi32>, vector<16xi1>
        tpu.vector_store_idx %arg11[%sub3A_248], %get3A_190 masked %and3A_199 : memref<20192xi32, #tpu.memory_space<vmem>>[vector<16xi32>], vector<16xi32>, vector<16xi1>
        %reduce_sum3A_249 = arith.constant true
        %reduce_sum3A_250 = vector.broadcast %reduce_sum3A_249 : i1 to vector<16xi1>
        %reduce_sum3A_251 = tpu.scan <sum>, %convert_element_type3A_200 masked %reduce_sum3A_250 : vector<16xi32>, vector<16xi1> -> vector<16xi32>
        %reduce_sum3A_252 = vector.extract %reduce_sum3A_251[15] : i32 from vector<16xi32>
        %add3A_253 = arith.addi %add3A_245, %reduce_sum3A_252 : i32
        %add3A_254 = vector.broadcast %add3A_253 : i32 to vector<16xi32>
        %add3A_255 = arith.addi %add3A_254, %masked_cumsum3A_222 : vector<16xi32>
        %sub3A_256 = arith.subi %add3A_255, %convert_element_type3A_219 : vector<16xi32>
        tpu.vector_store_idx %arg12[%sub3A_256], %sub3A_211 masked %and3A_218 : memref<20192xi32, #tpu.memory_space<vmem>>[vector<16xi32>], vector<16xi32>, vector<16xi1>
        tpu.vector_store_idx %arg11[%sub3A_256], %get3A_209 masked %and3A_218 : memref<20192xi32, #tpu.memory_space<vmem>>[vector<16xi32>], vector<16xi32>, vector<16xi1>
        %reduce_sum3A_257 = arith.constant true
        %reduce_sum3A_258 = vector.broadcast %reduce_sum3A_257 : i1 to vector<16xi1>
        %reduce_sum3A_259 = tpu.scan <sum>, %convert_element_type3A_219 masked %reduce_sum3A_258 : vector<16xi32>, vector<16xi1> -> vector<16xi32>
        %reduce_sum3A_260 = vector.extract %reduce_sum3A_259[15] : i32 from vector<16xi32>
        %add3A_261 = arith.addi %add3A_253, %reduce_sum3A_260 : i32
        scf.yield %add3A_261 : i32
      }
      %scan3A_17 = arith.constant 250 : i32
      %broadcast_in_dim3A = arith.constant 1280 : i32
      %broadcast_in_dim3A_18 = vector.broadcast %broadcast_in_dim3A : i32 to vector<16xi32>
      %mul3A_19 = arith.constant 10240 : i32
      %mul3A_20 = arith.muli %arg0, %mul3A_19 : i32
      %broadcast_in_dim3A_21 = vector.broadcast %mul3A_20 : i32 to vector<16xi32>
      %add3A = arith.constant 0 : i32
      %add3A_22 = arith.addi %scan3A_16, %add3A : i32
      %swap3A = arith.index_cast %add3A_22 : i32 to index
      %swap3A_23 = tpu.vector_load %arg12[%swap3A] {strides = array<i32>} : memref<20192xi32, #tpu.memory_space<vmem>>, vector<16xi32>,
      tpu.vector_store %arg12[%swap3A], %broadcast_in_dim3A_18 {strides = array<i32>} : memref<20192xi32, #tpu.memory_space<vmem>>, vector<16xi32>,
      %add3A_24 = arith.constant 0 : i32
      %add3A_25 = arith.addi %scan3A_16, %add3A_24 : i32
      %swap3A_26 = arith.index_cast %add3A_25 : i32 to index
      %swap3A_27 = tpu.vector_load %arg11[%swap3A_26] {strides = array<i32>} : memref<20192xi32, #tpu.memory_space<vmem>>, vector<16xi32>,
      tpu.vector_store %arg11[%swap3A_26], %broadcast_in_dim3A_21 {strides = array<i32>} : memref<20192xi32, #tpu.memory_space<vmem>>, vector<16xi32>,
      %add3A_28 = arith.constant 16 : i32
      %add3A_29 = arith.addi %scan3A_16, %add3A_28 : i32
      %swap3A_30 = arith.index_cast %add3A_29 : i32 to index
      %swap3A_31 = tpu.vector_load %arg12[%swap3A_30] {strides = array<i32>} : memref<20192xi32, #tpu.memory_space<vmem>>, vector<16xi32>,
      tpu.vector_store %arg12[%swap3A_30], %broadcast_in_dim3A_18 {strides = array<i32>} : memref<20192xi32, #tpu.memory_space<vmem>>, vector<16xi32>,
      %add3A_32 = arith.constant 16 : i32
      %add3A_33 = arith.addi %scan3A_16, %add3A_32 : i32
      %swap3A_34 = arith.index_cast %add3A_33 : i32 to index
      %swap3A_35 = tpu.vector_load %arg11[%swap3A_34] {strides = array<i32>} : memref<20192xi32, #tpu.memory_space<vmem>>, vector<16xi32>,
      tpu.vector_store %arg11[%swap3A_34], %broadcast_in_dim3A_21 {strides = array<i32>} : memref<20192xi32, #tpu.memory_space<vmem>>, vector<16xi32>,
      %add3A_36 = arith.constant 32 : i32
      %add3A_37 = arith.addi %scan3A_16, %add3A_36 : i32
      %swap3A_38 = arith.index_cast %add3A_37 : i32 to index
      %swap3A_39 = tpu.vector_load %arg12[%swap3A_38] {strides = array<i32>} : memref<20192xi32, #tpu.memory_space<vmem>>, vector<16xi32>,
      tpu.vector_store %arg12[%swap3A_38], %broadcast_in_dim3A_18 {strides = array<i32>} : memref<20192xi32, #tpu.memory_space<vmem>>, vector<16xi32>,
      %add3A_40 = arith.constant 32 : i32
      %add3A_41 = arith.addi %scan3A_16, %add3A_40 : i32
      %swap3A_42 = arith.index_cast %add3A_41 : i32 to index
      %swap3A_43 = tpu.vector_load %arg11[%swap3A_42] {strides = array<i32>} : memref<20192xi32, #tpu.memory_space<vmem>>, vector<16xi32>,
      tpu.vector_store %arg11[%swap3A_42], %broadcast_in_dim3A_21 {strides = array<i32>} : memref<20192xi32, #tpu.memory_space<vmem>>, vector<16xi32>,
      %add3A_44 = arith.constant 48 : i32
      %add3A_45 = arith.addi %scan3A_16, %add3A_44 : i32
      %swap3A_46 = arith.index_cast %add3A_45 : i32 to index
      %swap3A_47 = tpu.vector_load %arg12[%swap3A_46] {strides = array<i32>} : memref<20192xi32, #tpu.memory_space<vmem>>, vector<16xi32>,
      tpu.vector_store %arg12[%swap3A_46], %broadcast_in_dim3A_18 {strides = array<i32>} : memref<20192xi32, #tpu.memory_space<vmem>>, vector<16xi32>,
      %add3A_48 = arith.constant 48 : i32
      %add3A_49 = arith.addi %scan3A_16, %add3A_48 : i32
      %swap3A_50 = arith.index_cast %add3A_49 : i32 to index
      %swap3A_51 = tpu.vector_load %arg11[%swap3A_50] {strides = array<i32>} : memref<20192xi32, #tpu.memory_space<vmem>>, vector<16xi32>,
      tpu.vector_store %arg11[%swap3A_50], %broadcast_in_dim3A_21 {strides = array<i32>} : memref<20192xi32, #tpu.memory_space<vmem>>, vector<16xi32>,
      %add3A_52 = arith.constant 64 : i32
      %add3A_53 = arith.addi %scan3A_16, %add3A_52 : i32
      %swap3A_54 = arith.index_cast %add3A_53 : i32 to index
      %swap3A_55 = tpu.vector_load %arg12[%swap3A_54] {strides = array<i32>} : memref<20192xi32, #tpu.memory_space<vmem>>, vector<16xi32>,
      tpu.vector_store %arg12[%swap3A_54], %broadcast_in_dim3A_18 {strides = array<i32>} : memref<20192xi32, #tpu.memory_space<vmem>>, vector<16xi32>,
      %add3A_56 = arith.constant 64 : i32
      %add3A_57 = arith.addi %scan3A_16, %add3A_56 : i32
      %swap3A_58 = arith.index_cast %add3A_57 : i32 to index
      %swap3A_59 = tpu.vector_load %arg11[%swap3A_58] {strides = array<i32>} : memref<20192xi32, #tpu.memory_space<vmem>>, vector<16xi32>,
      tpu.vector_store %arg11[%swap3A_58], %broadcast_in_dim3A_21 {strides = array<i32>} : memref<20192xi32, #tpu.memory_space<vmem>>, vector<16xi32>,
      %add3A_60 = arith.constant 80 : i32
      %add3A_61 = arith.addi %scan3A_16, %add3A_60 : i32
      %swap3A_62 = arith.index_cast %add3A_61 : i32 to index
      %swap3A_63 = tpu.vector_load %arg12[%swap3A_62] {strides = array<i32>} : memref<20192xi32, #tpu.memory_space<vmem>>, vector<16xi32>,
      tpu.vector_store %arg12[%swap3A_62], %broadcast_in_dim3A_18 {strides = array<i32>} : memref<20192xi32, #tpu.memory_space<vmem>>, vector<16xi32>,
      %add3A_64 = arith.constant 80 : i32
      %add3A_65 = arith.addi %scan3A_16, %add3A_64 : i32
      %swap3A_66 = arith.index_cast %add3A_65 : i32 to index
      %swap3A_67 = tpu.vector_load %arg11[%swap3A_66] {strides = array<i32>} : memref<20192xi32, #tpu.memory_space<vmem>>, vector<16xi32>,
      tpu.vector_store %arg11[%swap3A_66], %broadcast_in_dim3A_21 {strides = array<i32>} : memref<20192xi32, #tpu.memory_space<vmem>>, vector<16xi32>,
      %add3A_68 = arith.constant 96 : i32
      %add3A_69 = arith.addi %scan3A_16, %add3A_68 : i32
      %sub3A = arith.constant 1 : i32
      %sub3A_70 = arith.subi %add3A_69, %sub3A : i32
      %jit3A = arith.constant 96 : i32
      %div3A = arith.divsi %sub3A_70, %jit3A : i32
      %sign3A = arith.constant 0 : i32
      %sign3A_71 = arith.cmpi sgt, %sub3A_70, %sign3A : i32
      %sign3A_72 = arith.extui %sign3A_71 : i1 to i32
      %sign3A_73 = arith.constant 0 : i32
      %sign3A_74 = arith.cmpi slt, %sub3A_70, %sign3A_73 : i32
      %sign3A_75 = arith.extui %sign3A_74 : i1 to i32
      %sign3A_76 = arith.subi %sign3A_72, %sign3A_75 : i32
      %sign3A_77 = arith.constant 0 : i32
      %sign3A_78 = arith.cmpi sgt, %jit3A, %sign3A_77 : i32
      %sign3A_79 = arith.extui %sign3A_78 : i1 to i32
      %sign3A_80 = arith.constant 0 : i32
      %sign3A_81 = arith.cmpi slt, %jit3A, %sign3A_80 : i32
      %sign3A_82 = arith.extui %sign3A_81 : i1 to i32
      %sign3A_83 = arith.subi %sign3A_79, %sign3A_82 : i32
      %ne3A = arith.cmpi ne, %sign3A_76, %sign3A_83 : i32
      %rem3A = arith.remsi %sub3A_70, %jit3A : i32
      %ne3A_84 = arith.constant 0 : i32
      %ne3A_85 = arith.cmpi ne, %rem3A, %ne3A_84 : i32
      %and3A = arith.andi %ne3A, %ne3A_85 : i1
      %sub3A_86 = arith.constant 1 : i32
      %sub3A_87 = arith.subi %div3A, %sub3A_86 : i32
      %select_n3A = arith.select %and3A, %sub3A_87, %div3A : i32
      %while3A = arith.constant 0 : i32
      %while3A_88 = arith.constant 0 : i32
      %while3A_89 = arith.subi %select_n3A, %while3A_88 : i32
      %while3A_90 = arith.addi %while3A_88, %while3A_89 : i32
      %while3A_91 = arith.constant 1 : i32
      %while3A_92 = arith.divsi %while3A_89, %while3A_91 : i32
      %while3A_93 = arith.muli %while3A_92, %while3A_91 : i32
      %while3A_94 = arith.addi %while3A_88, %while3A_93 : i32
      %while3A_95 = arith.constant 1 : i32
      scf.for %while3A_130 = %while3A_88 to %while3A_94 step %while3A_95  : i32 {
        %mul3A_131 = arith.constant 96 : i32
        %mul3A_132 = arith.muli %while3A_130, %mul3A_131 : i32
        %add3A_133 = arith.constant 0 : i32
        %add3A_134 = arith.addi %mul3A_132, %add3A_133 : i32
        %get3A = arith.index_cast %add3A_134 : i32 to index
        %get3A_135 = tpu.vector_load %arg12[%get3A] {strides = array<i32>} : memref<20192xi32, #tpu.memory_space<vmem>>, vector<16xi32>,
        %swap3A_136 = arith.constant 0 : i32
        %swap3A_137 = arith.index_cast %swap3A_136 : i32 to index
        %swap3A_138 = arith.constant 0 : index
        %swap3A_139 = tpu.vector_load %arg13[%swap3A_137, %swap3A_138] {strides = array<i32>} : memref<1x96xi32, #tpu.memory_space<vmem>>, vector<16xi32>,
        tpu.vector_store %arg13[%swap3A_137, %swap3A_138], %get3A_135 {strides = array<i32>} : memref<1x96xi32, #tpu.memory_space<vmem>>, vector<16xi32>,
        %mul3A_140 = arith.constant 96 : i32
        %mul3A_141 = arith.muli %while3A_130, %mul3A_140 : i32
        %add3A_142 = arith.constant 16 : i32
        %add3A_143 = arith.addi %mul3A_141, %add3A_142 : i32
        %get3A_144 = arith.index_cast %add3A_143 : i32 to index
        %get3A_145 = tpu.vector_load %arg12[%get3A_144] {strides = array<i32>} : memref<20192xi32, #tpu.memory_space<vmem>>, vector<16xi32>,
        %swap3A_146 = arith.constant 0 : i32
        %swap3A_147 = arith.index_cast %swap3A_146 : i32 to index
        %swap3A_148 = arith.constant 16 : index
        %swap3A_149 = tpu.vector_load %arg13[%swap3A_147, %swap3A_148] {strides = array<i32>} : memref<1x96xi32, #tpu.memory_space<vmem>>, vector<16xi32>,
        tpu.vector_store %arg13[%swap3A_147, %swap3A_148], %get3A_145 {strides = array<i32>} : memref<1x96xi32, #tpu.memory_space<vmem>>, vector<16xi32>,
        %mul3A_150 = arith.constant 96 : i32
        %mul3A_151 = arith.muli %while3A_130, %mul3A_150 : i32
        %add3A_152 = arith.constant 32 : i32
        %add3A_153 = arith.addi %mul3A_151, %add3A_152 : i32
        %get3A_154 = arith.index_cast %add3A_153 : i32 to index
        %get3A_155 = tpu.vector_load %arg12[%get3A_154] {strides = array<i32>} : memref<20192xi32, #tpu.memory_space<vmem>>, vector<16xi32>,
        %swap3A_156 = arith.constant 0 : i32
        %swap3A_157 = arith.index_cast %swap3A_156 : i32 to index
        %swap3A_158 = arith.constant 32 : index
        %swap3A_159 = tpu.vector_load %arg13[%swap3A_157, %swap3A_158] {strides = array<i32>} : memref<1x96xi32, #tpu.memory_space<vmem>>, vector<16xi32>,
        tpu.vector_store %arg13[%swap3A_157, %swap3A_158], %get3A_155 {strides = array<i32>} : memref<1x96xi32, #tpu.memory_space<vmem>>, vector<16xi32>,
        %mul3A_160 = arith.constant 96 : i32
        %mul3A_161 = arith.muli %while3A_130, %mul3A_160 : i32
        %add3A_162 = arith.constant 48 : i32
        %add3A_163 = arith.addi %mul3A_161, %add3A_162 : i32
        %get3A_164 = arith.index_cast %add3A_163 : i32 to index
        %get3A_165 = tpu.vector_load %arg12[%get3A_164] {strides = array<i32>} : memref<20192xi32, #tpu.memory_space<vmem>>, vector<16xi32>,
        %swap3A_166 = arith.constant 0 : i32
        %swap3A_167 = arith.index_cast %swap3A_166 : i32 to index
        %swap3A_168 = arith.constant 48 : index
        %swap3A_169 = tpu.vector_load %arg13[%swap3A_167, %swap3A_168] {strides = array<i32>} : memref<1x96xi32, #tpu.memory_space<vmem>>, vector<16xi32>,
        tpu.vector_store %arg13[%swap3A_167, %swap3A_168], %get3A_165 {strides = array<i32>} : memref<1x96xi32, #tpu.memory_space<vmem>>, vector<16xi32>,
        %mul3A_170 = arith.constant 96 : i32
        %mul3A_171 = arith.muli %while3A_130, %mul3A_170 : i32
        %add3A_172 = arith.constant 64 : i32
        %add3A_173 = arith.addi %mul3A_171, %add3A_172 : i32
        %get3A_174 = arith.index_cast %add3A_173 : i32 to index
        %get3A_175 = tpu.vector_load %arg12[%get3A_174] {strides = array<i32>} : memref<20192xi32, #tpu.memory_space<vmem>>, vector<16xi32>,
        %swap3A_176 = arith.constant 0 : i32
        %swap3A_177 = arith.index_cast %swap3A_176 : i32 to index
        %swap3A_178 = arith.constant 64 : index
        %swap3A_179 = tpu.vector_load %arg13[%swap3A_177, %swap3A_178] {strides = array<i32>} : memref<1x96xi32, #tpu.memory_space<vmem>>, vector<16xi32>,
        tpu.vector_store %arg13[%swap3A_177, %swap3A_178], %get3A_175 {strides = array<i32>} : memref<1x96xi32, #tpu.memory_space<vmem>>, vector<16xi32>,
        %mul3A_180 = arith.constant 96 : i32
        %mul3A_181 = arith.muli %while3A_130, %mul3A_180 : i32
        %add3A_182 = arith.constant 80 : i32
        %add3A_183 = arith.addi %mul3A_181, %add3A_182 : i32
        %get3A_184 = arith.index_cast %add3A_183 : i32 to index
        %get3A_185 = tpu.vector_load %arg12[%get3A_184] {strides = array<i32>} : memref<20192xi32, #tpu.memory_space<vmem>>, vector<16xi32>,
        %swap3A_186 = arith.constant 0 : i32
        %swap3A_187 = arith.index_cast %swap3A_186 : i32 to index
        %swap3A_188 = arith.constant 80 : index
        %swap3A_189 = tpu.vector_load %arg13[%swap3A_187, %swap3A_188] {strides = array<i32>} : memref<1x96xi32, #tpu.memory_space<vmem>>, vector<16xi32>,
        tpu.vector_store %arg13[%swap3A_187, %swap3A_188], %get3A_185 {strides = array<i32>} : memref<1x96xi32, #tpu.memory_space<vmem>>, vector<16xi32>,
        %mul3A_190 = arith.constant 96 : i32
        %mul3A_191 = arith.muli %while3A_130, %mul3A_190 : i32
        %dma_start3A = tpu.memref_slice %arg11[%mul3A_191] : memref<20192xi32, #tpu.memory_space<vmem>> -> memref<96xi32, #tpu.memory_space<vmem>>
        %dma_start3A_192 = arith.constant 0 : i32
        %dma_start3A_193 = arith.constant 0 : i32
        %dma_start3A_194 = tpu.memref_slice %arg2[%dma_start3A_192, %dma_start3A_193] : memref<20480x128xf32, #tpu.memory_space<hbm>> -> memref<20480x128xf32, #tpu.memory_space<hbm>>
        tpu.enqueue_indirect_dma source(%dma_start3A_194 : memref<20480x128xf32, #tpu.memory_space<hbm>>) target(%arg14 : memref<96x128xf32, #tpu.memory_space<vmem>>) offsets(%dma_start3A : memref<96xi32, #tpu.memory_space<vmem>>) semaphore(%arg16 : memref<!tpu.dma_semaphore, #tpu.memory_space<semaphore_mem>>)
        %dma_wait3A = tpu.memref_slice %arg11[%mul3A_191] : memref<20192xi32, #tpu.memory_space<vmem>> -> memref<96xi32, #tpu.memory_space<vmem>>
        %dma_wait3A_195 = arith.constant 0 : i32
        %dma_wait3A_196 = arith.constant 0 : i32
        %dma_wait3A_197 = tpu.memref_slice %arg2[%dma_wait3A_195, %dma_wait3A_196] : memref<20480x128xf32, #tpu.memory_space<hbm>> -> memref<20480x128xf32, #tpu.memory_space<hbm>>
        tpu.wait_indirect_dma semaphore(%arg16 : memref<!tpu.dma_semaphore, #tpu.memory_space<semaphore_mem>>) src(%dma_wait3A_197 : memref<20480x128xf32, #tpu.memory_space<hbm>>) dst(%arg14 : memref<96x128xf32, #tpu.memory_space<vmem>>)
        %run_scoped3A = arith.constant 0 : i32
        "tpu.region"() ({
          %run_scoped3A_198 = tpu.sem_alloc : memref<!tpu.dma_semaphore, #tpu.memory_space<semaphore_mem>>
          %dma_start3A_199 = arith.constant 0 : i32
          %dma_start3A_200 = tpu.memref_slice %arg13[%run_scoped3A, %dma_start3A_199] : memref<1x96xi32, #tpu.memory_space<vmem>> -> memref<1x96xi32, #tpu.memory_space<vmem>>
          %dma_start3A_201 = tpu.memref_squeeze %dma_start3A_200 : memref<1x96xi32, #tpu.memory_space<vmem>> -> memref<96xi32, #tpu.memory_space<vmem>>
          %dma_start3A_202 = arith.constant 0 : i32
          %dma_start3A_203 = arith.constant 0 : i32
          %dma_start3A_204 = tpu.memref_slice %arg15[%dma_start3A_202, %dma_start3A_203] : memref<1408x128xf32, #tpu.memory_space<vmem_shared>> -> memref<1408x128xf32, #tpu.memory_space<vmem_shared>>
          tpu.enqueue_indirect_dma source(%arg14 : memref<96x128xf32, #tpu.memory_space<vmem>>) target(%dma_start3A_204 : memref<1408x128xf32, #tpu.memory_space<vmem_shared>>) offsets(%dma_start3A_201 : memref<96xi32, #tpu.memory_space<vmem>>) semaphore(%run_scoped3A_198 : memref<!tpu.dma_semaphore, #tpu.memory_space<semaphore_mem>>) {add = true}
          %dma_wait3A_205 = arith.constant 0 : i32
          %dma_wait3A_206 = tpu.memref_slice %arg13[%run_scoped3A, %dma_wait3A_205] : memref<1x96xi32, #tpu.memory_space<vmem>> -> memref<1x96xi32, #tpu.memory_space<vmem>>
          %dma_wait3A_207 = tpu.memref_squeeze %dma_wait3A_206 : memref<1x96xi32, #tpu.memory_space<vmem>> -> memref<96xi32, #tpu.memory_space<vmem>>
          %dma_wait3A_208 = arith.constant 0 : i32
          %dma_wait3A_209 = arith.constant 0 : i32
          %dma_wait3A_210 = tpu.memref_slice %arg15[%dma_wait3A_208, %dma_wait3A_209] : memref<1408x128xf32, #tpu.memory_space<vmem_shared>> -> memref<1408x128xf32, #tpu.memory_space<vmem_shared>>
          tpu.wait_indirect_dma semaphore(%run_scoped3A_198 : memref<!tpu.dma_semaphore, #tpu.memory_space<semaphore_mem>>) src(%arg14 : memref<96x128xf32, #tpu.memory_space<vmem>>) dst(%dma_wait3A_210 : memref<1408x128xf32, #tpu.memory_space<vmem_shared>>)
          tpu.yield
        }) : () -> ()
      }
      %while3A_96 = arith.constant 1 : i32
      scf.for %while3A_130 = %while3A_94 to %while3A_90 step %while3A_96  : i32 {
        %mul3A_131 = arith.constant 96 : i32
        %mul3A_132 = arith.muli %while3A_130, %mul3A_131 : i32
        %add3A_133 = arith.constant 0 : i32
        %add3A_134 = arith.addi %mul3A_132, %add3A_133 : i32
        %get3A = arith.index_cast %add3A_134 : i32 to index
        %get3A_135 = tpu.vector_load %arg12[%get3A] {strides = array<i32>} : memref<20192xi32, #tpu.memory_space<vmem>>, vector<16xi32>,
        %swap3A_136 = arith.constant 0 : i32
        %swap3A_137 = arith.index_cast %swap3A_136 : i32 to index
        %swap3A_138 = arith.constant 0 : index
        %swap3A_139 = tpu.vector_load %arg13[%swap3A_137, %swap3A_138] {strides = array<i32>} : memref<1x96xi32, #tpu.memory_space<vmem>>, vector<16xi32>,
        tpu.vector_store %arg13[%swap3A_137, %swap3A_138], %get3A_135 {strides = array<i32>} : memref<1x96xi32, #tpu.memory_space<vmem>>, vector<16xi32>,
        %mul3A_140 = arith.constant 96 : i32
        %mul3A_141 = arith.muli %while3A_130, %mul3A_140 : i32
        %add3A_142 = arith.constant 16 : i32
        %add3A_143 = arith.addi %mul3A_141, %add3A_142 : i32
        %get3A_144 = arith.index_cast %add3A_143 : i32 to index
        %get3A_145 = tpu.vector_load %arg12[%get3A_144] {strides = array<i32>} : memref<20192xi32, #tpu.memory_space<vmem>>, vector<16xi32>,
        %swap3A_146 = arith.constant 0 : i32
        %swap3A_147 = arith.index_cast %swap3A_146 : i32 to index
        %swap3A_148 = arith.constant 16 : index
        %swap3A_149 = tpu.vector_load %arg13[%swap3A_147, %swap3A_148] {strides = array<i32>} : memref<1x96xi32, #tpu.memory_space<vmem>>, vector<16xi32>,
        tpu.vector_store %arg13[%swap3A_147, %swap3A_148], %get3A_145 {strides = array<i32>} : memref<1x96xi32, #tpu.memory_space<vmem>>, vector<16xi32>,
        %mul3A_150 = arith.constant 96 : i32
        %mul3A_151 = arith.muli %while3A_130, %mul3A_150 : i32
        %add3A_152 = arith.constant 32 : i32
        %add3A_153 = arith.addi %mul3A_151, %add3A_152 : i32
        %get3A_154 = arith.index_cast %add3A_153 : i32 to index
        %get3A_155 = tpu.vector_load %arg12[%get3A_154] {strides = array<i32>} : memref<20192xi32, #tpu.memory_space<vmem>>, vector<16xi32>,
        %swap3A_156 = arith.constant 0 : i32
        %swap3A_157 = arith.index_cast %swap3A_156 : i32 to index
        %swap3A_158 = arith.constant 32 : index
        %swap3A_159 = tpu.vector_load %arg13[%swap3A_157, %swap3A_158] {strides = array<i32>} : memref<1x96xi32, #tpu.memory_space<vmem>>, vector<16xi32>,
        tpu.vector_store %arg13[%swap3A_157, %swap3A_158], %get3A_155 {strides = array<i32>} : memref<1x96xi32, #tpu.memory_space<vmem>>, vector<16xi32>,
        %mul3A_160 = arith.constant 96 : i32
        %mul3A_161 = arith.muli %while3A_130, %mul3A_160 : i32
        %add3A_162 = arith.constant 48 : i32
        %add3A_163 = arith.addi %mul3A_161, %add3A_162 : i32
        %get3A_164 = arith.index_cast %add3A_163 : i32 to index
        %get3A_165 = tpu.vector_load %arg12[%get3A_164] {strides = array<i32>} : memref<20192xi32, #tpu.memory_space<vmem>>, vector<16xi32>,
        %swap3A_166 = arith.constant 0 : i32
        %swap3A_167 = arith.index_cast %swap3A_166 : i32 to index
        %swap3A_168 = arith.constant 48 : index
        %swap3A_169 = tpu.vector_load %arg13[%swap3A_167, %swap3A_168] {strides = array<i32>} : memref<1x96xi32, #tpu.memory_space<vmem>>, vector<16xi32>,
        tpu.vector_store %arg13[%swap3A_167, %swap3A_168], %get3A_165 {strides = array<i32>} : memref<1x96xi32, #tpu.memory_space<vmem>>, vector<16xi32>,
        %mul3A_170 = arith.constant 96 : i32
        %mul3A_171 = arith.muli %while3A_130, %mul3A_170 : i32
        %add3A_172 = arith.constant 64 : i32
        %add3A_173 = arith.addi %mul3A_171, %add3A_172 : i32
        %get3A_174 = arith.index_cast %add3A_173 : i32 to index
        %get3A_175 = tpu.vector_load %arg12[%get3A_174] {strides = array<i32>} : memref<20192xi32, #tpu.memory_space<vmem>>, vector<16xi32>,
        %swap3A_176 = arith.constant 0 : i32
        %swap3A_177 = arith.index_cast %swap3A_176 : i32 to index
        %swap3A_178 = arith.constant 64 : index
        %swap3A_179 = tpu.vector_load %arg13[%swap3A_177, %swap3A_178] {strides = array<i32>} : memref<1x96xi32, #tpu.memory_space<vmem>>, vector<16xi32>,
        tpu.vector_store %arg13[%swap3A_177, %swap3A_178], %get3A_175 {strides = array<i32>} : memref<1x96xi32, #tpu.memory_space<vmem>>, vector<16xi32>,
        %mul3A_180 = arith.constant 96 : i32
        %mul3A_181 = arith.muli %while3A_130, %mul3A_180 : i32
        %add3A_182 = arith.constant 80 : i32
        %add3A_183 = arith.addi %mul3A_181, %add3A_182 : i32
        %get3A_184 = arith.index_cast %add3A_183 : i32 to index
        %get3A_185 = tpu.vector_load %arg12[%get3A_184] {strides = array<i32>} : memref<20192xi32, #tpu.memory_space<vmem>>, vector<16xi32>,
        %swap3A_186 = arith.constant 0 : i32
        %swap3A_187 = arith.index_cast %swap3A_186 : i32 to index
        %swap3A_188 = arith.constant 80 : index
        %swap3A_189 = tpu.vector_load %arg13[%swap3A_187, %swap3A_188] {strides = array<i32>} : memref<1x96xi32, #tpu.memory_space<vmem>>, vector<16xi32>,
        tpu.vector_store %arg13[%swap3A_187, %swap3A_188], %get3A_185 {strides = array<i32>} : memref<1x96xi32, #tpu.memory_space<vmem>>, vector<16xi32>,
        %mul3A_190 = arith.constant 96 : i32
        %mul3A_191 = arith.muli %while3A_130, %mul3A_190 : i32
        %dma_start3A = tpu.memref_slice %arg11[%mul3A_191] : memref<20192xi32, #tpu.memory_space<vmem>> -> memref<96xi32, #tpu.memory_space<vmem>>
        %dma_start3A_192 = arith.constant 0 : i32
        %dma_start3A_193 = arith.constant 0 : i32
        %dma_start3A_194 = tpu.memref_slice %arg2[%dma_start3A_192, %dma_start3A_193] : memref<20480x128xf32, #tpu.memory_space<hbm>> -> memref<20480x128xf32, #tpu.memory_space<hbm>>
        tpu.enqueue_indirect_dma source(%dma_start3A_194 : memref<20480x128xf32, #tpu.memory_space<hbm>>) target(%arg14 : memref<96x128xf32, #tpu.memory_space<vmem>>) offsets(%dma_start3A : memref<96xi32, #tpu.memory_space<vmem>>) semaphore(%arg16 : memref<!tpu.dma_semaphore, #tpu.memory_space<semaphore_mem>>)
        %dma_wait3A = tpu.memref_slice %arg11[%mul3A_191] : memref<20192xi32, #tpu.memory_space<vmem>> -> memref<96xi32, #tpu.memory_space<vmem>>
        %dma_wait3A_195 = arith.constant 0 : i32
        %dma_wait3A_196 = arith.constant 0 : i32
        %dma_wait3A_197 = tpu.memref_slice %arg2[%dma_wait3A_195, %dma_wait3A_196] : memref<20480x128xf32, #tpu.memory_space<hbm>> -> memref<20480x128xf32, #tpu.memory_space<hbm>>
        tpu.wait_indirect_dma semaphore(%arg16 : memref<!tpu.dma_semaphore, #tpu.memory_space<semaphore_mem>>) src(%dma_wait3A_197 : memref<20480x128xf32, #tpu.memory_space<hbm>>) dst(%arg14 : memref<96x128xf32, #tpu.memory_space<vmem>>)
        %run_scoped3A = arith.constant 0 : i32
        "tpu.region"() ({
          %run_scoped3A_198 = tpu.sem_alloc : memref<!tpu.dma_semaphore, #tpu.memory_space<semaphore_mem>>
          %dma_start3A_199 = arith.constant 0 : i32
          %dma_start3A_200 = tpu.memref_slice %arg13[%run_scoped3A, %dma_start3A_199] : memref<1x96xi32, #tpu.memory_space<vmem>> -> memref<1x96xi32, #tpu.memory_space<vmem>>
          %dma_start3A_201 = tpu.memref_squeeze %dma_start3A_200 : memref<1x96xi32, #tpu.memory_space<vmem>> -> memref<96xi32, #tpu.memory_space<vmem>>
          %dma_start3A_202 = arith.constant 0 : i32
          %dma_start3A_203 = arith.constant 0 : i32
          %dma_start3A_204 = tpu.memref_slice %arg15[%dma_start3A_202, %dma_start3A_203] : memref<1408x128xf32, #tpu.memory_space<vmem_shared>> -> memref<1408x128xf32, #tpu.memory_space<vmem_shared>>
          tpu.enqueue_indirect_dma source(%arg14 : memref<96x128xf32, #tpu.memory_space<vmem>>) target(%dma_start3A_204 : memref<1408x128xf32, #tpu.memory_space<vmem_shared>>) offsets(%dma_start3A_201 : memref<96xi32, #tpu.memory_space<vmem>>) semaphore(%run_scoped3A_198 : memref<!tpu.dma_semaphore, #tpu.memory_space<semaphore_mem>>) {add = true}
          %dma_wait3A_205 = arith.constant 0 : i32
          %dma_wait3A_206 = tpu.memref_slice %arg13[%run_scoped3A, %dma_wait3A_205] : memref<1x96xi32, #tpu.memory_space<vmem>> -> memref<1x96xi32, #tpu.memory_space<vmem>>
          %dma_wait3A_207 = tpu.memref_squeeze %dma_wait3A_206 : memref<1x96xi32, #tpu.memory_space<vmem>> -> memref<96xi32, #tpu.memory_space<vmem>>
          %dma_wait3A_208 = arith.constant 0 : i32
          %dma_wait3A_209 = arith.constant 0 : i32
          %dma_wait3A_210 = tpu.memref_slice %arg15[%dma_wait3A_208, %dma_wait3A_209] : memref<1408x128xf32, #tpu.memory_space<vmem_shared>> -> memref<1408x128xf32, #tpu.memory_space<vmem_shared>>
          tpu.wait_indirect_dma semaphore(%run_scoped3A_198 : memref<!tpu.dma_semaphore, #tpu.memory_space<semaphore_mem>>) src(%arg14 : memref<96x128xf32, #tpu.memory_space<vmem>>) dst(%dma_wait3A_210 : memref<1408x128xf32, #tpu.memory_space<vmem_shared>>)
          tpu.yield
        }) : () -> ()
      }
      %barrier3A_97 = arith.constant 0 : index
      tpu.barrier barrier_id(%barrier3A_97)
      %mul3A_98 = arith.constant 10240 : i32
      %mul3A_99 = arith.muli %arg0, %mul3A_98 : i32
      %mul3A_100 = arith.constant 1280 : i32
      %mul3A_101 = arith.muli %scan3A_8, %mul3A_100 : i32
      %add3A_102 = arith.addi %mul3A_99, %mul3A_101 : i32
      %add3A_103 = arith.addi %add3A_102, %mul3A_2 : i32
      "tpu.region"() ({
        %run_scoped3A = tpu.sem_alloc : memref<!tpu.dma_semaphore, #tpu.memory_space<semaphore_mem>>
        %dma_start3A = arith.constant 0 : i32
        %dma_start3A_130 = tpu.memref_slice %arg7[%add3A_103, %dma_start3A] : memref<20480x128xf32, #tpu.memory_space<hbm>> -> memref<80x128xf32, #tpu.memory_space<hbm>>
        %dma_start3A_131 = arith.constant 0 : i32
        %dma_start3A_132 = tpu.memref_slice %arg15[%mul3A_2, %dma_start3A_131] : memref<1408x128xf32, #tpu.memory_space<vmem_shared>> -> memref<80x128xf32, #tpu.memory_space<vmem_shared>>
        tpu.enqueue_dma source(%dma_start3A_132 : memref<80x128xf32, #tpu.memory_space<vmem_shared>>) target(%dma_start3A_130 : memref<80x128xf32, #tpu.memory_space<hbm>>) target_semaphore(%run_scoped3A : memref<!tpu.dma_semaphore, #tpu.memory_space<semaphore_mem>>)
        %dma_wait3A = arith.constant 0 : i32
        %dma_wait3A_133 = tpu.memref_slice %arg7[%add3A_103, %dma_wait3A] : memref<20480x128xf32, #tpu.memory_space<hbm>> -> memref<80x128xf32, #tpu.memory_space<hbm>>
        %dma_wait3A_134 = arith.constant 0 : i32
        %dma_wait3A_135 = tpu.memref_slice %arg15[%mul3A_2, %dma_wait3A_134] : memref<1408x128xf32, #tpu.memory_space<vmem_shared>> -> memref<80x128xf32, #tpu.memory_space<vmem_shared>>
        tpu.wait_dma2 semaphore(%run_scoped3A : memref<!tpu.dma_semaphore, #tpu.memory_space<semaphore_mem>>) src(%dma_wait3A_135 : memref<80x128xf32, #tpu.memory_space<vmem_shared>>) dst(%dma_wait3A_133 : memref<80x128xf32, #tpu.memory_space<hbm>>)
        tpu.yield
      }) : () -> ()
      "tpu.region"() ({
        %run_scoped3A = tpu.sem_alloc : memref<!tpu.dma_semaphore, #tpu.memory_space<semaphore_mem>>
        %dma_start3A = arith.constant 0 : i32
        %dma_start3A_130 = tpu.memref_slice %arg15[%mul3A_0, %dma_start3A] : memref<1408x128xf32, #tpu.memory_space<vmem_shared>> -> memref<88x128xf32, #tpu.memory_space<vmem_shared>>
        %dma_start3A_131 = arith.constant 0 : i32
        %dma_start3A_132 = tpu.memref_slice %arg5[%mul3A_0, %dma_start3A_131] : memref<1408x128xf32, #tpu.memory_space<hbm>> -> memref<88x128xf32, #tpu.memory_space<hbm>>
        tpu.enqueue_dma source(%dma_start3A_132 : memref<88x128xf32, #tpu.memory_space<hbm>>) target(%dma_start3A_130 : memref<88x128xf32, #tpu.memory_space<vmem_shared>>) target_semaphore(%run_scoped3A : memref<!tpu.dma_semaphore, #tpu.memory_space<semaphore_mem>>)
        %dma_wait3A = arith.constant 0 : i32
        %dma_wait3A_133 = tpu.memref_slice %arg15[%mul3A_0, %dma_wait3A] : memref<1408x128xf32, #tpu.memory_space<vmem_shared>> -> memref<88x128xf32, #tpu.memory_space<vmem_shared>>
        %dma_wait3A_134 = arith.constant 0 : i32
        %dma_wait3A_135 = tpu.memref_slice %arg5[%mul3A_0, %dma_wait3A_134] : memref<1408x128xf32, #tpu.memory_space<hbm>> -> memref<88x128xf32, #tpu.memory_space<hbm>>
        tpu.wait_dma2 semaphore(%run_scoped3A : memref<!tpu.dma_semaphore, #tpu.memory_space<semaphore_mem>>) src(%dma_wait3A_135 : memref<88x128xf32, #tpu.memory_space<hbm>>) dst(%dma_wait3A_133 : memref<88x128xf32, #tpu.memory_space<vmem_shared>>)
        tpu.yield
      }) : () -> ()
      %barrier3A_104 = arith.constant 0 : index
      tpu.barrier barrier_id(%barrier3A_104)
      %jit3A_105 = arith.constant 4 : i32
      %div3A_106 = arith.divsi %scan3A_8, %jit3A_105 : i32
      %sign3A_107 = arith.constant 0 : i32
      %sign3A_108 = arith.cmpi sgt, %scan3A_8, %sign3A_107 : i32
      %sign3A_109 = arith.extui %sign3A_108 : i1 to i32
      %sign3A_110 = arith.constant 0 : i32
      %sign3A_111 = arith.cmpi slt, %scan3A_8, %sign3A_110 : i32
      %sign3A_112 = arith.extui %sign3A_111 : i1 to i32
      %sign3A_113 = arith.subi %sign3A_109, %sign3A_112 : i32
      %sign3A_114 = arith.constant 0 : i32
      %sign3A_115 = arith.cmpi sgt, %jit3A_105, %sign3A_114 : i32
      %sign3A_116 = arith.extui %sign3A_115 : i1 to i32
      %sign3A_117 = arith.constant 0 : i32
      %sign3A_118 = arith.cmpi slt, %jit3A_105, %sign3A_117 : i32
      %sign3A_119 = arith.extui %sign3A_118 : i1 to i32
      %sign3A_120 = arith.subi %sign3A_116, %sign3A_119 : i32
      %ne3A_121 = arith.cmpi ne, %sign3A_113, %sign3A_120 : i32
      %rem3A_122 = arith.remsi %scan3A_8, %jit3A_105 : i32
      %ne3A_123 = arith.constant 0 : i32
      %ne3A_124 = arith.cmpi ne, %rem3A_122, %ne3A_123 : i32
      %and3A_125 = arith.andi %ne3A_121, %ne3A_124 : i1
      %sub3A_126 = arith.constant 1 : i32
      %sub3A_127 = arith.subi %div3A_106, %sub3A_126 : i32
      %select_n3A_128 = arith.select %and3A_125, %sub3A_127, %div3A_106 : i32
      %eq3A = arith.cmpi eq, %arg0, %select_n3A_128 : i32
      %convert_element_type3A = arith.extui %eq3A : i1 to i32
      %cond3A = arith.constant 0 : i32
      %cond3A_129 = arith.cmpi ne, %convert_element_type3A, %cond3A : i32
      scf.if %cond3A_129 {
        "tpu.region"() ({
          %run_scoped3A = tpu.sem_alloc : memref<!tpu.dma_semaphore, #tpu.memory_space<semaphore_mem>>
          tpu.enqueue_dma source(%arg6 : memref<96x128xf32, #tpu.memory_space<hbm>>) target(%arg14 : memref<96x128xf32, #tpu.memory_space<vmem>>) target_semaphore(%run_scoped3A : memref<!tpu.dma_semaphore, #tpu.memory_space<semaphore_mem>>)
          tpu.wait_dma2 semaphore(%run_scoped3A : memref<!tpu.dma_semaphore, #tpu.memory_space<semaphore_mem>>) src(%arg6 : memref<96x128xf32, #tpu.memory_space<hbm>>) dst(%arg14 : memref<96x128xf32, #tpu.memory_space<vmem>>)
          tpu.yield
        }) : () -> ()
        %while3A_130 = arith.constant 0 : i32
        %while3A_131 = arith.constant 0 : i32
        %while3A_132 = arith.subi %select_n3A, %while3A_131 : i32
        %while3A_133 = arith.addi %while3A_131, %while3A_132 : i32
        %while3A_134 = arith.constant 1 : i32
        %while3A_135 = arith.divsi %while3A_132, %while3A_134 : i32
        %while3A_136 = arith.muli %while3A_135, %while3A_134 : i32
        %while3A_137 = arith.addi %while3A_131, %while3A_136 : i32
        %while3A_138 = arith.constant 1 : i32
        scf.for %while3A_145 = %while3A_131 to %while3A_137 step %while3A_138  : i32 {
          %mul3A_146 = arith.constant 96 : i32
          %mul3A_147 = arith.muli %while3A_145, %mul3A_146 : i32
          %add3A_148 = arith.constant 0 : i32
          %add3A_149 = arith.addi %mul3A_147, %add3A_148 : i32
          %get3A = arith.index_cast %add3A_149 : i32 to index
          %get3A_150 = tpu.vector_load %arg12[%get3A] {strides = array<i32>} : memref<20192xi32, #tpu.memory_space<vmem>>, vector<16xi32>,
          %swap3A_151 = arith.constant 0 : i32
          %swap3A_152 = arith.index_cast %swap3A_151 : i32 to index
          %swap3A_153 = arith.constant 0 : index
          %swap3A_154 = tpu.vector_load %arg13[%swap3A_152, %swap3A_153] {strides = array<i32>} : memref<1x96xi32, #tpu.memory_space<vmem>>, vector<16xi32>,
          tpu.vector_store %arg13[%swap3A_152, %swap3A_153], %get3A_150 {strides = array<i32>} : memref<1x96xi32, #tpu.memory_space<vmem>>, vector<16xi32>,
          %mul3A_155 = arith.constant 96 : i32
          %mul3A_156 = arith.muli %while3A_145, %mul3A_155 : i32
          %add3A_157 = arith.constant 16 : i32
          %add3A_158 = arith.addi %mul3A_156, %add3A_157 : i32
          %get3A_159 = arith.index_cast %add3A_158 : i32 to index
          %get3A_160 = tpu.vector_load %arg12[%get3A_159] {strides = array<i32>} : memref<20192xi32, #tpu.memory_space<vmem>>, vector<16xi32>,
          %swap3A_161 = arith.constant 0 : i32
          %swap3A_162 = arith.index_cast %swap3A_161 : i32 to index
          %swap3A_163 = arith.constant 16 : index
          %swap3A_164 = tpu.vector_load %arg13[%swap3A_162, %swap3A_163] {strides = array<i32>} : memref<1x96xi32, #tpu.memory_space<vmem>>, vector<16xi32>,
          tpu.vector_store %arg13[%swap3A_162, %swap3A_163], %get3A_160 {strides = array<i32>} : memref<1x96xi32, #tpu.memory_space<vmem>>, vector<16xi32>,
          %mul3A_165 = arith.constant 96 : i32
          %mul3A_166 = arith.muli %while3A_145, %mul3A_165 : i32
          %add3A_167 = arith.constant 32 : i32
          %add3A_168 = arith.addi %mul3A_166, %add3A_167 : i32
          %get3A_169 = arith.index_cast %add3A_168 : i32 to index
          %get3A_170 = tpu.vector_load %arg12[%get3A_169] {strides = array<i32>} : memref<20192xi32, #tpu.memory_space<vmem>>, vector<16xi32>,
          %swap3A_171 = arith.constant 0 : i32
          %swap3A_172 = arith.index_cast %swap3A_171 : i32 to index
          %swap3A_173 = arith.constant 32 : index
          %swap3A_174 = tpu.vector_load %arg13[%swap3A_172, %swap3A_173] {strides = array<i32>} : memref<1x96xi32, #tpu.memory_space<vmem>>, vector<16xi32>,
          tpu.vector_store %arg13[%swap3A_172, %swap3A_173], %get3A_170 {strides = array<i32>} : memref<1x96xi32, #tpu.memory_space<vmem>>, vector<16xi32>,
          %mul3A_175 = arith.constant 96 : i32
          %mul3A_176 = arith.muli %while3A_145, %mul3A_175 : i32
          %add3A_177 = arith.constant 48 : i32
          %add3A_178 = arith.addi %mul3A_176, %add3A_177 : i32
          %get3A_179 = arith.index_cast %add3A_178 : i32 to index
          %get3A_180 = tpu.vector_load %arg12[%get3A_179] {strides = array<i32>} : memref<20192xi32, #tpu.memory_space<vmem>>, vector<16xi32>,
          %swap3A_181 = arith.constant 0 : i32
          %swap3A_182 = arith.index_cast %swap3A_181 : i32 to index
          %swap3A_183 = arith.constant 48 : index
          %swap3A_184 = tpu.vector_load %arg13[%swap3A_182, %swap3A_183] {strides = array<i32>} : memref<1x96xi32, #tpu.memory_space<vmem>>, vector<16xi32>,
          tpu.vector_store %arg13[%swap3A_182, %swap3A_183], %get3A_180 {strides = array<i32>} : memref<1x96xi32, #tpu.memory_space<vmem>>, vector<16xi32>,
          %mul3A_185 = arith.constant 96 : i32
          %mul3A_186 = arith.muli %while3A_145, %mul3A_185 : i32
          %add3A_187 = arith.constant 64 : i32
          %add3A_188 = arith.addi %mul3A_186, %add3A_187 : i32
          %get3A_189 = arith.index_cast %add3A_188 : i32 to index
          %get3A_190 = tpu.vector_load %arg12[%get3A_189] {strides = array<i32>} : memref<20192xi32, #tpu.memory_space<vmem>>, vector<16xi32>,
          %swap3A_191 = arith.constant 0 : i32
          %swap3A_192 = arith.index_cast %swap3A_191 : i32 to index
          %swap3A_193 = arith.constant 64 : index
          %swap3A_194 = tpu.vector_load %arg13[%swap3A_192, %swap3A_193] {strides = array<i32>} : memref<1x96xi32, #tpu.memory_space<vmem>>, vector<16xi32>,
          tpu.vector_store %arg13[%swap3A_192, %swap3A_193], %get3A_190 {strides = array<i32>} : memref<1x96xi32, #tpu.memory_space<vmem>>, vector<16xi32>,
          %mul3A_195 = arith.constant 96 : i32
          %mul3A_196 = arith.muli %while3A_145, %mul3A_195 : i32
          %add3A_197 = arith.constant 80 : i32
          %add3A_198 = arith.addi %mul3A_196, %add3A_197 : i32
          %get3A_199 = arith.index_cast %add3A_198 : i32 to index
          %get3A_200 = tpu.vector_load %arg12[%get3A_199] {strides = array<i32>} : memref<20192xi32, #tpu.memory_space<vmem>>, vector<16xi32>,
          %swap3A_201 = arith.constant 0 : i32
          %swap3A_202 = arith.index_cast %swap3A_201 : i32 to index
          %swap3A_203 = arith.constant 80 : index
          %swap3A_204 = tpu.vector_load %arg13[%swap3A_202, %swap3A_203] {strides = array<i32>} : memref<1x96xi32, #tpu.memory_space<vmem>>, vector<16xi32>,
          tpu.vector_store %arg13[%swap3A_202, %swap3A_203], %get3A_200 {strides = array<i32>} : memref<1x96xi32, #tpu.memory_space<vmem>>, vector<16xi32>,
          %run_scoped3A = arith.constant 0 : i32
          "tpu.region"() ({
            %run_scoped3A_205 = tpu.sem_alloc : memref<!tpu.dma_semaphore, #tpu.memory_space<semaphore_mem>>
            %dma_start3A = arith.constant 0 : i32
            %dma_start3A_206 = tpu.memref_slice %arg13[%run_scoped3A, %dma_start3A] : memref<1x96xi32, #tpu.memory_space<vmem>> -> memref<1x96xi32, #tpu.memory_space<vmem>>
            %dma_start3A_207 = tpu.memref_squeeze %dma_start3A_206 : memref<1x96xi32, #tpu.memory_space<vmem>> -> memref<96xi32, #tpu.memory_space<vmem>>
            %dma_start3A_208 = arith.constant 0 : i32
            %dma_start3A_209 = arith.constant 0 : i32
            %dma_start3A_210 = tpu.memref_slice %arg15[%dma_start3A_208, %dma_start3A_209] : memref<1408x128xf32, #tpu.memory_space<vmem_shared>> -> memref<1408x128xf32, #tpu.memory_space<vmem_shared>>
            tpu.enqueue_indirect_dma source(%arg14 : memref<96x128xf32, #tpu.memory_space<vmem>>) target(%dma_start3A_210 : memref<1408x128xf32, #tpu.memory_space<vmem_shared>>) offsets(%dma_start3A_207 : memref<96xi32, #tpu.memory_space<vmem>>) semaphore(%run_scoped3A_205 : memref<!tpu.dma_semaphore, #tpu.memory_space<semaphore_mem>>) {add = true}
            %dma_wait3A = arith.constant 0 : i32
            %dma_wait3A_211 = tpu.memref_slice %arg13[%run_scoped3A, %dma_wait3A] : memref<1x96xi32, #tpu.memory_space<vmem>> -> memref<1x96xi32, #tpu.memory_space<vmem>>
            %dma_wait3A_212 = tpu.memref_squeeze %dma_wait3A_211 : memref<1x96xi32, #tpu.memory_space<vmem>> -> memref<96xi32, #tpu.memory_space<vmem>>
            %dma_wait3A_213 = arith.constant 0 : i32
            %dma_wait3A_214 = arith.constant 0 : i32
            %dma_wait3A_215 = tpu.memref_slice %arg15[%dma_wait3A_213, %dma_wait3A_214] : memref<1408x128xf32, #tpu.memory_space<vmem_shared>> -> memref<1408x128xf32, #tpu.memory_space<vmem_shared>>
            tpu.wait_indirect_dma semaphore(%run_scoped3A_205 : memref<!tpu.dma_semaphore, #tpu.memory_space<semaphore_mem>>) src(%arg14 : memref<96x128xf32, #tpu.memory_space<vmem>>) dst(%dma_wait3A_215 : memref<1408x128xf32, #tpu.memory_space<vmem_shared>>)
            tpu.yield
          }) : () -> ()
        }
        %while3A_139 = arith.constant 1 : i32
        scf.for %while3A_145 = %while3A_137 to %while3A_133 step %while3A_139  : i32 {
          %mul3A_146 = arith.constant 96 : i32
          %mul3A_147 = arith.muli %while3A_145, %mul3A_146 : i32
          %add3A_148 = arith.constant 0 : i32
          %add3A_149 = arith.addi %mul3A_147, %add3A_148 : i32
          %get3A = arith.index_cast %add3A_149 : i32 to index
          %get3A_150 = tpu.vector_load %arg12[%get3A] {strides = array<i32>} : memref<20192xi32, #tpu.memory_space<vmem>>, vector<16xi32>,
          %swap3A_151 = arith.constant 0 : i32
          %swap3A_152 = arith.index_cast %swap3A_151 : i32 to index
          %swap3A_153 = arith.constant 0 : index
          %swap3A_154 = tpu.vector_load %arg13[%swap3A_152, %swap3A_153] {strides = array<i32>} : memref<1x96xi32, #tpu.memory_space<vmem>>, vector<16xi32>,
          tpu.vector_store %arg13[%swap3A_152, %swap3A_153], %get3A_150 {strides = array<i32>} : memref<1x96xi32, #tpu.memory_space<vmem>>, vector<16xi32>,
          %mul3A_155 = arith.constant 96 : i32
          %mul3A_156 = arith.muli %while3A_145, %mul3A_155 : i32
          %add3A_157 = arith.constant 16 : i32
          %add3A_158 = arith.addi %mul3A_156, %add3A_157 : i32
          %get3A_159 = arith.index_cast %add3A_158 : i32 to index
          %get3A_160 = tpu.vector_load %arg12[%get3A_159] {strides = array<i32>} : memref<20192xi32, #tpu.memory_space<vmem>>, vector<16xi32>,
          %swap3A_161 = arith.constant 0 : i32
          %swap3A_162 = arith.index_cast %swap3A_161 : i32 to index
          %swap3A_163 = arith.constant 16 : index
          %swap3A_164 = tpu.vector_load %arg13[%swap3A_162, %swap3A_163] {strides = array<i32>} : memref<1x96xi32, #tpu.memory_space<vmem>>, vector<16xi32>,
          tpu.vector_store %arg13[%swap3A_162, %swap3A_163], %get3A_160 {strides = array<i32>} : memref<1x96xi32, #tpu.memory_space<vmem>>, vector<16xi32>,
          %mul3A_165 = arith.constant 96 : i32
          %mul3A_166 = arith.muli %while3A_145, %mul3A_165 : i32
          %add3A_167 = arith.constant 32 : i32
          %add3A_168 = arith.addi %mul3A_166, %add3A_167 : i32
          %get3A_169 = arith.index_cast %add3A_168 : i32 to index
          %get3A_170 = tpu.vector_load %arg12[%get3A_169] {strides = array<i32>} : memref<20192xi32, #tpu.memory_space<vmem>>, vector<16xi32>,
          %swap3A_171 = arith.constant 0 : i32
          %swap3A_172 = arith.index_cast %swap3A_171 : i32 to index
          %swap3A_173 = arith.constant 32 : index
          %swap3A_174 = tpu.vector_load %arg13[%swap3A_172, %swap3A_173] {strides = array<i32>} : memref<1x96xi32, #tpu.memory_space<vmem>>, vector<16xi32>,
          tpu.vector_store %arg13[%swap3A_172, %swap3A_173], %get3A_170 {strides = array<i32>} : memref<1x96xi32, #tpu.memory_space<vmem>>, vector<16xi32>,
          %mul3A_175 = arith.constant 96 : i32
          %mul3A_176 = arith.muli %while3A_145, %mul3A_175 : i32
          %add3A_177 = arith.constant 48 : i32
          %add3A_178 = arith.addi %mul3A_176, %add3A_177 : i32
          %get3A_179 = arith.index_cast %add3A_178 : i32 to index
          %get3A_180 = tpu.vector_load %arg12[%get3A_179] {strides = array<i32>} : memref<20192xi32, #tpu.memory_space<vmem>>, vector<16xi32>,
          %swap3A_181 = arith.constant 0 : i32
          %swap3A_182 = arith.index_cast %swap3A_181 : i32 to index
          %swap3A_183 = arith.constant 48 : index
          %swap3A_184 = tpu.vector_load %arg13[%swap3A_182, %swap3A_183] {strides = array<i32>} : memref<1x96xi32, #tpu.memory_space<vmem>>, vector<16xi32>,
          tpu.vector_store %arg13[%swap3A_182, %swap3A_183], %get3A_180 {strides = array<i32>} : memref<1x96xi32, #tpu.memory_space<vmem>>, vector<16xi32>,
          %mul3A_185 = arith.constant 96 : i32
          %mul3A_186 = arith.muli %while3A_145, %mul3A_185 : i32
          %add3A_187 = arith.constant 64 : i32
          %add3A_188 = arith.addi %mul3A_186, %add3A_187 : i32
          %get3A_189 = arith.index_cast %add3A_188 : i32 to index
          %get3A_190 = tpu.vector_load %arg12[%get3A_189] {strides = array<i32>} : memref<20192xi32, #tpu.memory_space<vmem>>, vector<16xi32>,
          %swap3A_191 = arith.constant 0 : i32
          %swap3A_192 = arith.index_cast %swap3A_191 : i32 to index
          %swap3A_193 = arith.constant 64 : index
          %swap3A_194 = tpu.vector_load %arg13[%swap3A_192, %swap3A_193] {strides = array<i32>} : memref<1x96xi32, #tpu.memory_space<vmem>>, vector<16xi32>,
          tpu.vector_store %arg13[%swap3A_192, %swap3A_193], %get3A_190 {strides = array<i32>} : memref<1x96xi32, #tpu.memory_space<vmem>>, vector<16xi32>,
          %mul3A_195 = arith.constant 96 : i32
          %mul3A_196 = arith.muli %while3A_145, %mul3A_195 : i32
          %add3A_197 = arith.constant 80 : i32
          %add3A_198 = arith.addi %mul3A_196, %add3A_197 : i32
          %get3A_199 = arith.index_cast %add3A_198 : i32 to index
          %get3A_200 = tpu.vector_load %arg12[%get3A_199] {strides = array<i32>} : memref<20192xi32, #tpu.memory_space<vmem>>, vector<16xi32>,
          %swap3A_201 = arith.constant 0 : i32
          %swap3A_202 = arith.index_cast %swap3A_201 : i32 to index
          %swap3A_203 = arith.constant 80 : index
          %swap3A_204 = tpu.vector_load %arg13[%swap3A_202, %swap3A_203] {strides = array<i32>} : memref<1x96xi32, #tpu.memory_space<vmem>>, vector<16xi32>,
          tpu.vector_store %arg13[%swap3A_202, %swap3A_203], %get3A_200 {strides = array<i32>} : memref<1x96xi32, #tpu.memory_space<vmem>>, vector<16xi32>,
          %run_scoped3A = arith.constant 0 : i32
          "tpu.region"() ({
            %run_scoped3A_205 = tpu.sem_alloc : memref<!tpu.dma_semaphore, #tpu.memory_space<semaphore_mem>>
            %dma_start3A = arith.constant 0 : i32
            %dma_start3A_206 = tpu.memref_slice %arg13[%run_scoped3A, %dma_start3A] : memref<1x96xi32, #tpu.memory_space<vmem>> -> memref<1x96xi32, #tpu.memory_space<vmem>>
            %dma_start3A_207 = tpu.memref_squeeze %dma_start3A_206 : memref<1x96xi32, #tpu.memory_space<vmem>> -> memref<96xi32, #tpu.memory_space<vmem>>
            %dma_start3A_208 = arith.constant 0 : i32
            %dma_start3A_209 = arith.constant 0 : i32
            %dma_start3A_210 = tpu.memref_slice %arg15[%dma_start3A_208, %dma_start3A_209] : memref<1408x128xf32, #tpu.memory_space<vmem_shared>> -> memref<1408x128xf32, #tpu.memory_space<vmem_shared>>
            tpu.enqueue_indirect_dma source(%arg14 : memref<96x128xf32, #tpu.memory_space<vmem>>) target(%dma_start3A_210 : memref<1408x128xf32, #tpu.memory_space<vmem_shared>>) offsets(%dma_start3A_207 : memref<96xi32, #tpu.memory_space<vmem>>) semaphore(%run_scoped3A_205 : memref<!tpu.dma_semaphore, #tpu.memory_space<semaphore_mem>>) {add = true}
            %dma_wait3A = arith.constant 0 : i32
            %dma_wait3A_211 = tpu.memref_slice %arg13[%run_scoped3A, %dma_wait3A] : memref<1x96xi32, #tpu.memory_space<vmem>> -> memref<1x96xi32, #tpu.memory_space<vmem>>
            %dma_wait3A_212 = tpu.memref_squeeze %dma_wait3A_211 : memref<1x96xi32, #tpu.memory_space<vmem>> -> memref<96xi32, #tpu.memory_space<vmem>>
            %dma_wait3A_213 = arith.constant 0 : i32
            %dma_wait3A_214 = arith.constant 0 : i32
            %dma_wait3A_215 = tpu.memref_slice %arg15[%dma_wait3A_213, %dma_wait3A_214] : memref<1408x128xf32, #tpu.memory_space<vmem_shared>> -> memref<1408x128xf32, #tpu.memory_space<vmem_shared>>
            tpu.wait_indirect_dma semaphore(%run_scoped3A_205 : memref<!tpu.dma_semaphore, #tpu.memory_space<semaphore_mem>>) src(%arg14 : memref<96x128xf32, #tpu.memory_space<vmem>>) dst(%dma_wait3A_215 : memref<1408x128xf32, #tpu.memory_space<vmem_shared>>)
            tpu.yield
          }) : () -> ()
        }
        %barrier3A_140 = arith.constant 0 : index
        tpu.barrier barrier_id(%barrier3A_140)
        %mul3A_141 = arith.constant 1280 : i32
        %mul3A_142 = arith.muli %scan3A_8, %mul3A_141 : i32
        %add3A_143 = arith.addi %mul3A_142, %mul3A_2 : i32
        "tpu.region"() ({
          %run_scoped3A = tpu.sem_alloc : memref<!tpu.dma_semaphore, #tpu.memory_space<semaphore_mem>>
          %dma_start3A = arith.constant 0 : i32
          %dma_start3A_145 = tpu.memref_slice %arg8[%add3A_143, %dma_start3A] : memref<10240x128xf32, #tpu.memory_space<hbm>> -> memref<80x128xf32, #tpu.memory_space<hbm>>
          %dma_start3A_146 = arith.constant 0 : i32
          %dma_start3A_147 = tpu.memref_slice %arg15[%mul3A_2, %dma_start3A_146] : memref<1408x128xf32, #tpu.memory_space<vmem_shared>> -> memref<80x128xf32, #tpu.memory_space<vmem_shared>>
          tpu.enqueue_dma source(%dma_start3A_147 : memref<80x128xf32, #tpu.memory_space<vmem_shared>>) target(%dma_start3A_145 : memref<80x128xf32, #tpu.memory_space<hbm>>) target_semaphore(%run_scoped3A : memref<!tpu.dma_semaphore, #tpu.memory_space<semaphore_mem>>)
          %dma_wait3A = arith.constant 0 : i32
          %dma_wait3A_148 = tpu.memref_slice %arg8[%add3A_143, %dma_wait3A] : memref<10240x128xf32, #tpu.memory_space<hbm>> -> memref<80x128xf32, #tpu.memory_space<hbm>>
          %dma_wait3A_149 = arith.constant 0 : i32
          %dma_wait3A_150 = tpu.memref_slice %arg15[%mul3A_2, %dma_wait3A_149] : memref<1408x128xf32, #tpu.memory_space<vmem_shared>> -> memref<80x128xf32, #tpu.memory_space<vmem_shared>>
          tpu.wait_dma2 semaphore(%run_scoped3A : memref<!tpu.dma_semaphore, #tpu.memory_space<semaphore_mem>>) src(%dma_wait3A_150 : memref<80x128xf32, #tpu.memory_space<vmem_shared>>) dst(%dma_wait3A_148 : memref<80x128xf32, #tpu.memory_space<hbm>>)
          tpu.yield
        }) : () -> ()
        "tpu.region"() ({
          %run_scoped3A = tpu.sem_alloc : memref<!tpu.dma_semaphore, #tpu.memory_space<semaphore_mem>>
          %dma_start3A = arith.constant 0 : i32
          %dma_start3A_145 = tpu.memref_slice %arg15[%mul3A_0, %dma_start3A] : memref<1408x128xf32, #tpu.memory_space<vmem_shared>> -> memref<88x128xf32, #tpu.memory_space<vmem_shared>>
          %dma_start3A_146 = arith.constant 0 : i32
          %dma_start3A_147 = tpu.memref_slice %arg5[%mul3A_0, %dma_start3A_146] : memref<1408x128xf32, #tpu.memory_space<hbm>> -> memref<88x128xf32, #tpu.memory_space<hbm>>
          tpu.enqueue_dma source(%dma_start3A_147 : memref<88x128xf32, #tpu.memory_space<hbm>>) target(%dma_start3A_145 : memref<88x128xf32, #tpu.memory_space<vmem_shared>>) target_semaphore(%run_scoped3A : memref<!tpu.dma_semaphore, #tpu.memory_space<semaphore_mem>>)
          %dma_wait3A = arith.constant 0 : i32
          %dma_wait3A_148 = tpu.memref_slice %arg15[%mul3A_0, %dma_wait3A] : memref<1408x128xf32, #tpu.memory_space<vmem_shared>> -> memref<88x128xf32, #tpu.memory_space<vmem_shared>>
          %dma_wait3A_149 = arith.constant 0 : i32
          %dma_wait3A_150 = tpu.memref_slice %arg5[%mul3A_0, %dma_wait3A_149] : memref<1408x128xf32, #tpu.memory_space<hbm>> -> memref<88x128xf32, #tpu.memory_space<hbm>>
          tpu.wait_dma2 semaphore(%run_scoped3A : memref<!tpu.dma_semaphore, #tpu.memory_space<semaphore_mem>>) src(%dma_wait3A_150 : memref<88x128xf32, #tpu.memory_space<hbm>>) dst(%dma_wait3A_148 : memref<88x128xf32, #tpu.memory_space<vmem_shared>>)
          tpu.yield
        }) : () -> ()
        %barrier3A_144 = arith.constant 0 : index
        tpu.barrier barrier_id(%barrier3A_144)
      } else {
      }
    }
    %scan3A_7 = arith.constant 8 : i32
    return
  }
}

module attributes {stable_mosaic.version = 14 : i64} {
  func.func @body(%arg0: i32, %arg1: i32, %arg2: memref<1x2000x128xf32, #tpu.memory_space<vmem>>, %arg3: memref<128x128xf32, #tpu.memory_space<vmem>>, %arg4: memref<1x128xf32, #tpu.memory_space<vmem>>, %arg5: memref<128x128xf32, #tpu.memory_space<vmem>>, %arg6: memref<1x128xf32, #tpu.memory_space<vmem>>, %arg7: memref<1x2000x128xf32, #tpu.memory_space<vmem>>, %arg8: memref<1x2000x128xf32, #tpu.memory_space<vmem>>) attributes {dimension_semantics = [#tpu.dimension_semantics<arbitrary>, #tpu.dimension_semantics<arbitrary>], iteration_bounds = array<i64: 2, 5>, scalar_prefetch = 0 : i64, scratch_operands = 0 : i64, tpu.core_type = #tpu.core_type<tc>, window_params = [{transform_indices = @transform_0, window_bounds = array<i64: 1, 2000, 128>}, {pipeline_mode = #tpu.pipeline_mode<synchronous>, transform_indices = @transform_1, window_bounds = array<i64: 128, 128>}, {pipeline_mode = #tpu.pipeline_mode<synchronous>, transform_indices = @transform_2, window_bounds = array<i64: 1, 128>}, {pipeline_mode = #tpu.pipeline_mode<synchronous>, transform_indices = @transform_3, window_bounds = array<i64: 128, 128>}, {pipeline_mode = #tpu.pipeline_mode<synchronous>, transform_indices = @transform_4, window_bounds = array<i64: 1, 128>}, {transform_indices = @transform_5, window_bounds = array<i64: 1, 2000, 128>}, {transform_indices = @transform_6, window_bounds = array<i64: 1, 2000, 128>}]} {
    %get3A = arith.constant 0 : index
    %get3A_0 = arith.constant 0 : index
    %get3A_1 = arith.constant 0 : index
    %get3A_2 = vector.load %arg2[%get3A, %get3A_0, %get3A_1] : memref<1x2000x128xf32, #tpu.memory_space<vmem>>, vector<1x2000x128xf32>
    %get3A_3 = vector.shape_cast %get3A_2 : vector<1x2000x128xf32> to vector<2000x128xf32>
    %get3A_4 = arith.constant 0 : index
    %get3A_5 = arith.constant 0 : index
    %get3A_6 = vector.load %arg3[%get3A_4, %get3A_5] : memref<128x128xf32, #tpu.memory_space<vmem>>, vector<128x128xf32>
    %dot_general3A = arith.constant dense<0.000000e+00> : vector<2000x128xf32>
    %dot_general3A_7 = tpu.matmul %get3A_3, %get3A_6, %dot_general3A {dimension_numbers = #tpu.dot_dimension_numbers<[1], [0], [0], [1], [0, 0, 1, 1], [], []>, transpose_lhs_hint = false} : vector<2000x128xf32>, vector<128x128xf32>, vector<2000x128xf32> -> vector<2000x128xf32>
    %get3A_8 = arith.constant 0 : index
    %get3A_9 = arith.constant 0 : index
    %get3A_10 = vector.load %arg4[%get3A_8, %get3A_9] : memref<1x128xf32, #tpu.memory_space<vmem>>, vector<1x128xf32>
    %add3A = vector.broadcast %get3A_10 : vector<1x128xf32> to vector<2000x128xf32>
    %add3A_11 = arith.addf %dot_general3A_7, %add3A : vector<2000x128xf32>
    %swap3A = arith.constant 0 : index
    %swap3A_12 = arith.constant 0 : index
    %swap3A_13 = arith.constant 0 : index
    %swap3A_14 = vector.load %arg7[%swap3A, %swap3A_12, %swap3A_13] : memref<1x2000x128xf32, #tpu.memory_space<vmem>>, vector<1x2000x128xf32>
    %swap3A_15 = vector.shape_cast %swap3A_14 : vector<1x2000x128xf32> to vector<2000x128xf32>
    %swap3A_16 = vector.shape_cast %add3A_11 : vector<2000x128xf32> to vector<1x2000x128xf32>
    tpu.vector_store %arg7[%swap3A, %swap3A_12, %swap3A_13], %swap3A_16 {strides = array<i32>} : memref<1x2000x128xf32, #tpu.memory_space<vmem>>, vector<1x2000x128xf32>,
    %get3A_17 = arith.constant 0 : index
    %get3A_18 = arith.constant 0 : index
    %get3A_19 = vector.load %arg5[%get3A_17, %get3A_18] : memref<128x128xf32, #tpu.memory_space<vmem>>, vector<128x128xf32>
    %dot_general3A_20 = arith.constant dense<0.000000e+00> : vector<2000x128xf32>
    %dot_general3A_21 = tpu.matmul %add3A_11, %get3A_19, %dot_general3A_20 {dimension_numbers = #tpu.dot_dimension_numbers<[1], [0], [0], [1], [0, 0, 1, 1], [], []>, transpose_lhs_hint = false} : vector<2000x128xf32>, vector<128x128xf32>, vector<2000x128xf32> -> vector<2000x128xf32>
    %get3A_22 = arith.constant 0 : index
    %get3A_23 = arith.constant 0 : index
    %get3A_24 = vector.load %arg6[%get3A_22, %get3A_23] : memref<1x128xf32, #tpu.memory_space<vmem>>, vector<1x128xf32>
    %add3A_25 = vector.broadcast %get3A_24 : vector<1x128xf32> to vector<2000x128xf32>
    %add3A_26 = arith.addf %dot_general3A_21, %add3A_25 : vector<2000x128xf32>
    %swap3A_27 = arith.constant 0 : index
    %swap3A_28 = arith.constant 0 : index
    %swap3A_29 = arith.constant 0 : index
    %swap3A_30 = vector.load %arg8[%swap3A_27, %swap3A_28, %swap3A_29] : memref<1x2000x128xf32, #tpu.memory_space<vmem>>, vector<1x2000x128xf32>
    %swap3A_31 = vector.shape_cast %swap3A_30 : vector<1x2000x128xf32> to vector<2000x128xf32>
    %swap3A_32 = vector.shape_cast %add3A_26 : vector<2000x128xf32> to vector<1x2000x128xf32>
    tpu.vector_store %arg8[%swap3A_27, %swap3A_28, %swap3A_29], %swap3A_32 {strides = array<i32>} : memref<1x2000x128xf32, #tpu.memory_space<vmem>>, vector<1x2000x128xf32>,
    return
  }
  func.func @transform_0(%arg0: i32, %arg1: i32) -> (i32, i32, i32) {
    %c0_i32 = arith.constant 0 : i32
    %c0_i32_0 = arith.constant 0 : i32
    return %arg0, %arg1, %c0_i32 : i32, i32, i32
  }
  func.func @transform_1(%arg0: i32, %arg1: i32) -> (i32, i32) {
    %c0_i32 = arith.constant 0 : i32
    %c0_i32_0 = arith.constant 0 : i32
    %c0_i32_1 = arith.constant 0 : i32
    return %c0_i32, %c0_i32_0 : i32, i32
  }
  func.func @transform_2(%arg0: i32, %arg1: i32) -> (i32, i32) {
    %c0_i32 = arith.constant 0 : i32
    %c0_i32_0 = arith.constant 0 : i32
    %c0_i32_1 = arith.constant 0 : i32
    return %c0_i32, %c0_i32_0 : i32, i32
  }
  func.func @transform_3(%arg0: i32, %arg1: i32) -> (i32, i32) {
    %c0_i32 = arith.constant 0 : i32
    %c0_i32_0 = arith.constant 0 : i32
    %c0_i32_1 = arith.constant 0 : i32
    return %c0_i32, %c0_i32_0 : i32, i32
  }
  func.func @transform_4(%arg0: i32, %arg1: i32) -> (i32, i32) {
    %c0_i32 = arith.constant 0 : i32
    %c0_i32_0 = arith.constant 0 : i32
    %c0_i32_1 = arith.constant 0 : i32
    return %c0_i32, %c0_i32_0 : i32, i32
  }
  func.func @transform_5(%arg0: i32, %arg1: i32) -> (i32, i32, i32) {
    %c0_i32 = arith.constant 0 : i32
    %c0_i32_0 = arith.constant 0 : i32
    return %arg0, %arg1, %c0_i32 : i32, i32, i32
  }
  func.func @transform_6(%arg0: i32, %arg1: i32) -> (i32, i32, i32) {
    %c0_i32 = arith.constant 0 : i32
    %c0_i32_0 = arith.constant 0 : i32
    return %arg0, %arg1, %c0_i32 : i32, i32, i32
  }
}

module attributes {stable_mosaic.version = 14 : i64} {
  func.func @body(%arg0: i32, %arg1: i32, %arg2: memref<1x2000x128xf32, #tpu.memory_space<vmem>>, %arg3: memref<2000x128xf32, #tpu.memory_space<vmem>>, %arg4: memref<1x128xf32, #tpu.memory_space<vmem>>, %arg5: memref<1x128xf32, #tpu.memory_space<vmem>>, %arg6: memref<128x128xf32, #tpu.memory_space<vmem>>, %arg7: memref<1x128xf32, #tpu.memory_space<vmem>>, %arg8: memref<1x2000x128xf32, #tpu.memory_space<vmem>>) attributes {dimension_semantics = [#tpu.dimension_semantics<arbitrary>, #tpu.dimension_semantics<arbitrary>], iteration_bounds = array<i64: 2, 5>, scalar_prefetch = 0 : i64, scratch_operands = 0 : i64, tpu.core_type = #tpu.core_type<tc>, window_params = [{transform_indices = @transform_0, window_bounds = array<i64: 1, 2000, 128>}, {transform_indices = @transform_1, window_bounds = array<i64: 2000, 128>}, {pipeline_mode = #tpu.pipeline_mode<synchronous>, transform_indices = @transform_2, window_bounds = array<i64: 1, 128>}, {pipeline_mode = #tpu.pipeline_mode<synchronous>, transform_indices = @transform_3, window_bounds = array<i64: 1, 128>}, {pipeline_mode = #tpu.pipeline_mode<synchronous>, transform_indices = @transform_4, window_bounds = array<i64: 128, 128>}, {pipeline_mode = #tpu.pipeline_mode<synchronous>, transform_indices = @transform_5, window_bounds = array<i64: 1, 128>}, {transform_indices = @transform_6, window_bounds = array<i64: 1, 2000, 128>}]} {
    %get3A = arith.constant 0 : index
    %get3A_0 = arith.constant 0 : index
    %get3A_1 = vector.load %arg3[%get3A, %get3A_0] : memref<2000x128xf32, #tpu.memory_space<vmem>>, vector<2000x1xf32>
    %get3A_2 = arith.constant 0 : index
    %get3A_3 = arith.constant 0 : index
    %get3A_4 = arith.constant 0 : index
    %get3A_5 = vector.load %arg2[%get3A_2, %get3A_3, %get3A_4] : memref<1x2000x128xf32, #tpu.memory_space<vmem>>, vector<1x2000x128xf32>
    %get3A_6 = vector.shape_cast %get3A_5 : vector<1x2000x128xf32> to vector<2000x128xf32>
    %max3A = arith.constant 1.000000e+00 : f32
    %max3A_7 = vector.broadcast %max3A : f32 to vector<2000x1xf32>
    %max3A_8 = arith.maximumf %get3A_1, %max3A_7 : vector<2000x1xf32>
    %div3A = vector.broadcast %max3A_8 : vector<2000x1xf32> to vector<2000x128xf32>
    %div3A_9 = arith.divf %get3A_6, %div3A : vector<2000x128xf32>
    %reduce_sum3A = arith.constant dense<0.000000e+00> : vector<2000xf32>
    %reduce_sum3A_10 = vector.multi_reduction <add>, %div3A_9, %reduce_sum3A [1] : vector<2000x128xf32> to vector<2000xf32>
    %broadcast_in_dim3A = vector.shape_cast %reduce_sum3A_10 : vector<2000xf32> to vector<2000x1xf32>
    %div3A_11 = arith.constant 1.280000e+02 : f32
    %div3A_12 = vector.broadcast %div3A_11 : f32 to vector<2000x1xf32>
    %div3A_13 = arith.divf %broadcast_in_dim3A, %div3A_12 : vector<2000x1xf32>
    %sub3A = vector.broadcast %div3A_13 : vector<2000x1xf32> to vector<2000x128xf32>
    %sub3A_14 = arith.subf %div3A_9, %sub3A : vector<2000x128xf32>
    %integer_pow3A = arith.mulf %sub3A_14, %sub3A_14 : vector<2000x128xf32>
    %reduce_sum3A_15 = arith.constant dense<0.000000e+00> : vector<2000xf32>
    %reduce_sum3A_16 = vector.multi_reduction <add>, %integer_pow3A, %reduce_sum3A_15 [1] : vector<2000x128xf32> to vector<2000xf32>
    %broadcast_in_dim3A_17 = vector.shape_cast %reduce_sum3A_16 : vector<2000xf32> to vector<2000x1xf32>
    %div3A_18 = arith.constant 1.280000e+02 : f32
    %div3A_19 = vector.broadcast %div3A_18 : f32 to vector<2000x1xf32>
    %div3A_20 = arith.divf %broadcast_in_dim3A_17, %div3A_19 : vector<2000x1xf32>
    %sub3A_21 = vector.broadcast %div3A_13 : vector<2000x1xf32> to vector<2000x128xf32>
    %sub3A_22 = arith.subf %div3A_9, %sub3A_21 : vector<2000x128xf32>
    %add3A = arith.constant 9.99999974E-6 : f32
    %add3A_23 = vector.broadcast %add3A : f32 to vector<2000x1xf32>
    %add3A_24 = arith.addf %div3A_20, %add3A_23 : vector<2000x1xf32>
    %rsqrt3A = math.rsqrt %add3A_24 : vector<2000x1xf32>
    %mul3A = vector.broadcast %rsqrt3A : vector<2000x1xf32> to vector<2000x128xf32>
    %mul3A_25 = arith.mulf %sub3A_22, %mul3A : vector<2000x128xf32>
    %get3A_26 = arith.constant 0 : index
    %get3A_27 = arith.constant 0 : index
    %get3A_28 = vector.load %arg4[%get3A_26, %get3A_27] : memref<1x128xf32, #tpu.memory_space<vmem>>, vector<1x128xf32>
    %mul3A_29 = vector.broadcast %get3A_28 : vector<1x128xf32> to vector<2000x128xf32>
    %mul3A_30 = arith.mulf %mul3A_25, %mul3A_29 : vector<2000x128xf32>
    %get3A_31 = arith.constant 0 : index
    %get3A_32 = arith.constant 0 : index
    %get3A_33 = vector.load %arg5[%get3A_31, %get3A_32] : memref<1x128xf32, #tpu.memory_space<vmem>>, vector<1x128xf32>
    %add3A_34 = vector.broadcast %get3A_33 : vector<1x128xf32> to vector<2000x128xf32>
    %add3A_35 = arith.addf %mul3A_30, %add3A_34 : vector<2000x128xf32>
    %logistic3A = arith.negf %add3A_35 : vector<2000x128xf32>
    %logistic3A_36 = math.exp %logistic3A : vector<2000x128xf32>
    %logistic3A_37 = arith.constant 1.000000e+00 : f32
    %logistic3A_38 = vector.broadcast %logistic3A_37 : f32 to vector<2000x128xf32>
    %logistic3A_39 = arith.addf %logistic3A_38, %logistic3A_36 : vector<2000x128xf32>
    %logistic3A_40 = arith.divf %logistic3A_38, %logistic3A_39 : vector<2000x128xf32>
    %mul3A_41 = arith.mulf %add3A_35, %logistic3A_40 : vector<2000x128xf32>
    %get3A_42 = arith.constant 0 : index
    %get3A_43 = arith.constant 0 : index
    %get3A_44 = vector.load %arg6[%get3A_42, %get3A_43] : memref<128x128xf32, #tpu.memory_space<vmem>>, vector<128x128xf32>
    %dot_general3A = arith.constant dense<0.000000e+00> : vector<2000x128xf32>
    %dot_general3A_45 = tpu.matmul %mul3A_41, %get3A_44, %dot_general3A {dimension_numbers = #tpu.dot_dimension_numbers<[1], [0], [0], [1], [0, 0, 1, 1], [], []>, transpose_lhs_hint = false} : vector<2000x128xf32>, vector<128x128xf32>, vector<2000x128xf32> -> vector<2000x128xf32>
    %get3A_46 = arith.constant 0 : index
    %get3A_47 = arith.constant 0 : index
    %get3A_48 = vector.load %arg7[%get3A_46, %get3A_47] : memref<1x128xf32, #tpu.memory_space<vmem>>, vector<1x128xf32>
    %add3A_49 = vector.broadcast %get3A_48 : vector<1x128xf32> to vector<2000x128xf32>
    %add3A_50 = arith.addf %dot_general3A_45, %add3A_49 : vector<2000x128xf32>
    %swap3A = arith.constant 0 : index
    %swap3A_51 = arith.constant 0 : index
    %swap3A_52 = arith.constant 0 : index
    %swap3A_53 = vector.load %arg8[%swap3A, %swap3A_51, %swap3A_52] : memref<1x2000x128xf32, #tpu.memory_space<vmem>>, vector<1x2000x128xf32>
    %swap3A_54 = vector.shape_cast %swap3A_53 : vector<1x2000x128xf32> to vector<2000x128xf32>
    %swap3A_55 = vector.shape_cast %add3A_50 : vector<2000x128xf32> to vector<1x2000x128xf32>
    tpu.vector_store %arg8[%swap3A, %swap3A_51, %swap3A_52], %swap3A_55 {strides = array<i32>} : memref<1x2000x128xf32, #tpu.memory_space<vmem>>, vector<1x2000x128xf32>,
    return
  }
  func.func @transform_0(%arg0: i32, %arg1: i32) -> (i32, i32, i32) {
    %c0_i32 = arith.constant 0 : i32
    %c0_i32_0 = arith.constant 0 : i32
    return %arg0, %arg1, %c0_i32 : i32, i32, i32
  }
  func.func @transform_1(%arg0: i32, %arg1: i32) -> (i32, i32) {
    %c0_i32 = arith.constant 0 : i32
    %c0_i32_0 = arith.constant 0 : i32
    return %arg1, %c0_i32 : i32, i32
  }
  func.func @transform_2(%arg0: i32, %arg1: i32) -> (i32, i32) {
    %c0_i32 = arith.constant 0 : i32
    %c0_i32_0 = arith.constant 0 : i32
    %c0_i32_1 = arith.constant 0 : i32
    return %c0_i32, %c0_i32_0 : i32, i32
  }
  func.func @transform_3(%arg0: i32, %arg1: i32) -> (i32, i32) {
    %c0_i32 = arith.constant 0 : i32
    %c0_i32_0 = arith.constant 0 : i32
    %c0_i32_1 = arith.constant 0 : i32
    return %c0_i32, %c0_i32_0 : i32, i32
  }
  func.func @transform_4(%arg0: i32, %arg1: i32) -> (i32, i32) {
    %c0_i32 = arith.constant 0 : i32
    %c0_i32_0 = arith.constant 0 : i32
    %c0_i32_1 = arith.constant 0 : i32
    return %c0_i32, %c0_i32_0 : i32, i32
  }
  func.func @transform_5(%arg0: i32, %arg1: i32) -> (i32, i32) {
    %c0_i32 = arith.constant 0 : i32
    %c0_i32_0 = arith.constant 0 : i32
    %c0_i32_1 = arith.constant 0 : i32
    return %c0_i32, %c0_i32_0 : i32, i32
  }
  func.func @transform_6(%arg0: i32, %arg1: i32) -> (i32, i32, i32) {
    %c0_i32 = arith.constant 0 : i32
    %c0_i32_0 = arith.constant 0 : i32
    return %arg0, %arg1, %c0_i32 : i32, i32, i32
  }
}

module attributes {stable_mosaic.version = 14 : i64} {
  func.func @body(%arg0: i32, %arg1: i32, %arg2: memref<1x2000x128xf32, #tpu.memory_space<vmem>>, %arg3: memref<2000x128xf32, #tpu.memory_space<vmem>>, %arg4: memref<1x128xf32, #tpu.memory_space<vmem>>, %arg5: memref<1x128xf32, #tpu.memory_space<vmem>>, %arg6: memref<1x2000x128xf32, #tpu.memory_space<vmem>>, %arg7: memref<1x2000x128xf32, #tpu.memory_space<vmem>>) attributes {dimension_semantics = [#tpu.dimension_semantics<arbitrary>, #tpu.dimension_semantics<arbitrary>], iteration_bounds = array<i64: 2, 5>, scalar_prefetch = 0 : i64, scratch_operands = 0 : i64, tpu.core_type = #tpu.core_type<tc>, window_params = [{transform_indices = @transform_0, window_bounds = array<i64: 1, 2000, 128>}, {transform_indices = @transform_1, window_bounds = array<i64: 2000, 128>}, {pipeline_mode = #tpu.pipeline_mode<synchronous>, transform_indices = @transform_2, window_bounds = array<i64: 1, 128>}, {pipeline_mode = #tpu.pipeline_mode<synchronous>, transform_indices = @transform_3, window_bounds = array<i64: 1, 128>}, {transform_indices = @transform_4, window_bounds = array<i64: 1, 2000, 128>}, {transform_indices = @transform_5, window_bounds = array<i64: 1, 2000, 128>}]} {
    %get3A = arith.constant 0 : index
    %get3A_0 = arith.constant 0 : index
    %get3A_1 = vector.load %arg3[%get3A, %get3A_0] : memref<2000x128xf32, #tpu.memory_space<vmem>>, vector<2000x1xf32>
    %get3A_2 = arith.constant 0 : index
    %get3A_3 = arith.constant 0 : index
    %get3A_4 = arith.constant 0 : index
    %get3A_5 = vector.load %arg2[%get3A_2, %get3A_3, %get3A_4] : memref<1x2000x128xf32, #tpu.memory_space<vmem>>, vector<1x2000x128xf32>
    %get3A_6 = vector.shape_cast %get3A_5 : vector<1x2000x128xf32> to vector<2000x128xf32>
    %max3A = arith.constant 1.000000e+00 : f32
    %max3A_7 = vector.broadcast %max3A : f32 to vector<2000x1xf32>
    %max3A_8 = arith.maximumf %get3A_1, %max3A_7 : vector<2000x1xf32>
    %div3A = vector.broadcast %max3A_8 : vector<2000x1xf32> to vector<2000x128xf32>
    %div3A_9 = arith.divf %get3A_6, %div3A : vector<2000x128xf32>
    %reduce_sum3A = arith.constant dense<0.000000e+00> : vector<2000xf32>
    %reduce_sum3A_10 = vector.multi_reduction <add>, %div3A_9, %reduce_sum3A [1] : vector<2000x128xf32> to vector<2000xf32>
    %broadcast_in_dim3A = vector.shape_cast %reduce_sum3A_10 : vector<2000xf32> to vector<2000x1xf32>
    %div3A_11 = arith.constant 1.280000e+02 : f32
    %div3A_12 = vector.broadcast %div3A_11 : f32 to vector<2000x1xf32>
    %div3A_13 = arith.divf %broadcast_in_dim3A, %div3A_12 : vector<2000x1xf32>
    %sub3A = vector.broadcast %div3A_13 : vector<2000x1xf32> to vector<2000x128xf32>
    %sub3A_14 = arith.subf %div3A_9, %sub3A : vector<2000x128xf32>
    %integer_pow3A = arith.mulf %sub3A_14, %sub3A_14 : vector<2000x128xf32>
    %reduce_sum3A_15 = arith.constant dense<0.000000e+00> : vector<2000xf32>
    %reduce_sum3A_16 = vector.multi_reduction <add>, %integer_pow3A, %reduce_sum3A_15 [1] : vector<2000x128xf32> to vector<2000xf32>
    %broadcast_in_dim3A_17 = vector.shape_cast %reduce_sum3A_16 : vector<2000xf32> to vector<2000x1xf32>
    %div3A_18 = arith.constant 1.280000e+02 : f32
    %div3A_19 = vector.broadcast %div3A_18 : f32 to vector<2000x1xf32>
    %div3A_20 = arith.divf %broadcast_in_dim3A_17, %div3A_19 : vector<2000x1xf32>
    %sub3A_21 = vector.broadcast %div3A_13 : vector<2000x1xf32> to vector<2000x128xf32>
    %sub3A_22 = arith.subf %div3A_9, %sub3A_21 : vector<2000x128xf32>
    %add3A = arith.constant 9.99999974E-6 : f32
    %add3A_23 = vector.broadcast %add3A : f32 to vector<2000x1xf32>
    %add3A_24 = arith.addf %div3A_20, %add3A_23 : vector<2000x1xf32>
    %rsqrt3A = math.rsqrt %add3A_24 : vector<2000x1xf32>
    %mul3A = vector.broadcast %rsqrt3A : vector<2000x1xf32> to vector<2000x128xf32>
    %mul3A_25 = arith.mulf %sub3A_22, %mul3A : vector<2000x128xf32>
    %get3A_26 = arith.constant 0 : index
    %get3A_27 = arith.constant 0 : index
    %get3A_28 = vector.load %arg4[%get3A_26, %get3A_27] : memref<1x128xf32, #tpu.memory_space<vmem>>, vector<1x128xf32>
    %mul3A_29 = vector.broadcast %get3A_28 : vector<1x128xf32> to vector<2000x128xf32>
    %mul3A_30 = arith.mulf %mul3A_25, %mul3A_29 : vector<2000x128xf32>
    %get3A_31 = arith.constant 0 : index
    %get3A_32 = arith.constant 0 : index
    %get3A_33 = vector.load %arg5[%get3A_31, %get3A_32] : memref<1x128xf32, #tpu.memory_space<vmem>>, vector<1x128xf32>
    %add3A_34 = vector.broadcast %get3A_33 : vector<1x128xf32> to vector<2000x128xf32>
    %add3A_35 = arith.addf %mul3A_30, %add3A_34 : vector<2000x128xf32>
    %logistic3A = arith.negf %add3A_35 : vector<2000x128xf32>
    %logistic3A_36 = math.exp %logistic3A : vector<2000x128xf32>
    %logistic3A_37 = arith.constant 1.000000e+00 : f32
    %logistic3A_38 = vector.broadcast %logistic3A_37 : f32 to vector<2000x128xf32>
    %logistic3A_39 = arith.addf %logistic3A_38, %logistic3A_36 : vector<2000x128xf32>
    %logistic3A_40 = arith.divf %logistic3A_38, %logistic3A_39 : vector<2000x128xf32>
    %mul3A_41 = arith.mulf %add3A_35, %logistic3A_40 : vector<2000x128xf32>
    %get3A_42 = arith.constant 0 : index
    %get3A_43 = arith.constant 0 : index
    %get3A_44 = arith.constant 0 : index
    %get3A_45 = vector.load %arg6[%get3A_42, %get3A_43, %get3A_44] : memref<1x2000x128xf32, #tpu.memory_space<vmem>>, vector<1x2000x128xf32>
    %get3A_46 = vector.shape_cast %get3A_45 : vector<1x2000x128xf32> to vector<2000x128xf32>
    %add3A_47 = arith.addf %mul3A_41, %get3A_46 : vector<2000x128xf32>
    %swap3A = arith.constant 0 : index
    %swap3A_48 = arith.constant 0 : index
    %swap3A_49 = arith.constant 0 : index
    %swap3A_50 = vector.load %arg7[%swap3A, %swap3A_48, %swap3A_49] : memref<1x2000x128xf32, #tpu.memory_space<vmem>>, vector<1x2000x128xf32>
    %swap3A_51 = vector.shape_cast %swap3A_50 : vector<1x2000x128xf32> to vector<2000x128xf32>
    %swap3A_52 = vector.shape_cast %add3A_47 : vector<2000x128xf32> to vector<1x2000x128xf32>
    tpu.vector_store %arg7[%swap3A, %swap3A_48, %swap3A_49], %swap3A_52 {strides = array<i32>} : memref<1x2000x128xf32, #tpu.memory_space<vmem>>, vector<1x2000x128xf32>,
    return
  }
  func.func @transform_0(%arg0: i32, %arg1: i32) -> (i32, i32, i32) {
    %c0_i32 = arith.constant 0 : i32
    %c0_i32_0 = arith.constant 0 : i32
    return %arg0, %arg1, %c0_i32 : i32, i32, i32
  }
  func.func @transform_1(%arg0: i32, %arg1: i32) -> (i32, i32) {
    %c0_i32 = arith.constant 0 : i32
    %c0_i32_0 = arith.constant 0 : i32
    return %arg1, %c0_i32 : i32, i32
  }
  func.func @transform_2(%arg0: i32, %arg1: i32) -> (i32, i32) {
    %c0_i32 = arith.constant 0 : i32
    %c0_i32_0 = arith.constant 0 : i32
    %c0_i32_1 = arith.constant 0 : i32
    return %c0_i32, %c0_i32_0 : i32, i32
  }
  func.func @transform_3(%arg0: i32, %arg1: i32) -> (i32, i32) {
    %c0_i32 = arith.constant 0 : i32
    %c0_i32_0 = arith.constant 0 : i32
    %c0_i32_1 = arith.constant 0 : i32
    return %c0_i32, %c0_i32_0 : i32, i32
  }
  func.func @transform_4(%arg0: i32, %arg1: i32) -> (i32, i32, i32) {
    %c0_i32 = arith.constant 0 : i32
    %c0_i32_0 = arith.constant 0 : i32
    return %arg0, %arg1, %c0_i32 : i32, i32, i32
  }
  func.func @transform_5(%arg0: i32, %arg1: i32) -> (i32, i32, i32) {
    %c0_i32 = arith.constant 0 : i32
    %c0_i32_0 = arith.constant 0 : i32
    return %arg0, %arg1, %c0_i32 : i32, i32, i32
  }
}

</mosaic_0001>

<sc_bundles>
// kernel: kernel.10.cloned.1.call-start
scs
__scs_entry_jumppad:
0x0: {  	(pc) =	sbr.rel $0x88, $3  }
0x1: {  	(tag) =	ssettag $0x0;
	lr =	simm.s32 $0x1  }
0x2: {  	[smem:$0x3F95] =	sst lr;
	_ =	strace $0xD0000000  }
0x3: {  	_ = 	snop  }
0x4: {  	_ = 	snop  }
0x5: {  	_ = 	snop  }
0x6: {  	_ = 	snop  }
0x7: {  	_ = 	snop  }
__scs_overlays_trampoline_lowered:
0x8: {  	[smem:$0x3FA4] =	sst s0  }
0x9: {  	[smem:$0x3FA5] =	sst s1  }
0xa: {  	[smem:$0x3FA6] =	sst s2  }
0xb: {  	[smem:$0x3FA7] =	sst s3  }
0xc: {  	[smem:$0x3FA8] =	sst s4  }
0xd: {  	[smem:$0x3FA9] =	sst s5  }
0xe: {  	[smem:$0x3FAA] =	sst s6  }
0xf: {  	[smem:$0x3FAB] =	sst s7  }
0x10: {  	[smem:$0x3FAC] =	sst s8  }
0x11: {  	[smem:$0x3FAD] =	sst s9;
	s0 =	simm.s32 @!p0 $0x0  }
0x12: {  	s1 =	sld [smem:$0x3F93];
	s0 =	simm.s32 @p0 $0x1  }
0x13: {  	[smem:$0x3FAE] =	sst s0;
	s0 =	simm.s32 @!p1 $0x0  }
0x14: {  	s2 =	sld [smem:$0x3F92];
	s0 =	simm.s32 @p1 $0x1  }
0x15: {  	[smem:$0x3FAF] =	sst s0;
	s0 =	simm.s32 @!p2 $0x0  }
0x16: {  	s3 =	sld [smem:$0x3FDB];
	s0 =	simm.s32 @p2 $0x1  }
0x17: {  	s4 =	simm.s32 $0x1BF5;
	[smem:$0x3FB1] =	sst s0  }
0x18: {  	s0 =	sld [smem:$0x3F94];
	_ =	swait.ge [sflag:s4], $0x0  }
0x19: {  	s7 =	sld [smem:$0x3F95]  }
0x1a: {  	s8 =	sadd.s32 $0xFFFFE003, lr  }
0x1b: {  	s9 =	sadd.s32 $0xFFFFFEF7, lr;
	s5 =	simm.s32 $0xFFFFFFFF;
	p2 =	slt.u32 s8, $0xFFFFF086  }
0x1c: {  	p1 =	slt.u32 s9, $0xF7A;
	s5 =	simm.s32 @!p2 $0x0  }
0x1d: {  	s5 =	simm.s32 @p1 $0x1;
	p0 =	seq.s32 s7, s2  }
0x1e: {  	s7 =	smul.u32 @!p0 $0xF7A, s2;
	p2 =	seq.s32 @!p0 s5, $0x0  }
0x1f: {  	s9 =	smul.u32 $0xF7A, s1;
	s8 =	simm.s32 @!p0 $0x1BF5;
	p2 =	por !p2, p0  }
0x20: {  	[sflag:s8] =	ssyncset.s32 @!p0 $0xFFFFF086;
	s6 =	sadd.s32 @!p0 s3, s7;
	s7 =	simm.s32 @!p0 $0x108  }
0x21: {  	s3 =	sadd.s32 s3, s9;
	s6 =	sadd.s32 @!p0 $0x88, s6;
	s7 =	simm.s32 @p2 $0x1082  }
0x22: {  	[simem:s7], [sflag:s8] =	dma.local @!p0 [hbm:s6], $0xF7A  }
0x23: {  	s9 =	sor.u32 $0xD0000000, s2;
	s6 =	simm.s32 $0x108;
	_ =	swait.ge @!p0 [sflag:s8], $0x0  }
0x24: {  	s3 =	sadd.s32 $0x88, s3;
	s6 =	simm.s32 @!p1 $0x1082;
	[sflag:s4] =	ssyncset.s32 $0xFFFFF086  }
0x25: {  	[simem:s6], [sflag:s4] =	dma.local [hbm:s3], $0xF7A  }
0x26: {  	[smem:$0x3F95] =	sst s1;
	(tag) =	ssettag s2;
	_ =	strace s9  }
0x27: {  	s1 =	sld [smem:$0x3FA5]  }
0x28: {  	s2 =	sld [smem:$0x3FA6]  }
0x29: {  	s4 =	sld [smem:$0x3FA8]  }
0x2a: {  	p0 =	seq.s32 s5, $0x0;
	s5 =	sld [smem:$0x3FA9]  }
0x2b: {  	s6 =	sld [smem:$0x3FAA]  }
0x2c: {  	s7 =	sld [smem:$0x3FAB]  }
0x2d: {  	s3 =	simm.s32 $0x108;
	s8 =	sld [smem:$0x3FAC]  }
0x2e: {  	s3 =	simm.s32 @!p0 $0x1082;
	s9 =	sld [smem:$0x3FAD]  }
0x2f: {  	lr =	sadd.s32 s0, s3;
	s0 =	sld [smem:$0x3FA4]  }
0x30: {  	s3 =	sld [smem:$0x3FA7]  }
0x31: {  	[smem:$0x3FB0] =	sst s10  }
0x32: {  	s10 =	sld [smem:$0x3FAE];
	_ =	sdelay $0x3  }
0x33: {  	p0 =	seq.s32 s10, $0x1;
	s10 =	sld [smem:$0x3FB0];
	_ =	sdelay $0x3  }
0x34: {  	[smem:$0x3FB0] =	sst s10  }
0x35: {  	s10 =	sld [smem:$0x3FAF];
	_ =	sdelay $0x3  }
0x36: {  	p1 =	seq.s32 s10, $0x1;
	s10 =	sld [smem:$0x3FB0];
	_ =	sdelay $0x3  }
0x37: {  	[smem:$0x3FB0] =	sst s10  }
0x38: {  	s10 =	sld [smem:$0x3FB1]  }
0x39: {  	_ = 	snop;
	(pc) =	sbr.ind lr, $3  }
0x3a: {  	_ = 	snop  }
0x3b: {  	_ = 	snop  }
0x3c: {  	p2 =	seq.s32 s10, $0x1;
	s10 =	sld [smem:$0x3FB0]  }
0x3d: {  	_ =	shalt  }
0x3e: {  	_ =	shalt  }
0x3f: {  	_ =	shalt  }
0x40: {  	_ =	shalt  }
0x41: {  	_ =	shalt  }
0x42: {  	_ =	shalt  }
0x43: {  	_ =	shalt  }
0x44: {  	_ =	shalt  }
0x45: {  	_ =	shalt  }
0x46: {  	_ =	shalt  }
0x47: {  	_ =	shalt  }
0x48: {  	_ =	shalt  }
0x49: {  	_ =	shalt  }
0x4a: {  	_ =	shalt  }
0x4b: {  	_ =	shalt  }
0x4c: {  	_ =	shalt  }
0x4d: {  	_ =	shalt  }
0x4e: {  	_ =	shalt  }
0x4f: {  	_ =	shalt  }
0x50: {  	_ =	shalt  }
0x51: {  	_ =	shalt  }
0x52: {  	_ =	shalt  }
0x53: {  	_ =	shalt  }
0x54: {  	_ =	shalt  }
0x55: {  	_ =	shalt  }
0x56: {  	_ =	shalt  }
0x57: {  	_ =	shalt  }
0x58: {  	_ =	shalt  }
0x59: {  	_ =	shalt  }
0x5a: {  	_ =	shalt  }
0x5b: {  	_ =	shalt  }
0x5c: {  	_ =	shalt  }
0x5d: {  	_ =	shalt  }
0x5e: {  	_ =	shalt  }
0x5f: {  	_ =	shalt  }
0x60: {  	_ =	shalt  }
0x61: {  	_ =	shalt  }
0x62: {  	_ =	shalt  }
0x63: {  	_ =	shalt  }
0x64: {  	_ =	shalt  }
0x65: {  	_ =	shalt  }
0x66: {  	_ =	shalt  }
0x67: {  	_ =	shalt  }
0x68: {  	_ =	shalt  }
0x69: {  	_ =	shalt  }
0x6a: {  	_ =	shalt  }
0x6b: {  	_ =	shalt  }
0x6c: {  	_ =	shalt  }
0x6d: {  	_ =	shalt  }
0x6e: {  	_ =	shalt  }
0x6f: {  	_ =	shalt  }
0x70: {  	_ =	shalt  }
0x71: {  	_ =	shalt  }
0x72: {  	_ =	shalt  }
0x73: {  	_ =	shalt  }
0x74: {  	_ =	shalt  }
0x75: {  	_ =	shalt  }
0x76: {  	_ =	shalt  }
0x77: {  	_ =	shalt  }
0x78: {  	_ =	shalt  }
0x79: {  	_ =	shalt  }
0x7a: {  	_ =	shalt  }
0x7b: {  	_ =	shalt  }
0x7c: {  	_ =	shalt  }
0x7d: {  	_ =	shalt  }
0x7e: {  	_ =	shalt  }
0x7f: {  	_ =	shalt  }
0x80: {  	_ =	shalt  }
0x81: {  	_ =	shalt  }
0x82: {  	_ =	shalt  }
0x83: {  	_ =	shalt  }
0x84: {  	_ =	shalt  }
0x85: {  	_ =	shalt  }
0x86: {  	_ =	shalt  }
0x87: {  	_ =	shalt  }
.Lfunc_end0:
.L_simem_size_0:
called_computation.1_lowered:
.L_overlay_start_0:
0x88: {  	s2 =	sld [smem:$0x3FD9]  }
0x89: {  	s3 =	sld [smem:$0x3FFE];
	_ =	sdelay $0x1  }
0x8a: {  	s1 =	srdreg.scid  }
0x8b: {  	s0 =	sand.u32 $0x1, s1  }
0x8c: {  	s16 =	sshll.u32 s0, $0xA;
	s2 =	sadd.s32 s3, s2  }
0x8d: {  	s2 =	sadd.s32 s2, s16  }
0x8e: {  	[smem:$0x3FBC] =	sst s2  }
0x8f: {  	_ = 	snop  }
0x90: {  	(tm) =	ssettm $0x1  }
0x91: {  	s17 =	sld [smem:$0x3FFB];
	_ =	sdelay $0x3  }
0x92: {  	_ =	strace s17  }
0x93: {  	s2 =	sld [smem:$0x3FFC];
	_ =	sdelay $0x3  }
0x94: {  	_ =	strace s2  }
0x95: {  	s2 =	sld [smem:$0x3FFD];
	_ =	sdelay $0x3  }
0x96: {  	_ =	strace s2  }
0x97: {  	_ =	strace $0x8FFFFFFF  }
0x98: {  	s18 =	sld [smem:$0x3FDB];
	_ =	sdelay $0x1  }
0x99: {  	s19 =	simm.s32 $_scs_section_size  }
0x9a: {  	s4 =	simm.s32 $_size__tile_overlayer_lowered;
	s5 =	simm.s32 $_tile_overlayer_lowered  }
0x9b: {  	s22 =	simm.s32 $0x1BFF;
	s21 =	sshll.u32 s5, $0x1;
	s2 =	sadd.s32 s19, s18  }
0x9c: {  	s6 =	simm.s32 $0x0;
	s20 =	sshll.u32 s4, $0x1;
	s4 =	sadd.s32 s21, s2  }
0x9d: {  	[timem:s6], [sflag:s22] =	dma.local [hbm:s4], s20  }
0x9e: {  	_ =	swait.ge [sflag:s22], s20  }
0x9f: {  	s3 =	ssub.s32 $0x0, s20;
	[sflag:s22] =	ssyncset.done $0x0  }
0xa0: {  	[sflag:s22] =	ssyncadd.s32 s3;
	_ =	sdelay $0x1  }
0xa1: {  	s23 =	simm.s32 $0x1B8B  }
0xa2: {  	_ =	swait.ge [sflag:s23], $0x1  }
0xa3: {  	[sflag:s23] =	ssyncset.done $0x0  }
0xa4: {  	s25 =	simm.s32 $0x1B8E;
	s24 =	sld [smem:$0x3FFE];
	[sflag:s23] =	ssyncadd.s32 $0xFFFFFFFF  }
0xa5: {  	s26 =	simm.s32 $execute0_lowered;
	[smem:$0x3FD2] =	sst s25  }
0xa6: {  	s4 =	sshll.u32 s26, $0x1;
	_ =	strace $0x80000049;
	[dreg:$0x1] =	wrdreg $0xFFFFFFFF  }
0xa7: {  	s28 =	simm.s32 $_size_execute0_lowered;
	s2 =	sadd.s32 s2, s4;
	[dreg:$0x0] =	wrdreg $0x0  }
0xa8: {  	s4 =	sshll.u32 s28, $0x1;
	[dreg:$0x2] =	wrdreg s2  }
0xa9: {  	[dreg:$0x3] =	wrdreg s4  }
0xaa: {  	[dreg:$0x4] =	wrdreg $0xC0  }
0xab: {  	_ =	task [dreg:s6], $0x5FFFF  }
0xac: {  	[dreg:$0x1] =	wrdreg $0xFFFFFFFF  }
0xad: {  	[dreg:$0x0] =	wrdreg $0x60  }
0xae: {  	[dreg:$0x2] =	wrdreg s24  }
0xaf: {  	[dreg:$0x3] =	wrdreg $0x1CE800  }
0xb0: {  	[dreg:$0x4] =	wrdreg $0x9  }
0xb1: {  	_ =	task.clear_ibuf [dreg:s6], $0x5FFFF;
	_ =	strace $0x90000049  }
0xb2: {  	s29 =	simm.s32 $0x9;
	_ =	strace $0x8000004B  }
0xb3: {  	_ =	swait.ge [sflag:s29], $0x1  }
0xb4: {  	[sflag:s29] =	ssyncadd.s32 $0xFFFFFFFF  }
0xb5: {  	_ =	strace $0x9000004B  }
0xb6: {  	_ =	sfence  }
0xb7: {  	s30 =	sld [smem:$0x0];
	_ =	sdelay $0x2  }
0xb8: {  	s31 =	sshll.u32 s1, $0xD;
	s1 =	sshrl.u32 s1, $0x2  }
0xb9: {  	s3 =	sand.u32 $0x4000, s31;
	s1 =	sadd.s32 s1, s30  }
0xba: {  	s0 =	sor.u32 s3, s0;
	s1 =	sshll.u32 s1, $0x11  }
0xbb: {  	s0 =	sor.u32 s1, s0  }
0xbc: {  	s0 =	sadd.s32 $0x8F2B, s0  }
0xbd: {  	[sflag:s0] =	ssyncadd.remote.s32 $0x1  }
0xbe: {  	_ =	sfence.sel $0xFFFF  }
0xbf: {  	[dreg:$0x0] =	wrdreg $0xFFFFFFFF;
	(pc) =	sbr.abs _section_cstart, $3  }
0xc0: {  	[dreg:$0x1] =	wrdreg $0xFFFFFFFF  }
0xc1: {  	_ =	task.clear_ibuf [dreg:s6], $0x2FFFF;
	_ =	strace $0x9FFFFFFF  }
0xc2: {  	(tm) =	ssettm $0x7FFFFFFF  }
0xc3: {  	_ =	shalt  }
tec
execute0_lowered:
.L_overlay_start_1:
0x0: {  	(tag) =	ssettag $0x1  }
0x1: {  	s5 =	rddreg [dreg:$0x0]  }
0x2: {  	s1 =	rddreg [dreg:$0x1]  }
0x3: {  	s0 =	rddreg [dreg:$0x2];
	s3 =	simm.s32 $0x0;
	s2 =	stileid.u32  }
0x4: {  	s7 =	srdreg.scid;
	s15 =	simm.s32 $0x14F00;
	s16 =	simm.s32 $0x10000  }
0x5: {  	s17 =	simm.s32 $0x1;
	s18 =	simm.s32 $0x60;
	s6 =	smul.u32 $0x580, s2  }
0x6: {  	s19 =	simm.s32 $0x19E80;
	s22 =	simm.s32 $0x0;
	s9 =	smul.u32 $0xB000, s2  }
0x7: {  	[smem:$0x7FF] =	sst s3;
	s4 =	sadd.s32 $0x32600, s5;
	s12 =	smul.u32 $0x50, s2  }
0x8: {  	s8 =	sshll.u32 s2, $0xC;
	s7 =	sand.u32 $0x1, s7;
	s30 =	smul.u32 $0xA000, s2  }
0x9: {  	s14 =	sshll.u32 s2, $0x6;
	_ =	strace $0x8000004A;
	s10 =	sadd.s32 s8, s5  }
0xa: {  	s28 =	ssub.s32 $0x2, s7;
	s29 =	sshll.u32 s7, $0x10;
	s20 =	smul.u32 $0x2800, s7  }
0xb: {  	s7 =	sor.u32 $0x1C02, s14;
	s14 =	simm.s32 $0x8000;
	s6 =	sadd.s32 s6, s5  }
0xc: {  	s5 =	sadd.s32 $0x87E00, s5;
	s11 =	sshrl.u32 s28, $0x1;
	s9 =	sshrl.u32 s9, $0x2  }
.Ltmp0:
0xd: {  	s8 =	sadd.s32 s29, s10;
	s31 =	sshrl.u32 s30, $0x2;
	(pc) =	sbr.rel .LBB2_1-.Ltmp0, $4  }
0xe: {  	s11 =	ssub.s32 s28, s11;
	s13 =	sadd.s32 s9, s1;
	s6 =	sadd.s32 $0x82600, s6  }
0xf: {  	s8 =	sadd.s32 $0x12600, s8;
	s9 =	sadd.s32 $0x2600, s10;
	s21 =	sadd.s32 s31, s1  }
0x10: {  	s10 =	sor.u32 s20, s12;
	v0 =	vmov s20;
	s20 =	simm.s32 $0x19E00;
	s11 =	smax.u32 s11, $0x1  }
0x11: {  	v1 =	vimm.s32 $0x0;
	v2 =	vimm.s32 $0x500;
	s12 =	sshrl.u32 s13, $0x3;
	s13 =	simm.s32 $0x2;
	s21 =	sshrl.u32 s21, $0x3  }
.LBB2_9:
0x12: {  	s22 =	sadd.s32 $0x1, s22  }
0x13: {  	p0 =	sne.s32 s22, s11  }
.Ltmp1:
0x14: {  	_ = 	snop;
	(pc) =	sbr.rel @!p0 .LBB2_10-.Ltmp1, $1  }
0x15: {  	_ =	sdelay $0x3  }
.LBB2_1:
0x16: {  	[spmem:s12], [sflag:s7] =	dma.local [hbm:s6], $0x580  }
0x17: {  	_ =	swait.ge [sflag:s13], $0x580  }
0x18: {  	[sflag:s13] =	ssyncset.done $0x0  }
0x19: {  	[sflag:s13] =	ssyncadd.s32 $0xFFFFFA80  }
0x1a: {  	[tilespmem:s3], [sflag:$0x2] =	stream.linear.gather [hbm4b:s8+s3], $0x7D00, $0x38;
	[tilespmem:$0x1FA80] =	vst v63  }
0x1b: {  	_ =	swait.ge [sflag:s13], $0x7D00  }
0x1c: {  	[sflag:s13] =	ssyncset.done $0x0  }
0x1d: {  	[sflag:s13] =	ssyncadd.s32 $0xFFFF8300  }
0x1e: {  	[tilespmem:s14], [sflag:$0x2] =	stream.linear.gather [hbm4b:s9+s3], $0x7D00, $0x38;
	[tilespmem:$0x1FA80] =	vst v63  }
.Ltmp2:
0x1f: {  	_ =	swait.ge [sflag:s13], $0x7D00;
	(pc) =	sbr.rel .LBB2_2-.Ltmp2, $4  }
0x20: {  	[sflag:s13] =	ssyncset.done $0x0  }
0x21: {  	[sflag:s13] =	ssyncadd.s32 $0xFFFF8300  }
0x22: {  	[bflag:$0x0] =	sbarrier.arrive $0xFFFF  }
0x23: {  	s23 =	simm.s32 $0x0  }
.LBB2_7:
0x24: {  	[sflag:s13] =	ssyncadd.s32 $0xFFFFD000  }
.LBB2_8:
0x25: {  	s24 =	sadd.s32 s24, s10  }
0x26: {  	s24 =	sshll.u32 s24, $0x4  }
0x27: {  	[bflag:$0x0] =	sbarrier.arrive $0xFFFF;
	s24 =	sadd.s32 s5, s24  }
0x28: {  	[hbm:s24], [sflag:s7] =	dma.local [spmem:s21], $0x500  }
0x29: {  	_ =	swait.ge [sflag:s13], $0x500  }
0x2a: {  	s23 =	sadd.s32 $0x1, s23;
	[sflag:s13] =	ssyncset.done $0x0  }
0x2b: {  	p0 =	sne.s32 s23, $0x8;
	[sflag:s13] =	ssyncadd.s32 $0xFFFFFB00  }
0x2c: {  	[spmem:s12], [sflag:s7] =	dma.local [hbm:s6], $0x580  }
.Ltmp3:
0x2d: {  	_ =	swait.ge [sflag:s13], $0x580;
	(pc) =	sbr.rel @!p0 .LBB2_9-.Ltmp3, $3  }
0x2e: {  	[sflag:s13] =	ssyncset.done $0x0  }
0x2f: {  	[sflag:s13] =	ssyncadd.s32 $0xFFFFFA80  }
0x30: {  	[bflag:$0x0] =	sbarrier.arrive $0xFFFF;
	_ =	sdelay $0x1  }
.LBB2_2:
0x31: {  	s25 =	simm.s32 $0x0  }
0x32: {  	v4 =	vld [tilespmem:s25+$0x8000];
	_ =	sdelay $0x1  }
0x33: {  	s24 =	smul.u32 $0x500, s23  }
0x34: {  	v5 =	vld [tilespmem:s25+$0x8010]  }
0x35: {  	v6 =	vld [tilespmem:s25+$0x8020];
	v3 =	vmov s24  }
0x36: {  	v7 =	vsub.s32 v4, v3;
	v4 =	vld [tilespmem:s25+$0x8030];
	_ =	sdelay $0x1  }
0x37: {  	vm3 =	vlt.u32 v7, $0x500  }
0x38: {  	v5 =	vsub.s32 v5, v3;
	v8 =	vsel vm3, $0x1, v1  }
0x39: {  	v6 =	vsub.s32 v6, v3;
	vm1 =	vlt.u32 v5, $0x500;
	(xrf0) =	vadd.scan.msk.s32 $0xffff, v8  }
0x3a: {  	vm2 =	vlt.u32 v6, $0x500;
	v58 =	vsel vm1, $0x1, v1;
	v59 =	vsub.s32 v4, v3  }
0x3b: {  	(xrf0) =	vadd.scan.msk.s32 $0xffff, v58;
	v4 =	vsel vm2, $0x1, v1;
	vm4 =	vlt.u32 v59, $0x500  }
0x3c: {  	(xrf0) =	vadd.scan.msk.s32 $0xffff, v4;
	v4 =	vsel vm4, $0x1, v1  }
0x3d: {  	v9 =	vld [tilespmem:s25+$0x8040];
	_ =	sdelay $0x1  }
0x3e: {  	(xrf0) =	vadd.scan.msk.s32 $0xffff, v4;
	v4, _, _ =	vpop (xrf0)  }
0x3f: {  	(v2sf) =	vpush v4, $0xF  }
0x40: {  	v10, _, _ =	vpop (xrf0)  }
0x41: {  	v9 =	vsub.s32 v9, v3;
	(v2sf) =	vpush v10, $0xF  }
0x42: {  	vm0 =	vlt.u32 v9, $0x500;
	v11, _, _ =	vpop (xrf0)  }
0x43: {  	v12 =	vsel vm0, $0x1, v1;
	(v2sf) =	vpush v11, $0xF  }
0x44: {  	(xrf0) =	vadd.scan.msk.s32 $0xffff, v12;
	v60, _, _ =	vpop (xrf0)  }
0x45: {  	(v2sf) =	vpush v60, $0xF;
	_ =	sdelay $0x4  }
0x46: {  	v13, _, _ =	vpop (xrf0)  }
0x47: {  	(v2sf) =	vpush v13, $0xF  }
0x48: {  	s26 =	simm.s32 $0x0;
	v14 =	vsel vm3, $0xFFFFFFFF, v1  }
0x49: {  	v14 =	vadd.s32 s26, v14  }
0x4a: {  	v15 =	vsel vm1, $0xFFFFFFFF, v1;
	v14 =	vadd.s32 v4, v14;
	s29 =	spop (v2sf)  }
0x4b: {  	v16 =	vld [tilespmem:s25+$0x0];
	v10 =	vadd.s32 v15, v10;
	s26 =	sadd.s32 $0x0, s29  }
0x4c: {  	v17 =	vld [tilespmem:s25+$0x30];
	v61 =	vsel vm2, $0xFFFFFFFF, v1;
	s28 =	spop (v2sf);
	v10 =	vadd.s32 s26, v10  }
0x4d: {  	v18 =	vld [tilespmem:s25+$0x10];
	v11 =	vadd.s32 v61, v11;
	s26 =	sadd.s32 s26, s28  }
0x4e: {  	v62 =	vld [tilespmem:s25+$0x20];
	v19 =	vsel vm4, $0xFFFFFFFF, v1;
	s28 =	spop (v2sf);
	v11 =	vadd.s32 s26, v11  }
0x4f: {  	v4 =	vld [tilespmem:s25+$0x40];
	[tilespmem:v14+s15+$0x0] =	vst.idx.msk vm3, v7;
	v7 =	vadd.s32 v19, v60;
	s30 =	sadd.s32 s26, s28  }
0x50: {  	v63 =	vsel vm0, $0xFFFFFFFF, v1;
	[tilespmem:v14+s16+$0x0] =	vst.idx.msk vm3, v16;
	s31 =	spop (v2sf);
	v7 =	vadd.s32 s30, v7  }
0x51: {  	s25 =	sadd.s32 s30, s31;
	[tilespmem:v10+s15+$0x0] =	vst.idx.msk vm1, v5;
	v5 =	vadd.s32 v63, v13  }
0x52: {  	[tilespmem:v10+s16+$0x0] =	vst.idx.msk vm1, v18;
	v5 =	vadd.s32 s25, v5  }
0x53: {  	[tilespmem:v11+s15+$0x0] =	vst.idx.msk vm2, v6  }
0x54: {  	[tilespmem:v11+s16+$0x0] =	vst.idx.msk vm2, v62  }
0x55: {  	[tilespmem:v7+s15+$0x0] =	vst.idx.msk vm4, v59  }
0x56: {  	s29 =	spop (v2sf);
	[tilespmem:v7+s16+$0x0] =	vst.idx.msk vm4, v17  }
0x57: {  	s26 =	simm.s32 $0x200;
	s28 =	simm.s32 $0x400;
	s25 =	sadd.s32 s25, s29;
	[tilespmem:v5+s15+$0x0] =	vst.idx.msk vm0, v9  }
.LBB2_3:
0x58: {  	p0 =	sne.s32 s28, $0x1F200  }
0x59: {  	s29 =	sshra.s32 s26, $0x2;
	[tilespmem:v5+s16+$0x0] =	vst.idx.msk vm0, v4;
	s26 =	smov.u32 s28;
	s28 =	sadd.s32 $0x200, s28  }
0x5a: {  	v4 =	vld [tilespmem:s29+$0x8000]  }
0x5b: {  	v5 =	vld [tilespmem:s29+$0x8010]  }
0x5c: {  	v6 =	vld [tilespmem:s29+$0x8020]  }
0x5d: {  	v7 =	vld [tilespmem:s29+$0x8030]  }
0x5e: {  	v8 =	vld [tilespmem:s29+$0x8040]  }
0x5f: {  	v9 =	vsub.s32 v4, v3  }
0x60: {  	vm4 =	vlt.u32 v9, $0x500;
	v5 =	vsub.s32 v5, v3  }
0x61: {  	v4 =	vsel vm4, $0x1, v1;
	vm2 =	vlt.u32 v5, $0x500;
	v6 =	vsub.s32 v6, v3  }
0x62: {  	v10 =	vsel vm2, $0x1, v1;
	vm1 =	vlt.u32 v6, $0x500;
	v7 =	vsub.s32 v7, v3;
	(xrf0) =	vadd.scan.msk.s32 $0xffff, v4  }
0x63: {  	v4 =	vsel vm1, $0x1, v1;
	vm3 =	vlt.u32 v7, $0x500;
	v8 =	vsub.s32 v8, v3;
	(xrf0) =	vadd.scan.msk.s32 $0xffff, v10  }
0x64: {  	v10 =	vsel vm3, $0x1, v1;
	vm0 =	vlt.u32 v8, $0x500;
	(xrf0) =	vadd.scan.msk.s32 $0xffff, v4  }
0x65: {  	v4 =	vsel vm0, $0x1, v1;
	(xrf0) =	vadd.scan.msk.s32 $0xffff, v10  }
0x66: {  	(xrf0) =	vadd.scan.msk.s32 $0xffff, v4  }
0x67: {  	v4 =	vsel vm4, $0xFFFFFFFF, v1  }
0x68: {  	v4 =	vadd.s32 s25, v4;
	v10, _, _ =	vpop (xrf0)  }
0x69: {  	v11 =	vadd.s32 v10, v4;
	v12, _, _ =	vpop (xrf0);
	(v2sf) =	vpush v10, $0xF  }
0x6a: {  	v10, _, _ =	vpop (xrf0);
	(v2sf) =	vpush v12, $0xF  }
0x6b: {  	v13, _, _ =	vpop (xrf0);
	(v2sf) =	vpush v10, $0xF  }
0x6c: {  	v14, _, _ =	vpop (xrf0);
	(v2sf) =	vpush v13, $0xF  }
0x6d: {  	(v2sf) =	vpush v14, $0xF;
	_ =	sdelay $0xa  }
0x6e: {  	v15 =	vsel vm2, $0xFFFFFFFF, v1;
	v4 =	vld [tilespmem:s29+$0x40];
	s30 =	spop (v2sf)  }
0x6f: {  	v12 =	vadd.s32 v15, v12;
	v16 =	vld [tilespmem:s29+$0x0];
	s25 =	sadd.s32 s25, s30;
	s30 =	spop (v2sf)  }
0x70: {  	v15 =	vsel vm1, $0xFFFFFFFF, v1;
	v17 =	vld [tilespmem:s29+$0x30];
	v12 =	vadd.s32 s25, v12;
	s25 =	sadd.s32 s25, s30;
	s30 =	spop (v2sf)  }
0x71: {  	v10 =	vadd.s32 v15, v10;
	v18 =	vld [tilespmem:s29+$0x10];
	s30 =	sadd.s32 s25, s30;
	s31 =	spop (v2sf)  }
0x72: {  	v19 =	vsel vm3, $0xFFFFFFFF, v1;
	v10 =	vadd.s32 s25, v10;
	v15 =	vld [tilespmem:s29+$0x20];
	s29 =	sadd.s32 s30, s31;
	s25 =	spop (v2sf)  }
0x73: {  	[tilespmem:v11+s15+$0x0] =	vst.idx.msk vm4, v9;
	v9 =	vadd.s32 v19, v13;
	s25 =	sadd.s32 s29, s25  }
0x74: {  	v13 =	vsel vm0, $0xFFFFFFFF, v1;
	[tilespmem:v11+s16+$0x0] =	vst.idx.msk vm4, v16;
	v9 =	vadd.s32 s30, v9  }
0x75: {  	[tilespmem:v12+s15+$0x0] =	vst.idx.msk vm2, v5;
	v5 =	vadd.s32 v13, v14  }
0x76: {  	[tilespmem:v12+s16+$0x0] =	vst.idx.msk vm2, v18;
	v5 =	vadd.s32 s29, v5  }
.Ltmp4:
0x77: {  	[tilespmem:v10+s15+$0x0] =	vst.idx.msk vm1, v6;
	(pc) =	sbr.rel @p0 .LBB2_3-.Ltmp4, $4  }
0x78: {  	[tilespmem:v10+s16+$0x0] =	vst.idx.msk vm1, v15  }
0x79: {  	[tilespmem:v9+s15+$0x0] =	vst.idx.msk vm3, v7  }
0x7a: {  	[tilespmem:v9+s16+$0x0] =	vst.idx.msk vm3, v17  }
0x7b: {  	[tilespmem:v5+s15+$0x0] =	vst.idx.msk vm0, v8  }
0x7c: {  	_ =	sdelay $0x4  }
0x7d: {  	s26 =	sshra.s32 s26, $0x2;
	[tilespmem:v5+s16+$0x0] =	vst.idx.msk vm0, v4  }
0x7e: {  	v4 =	vld [tilespmem:s26+$0x8000];
	_ =	sdelay $0x2  }
0x7f: {  	v5 =	vld [tilespmem:s26+$0x8010]  }
0x80: {  	v6 =	vld [tilespmem:s26+$0x8020]  }
0x81: {  	v7 =	vld [tilespmem:s26+$0x8030];
	v4 =	vsub.s32 v4, v3  }
0x82: {  	v52 =	vld [tilespmem:s26+$0x8040];
	vm3 =	vlt.u32 v4, $0x500  }
0x83: {  	v8 =	vsel vm3, $0x1, v1  }
0x84: {  	v5 =	vsub.s32 v5, v3;
	(xrf0) =	vadd.scan.msk.s32 $0xffff, v8  }
0x85: {  	v6 =	vsub.s32 v6, v3;
	vm15 =	vlt.u32 v5, $0x500  }
0x86: {  	v7 =	vsub.s32 v7, v3;
	vm1 =	vlt.u32 v6, $0x500;
	v9 =	vsel vm15, $0x1, v1  }
0x87: {  	v3 =	vsub.s32 v52, v3;
	vm2 =	vlt.u32 v7, $0x500;
	v53 =	vsel vm1, $0x1, v1;
	(xrf0) =	vadd.scan.msk.s32 $0xffff, v9  }
0x88: {  	vm4 =	vlt.u32 v3, $0x500;
	v54 =	vsel vm2, $0x1, v1;
	(xrf0) =	vadd.scan.msk.s32 $0xffff, v53  }
0x89: {  	v56 =	vsel vm4, $0x1, v1;
	(xrf0) =	vadd.scan.msk.s32 $0xffff, v54  }
0x8a: {  	v55, _, _ =	vpop (xrf0);
	(xrf0) =	vadd.scan.msk.s32 $0xffff, v56  }
0x8b: {  	(v2sf) =	vpush v55, $0xF;
	_ =	sdelay $0x1  }
0x8c: {  	v10, _, _ =	vpop (xrf0)  }
0x8d: {  	(v2sf) =	vpush v10, $0xF;
	v57, _, _ =	vpop (xrf0)  }
0x8e: {  	(v2sf) =	vpush v57, $0xF;
	v11, _, _ =	vpop (xrf0)  }
0x8f: {  	(v2sf) =	vpush v11, $0xF;
	v12, _, _ =	vpop (xrf0)  }
0x90: {  	(v2sf) =	vpush v12, $0xF;
	_ =	sdelay $0x6  }
0x91: {  	v13 =	vsel vm3, $0xFFFFFFFF, v1  }
0x92: {  	v13 =	vadd.s32 s25, v13  }
0x93: {  	v58 =	vsel vm15, $0xFFFFFFFF, v1;
	v8 =	vadd.s32 v55, v13;
	s28 =	spop (v2sf)  }
0x94: {  	v15 =	vld [tilespmem:s26+$0x0];
	v10 =	vadd.s32 v58, v10;
	s29 =	sadd.s32 s25, s28  }
0x95: {  	v14 =	vld [tilespmem:s26+$0x40];
	v10 =	vadd.s32 s29, v10  }
0x96: {  	v16 =	vld [tilespmem:s26+$0x30];
	v59 =	vsel vm1, $0xFFFFFFFF, v1;
	s28 =	spop (v2sf)  }
0x97: {  	v17 =	vld [tilespmem:s26+$0x10];
	v18 =	vsel vm2, $0xFFFFFFFF, v1;
	v9 =	vadd.s32 v59, v57;
	s25 =	sadd.s32 s29, s28;
	s28 =	spop (v2sf)  }
0x98: {  	v60 =	vld [tilespmem:s26+$0x20];
	v62 =	vsel vm4, $0xFFFFFFFF, v1;
	v61 =	vadd.s32 v18, v11;
	[tilespmem:v8+s15+$0x0] =	vst.idx.msk vm3, v4;
	v9 =	vadd.s32 s25, v9;
	s25 =	sadd.s32 s25, s28;
	s30 =	spop (v2sf)  }
0x99: {  	[tilespmem:v8+s16+$0x0] =	vst.idx.msk vm3, v15;
	v63 =	vadd.s32 v62, v12;
	v4 =	vadd.s32 s25, v61;
	s25 =	sadd.s32 s25, s30;
	s31 =	spop (v2sf)  }
0x9a: {  	[tilespmem:v10+s15+$0x0] =	vst.idx.msk vm15, v5;
	v5 =	vadd.s32 s25, v63;
	s25 =	sadd.s32 s25, s31  }
0x9b: {  	s26 =	sadd.s32 $0x5F, s25  }
0x9c: {  	[tilespmem:v10+s16+$0x0] =	vst.idx.msk vm15, v17;
	s28 =	smulhi.u32 $0x2AAAAAAB, s26;
	s29 =	sshra.s32 s26, $0x1F  }
0x9d: {  	[tilespmem:v9+s15+$0x0] =	vst.idx.msk vm1, v6;
	s29 =	smul.u32 $0x2AAAAAAB, s29  }
0x9e: {  	[tilespmem:v9+s16+$0x0] =	vst.idx.msk vm1, v60  }
0x9f: {  	[tilespmem:v4+s15+$0x0] =	vst.idx.msk vm2, v7;
	s28 =	sadd.s32 s29, s28  }
0xa0: {  	[tilespmem:v4+s16+$0x0] =	vst.idx.msk vm2, v16;
	s29 =	sshrl.u32 s28, $0x1F;
	s28 =	sshra.s32 s28, $0x4  }
0xa1: {  	[tilespmem:v5+s15+$0x0] =	vst.idx.msk vm4, v3;
	s28 =	sadd.s32 s29, s28  }
0xa2: {  	[tilespmem:v5+s16+$0x0] =	vst.idx.msk vm4, v14;
	s29 =	smul.u32 $0xFFFFFFA0, s28  }
0xa3: {  	s30 =	ssub.s32 $0xFFFFFFA1, s25;
	[tilespmem:s25+$0x14F00] =	vst v2  }
0xa4: {  	p0 =	slt.s32 s26, $0x1;
	[tilespmem:s25+$0x10000] =	vst v0;
	p1 =	sne.s32 s29, s30  }
0xa5: {  	[tilespmem:s25+$0x14F10] =	vst v2;
	p0 =	por !p0, !p1  }
0xa6: {  	s26 =	simm.s32 $0x1;
	[tilespmem:s25+$0x10010] =	vst v0;
	p0 =	por !p0, !p0  }
0xa7: {  	[tilespmem:s25+$0x14F20] =	vst v2;
	s26 =	simm.s32 @!p0 $0x0  }
0xa8: {  	[tilespmem:s25+$0x10020] =	vst v0;
	s28 =	ssub.s32 s28, s26  }
0xa9: {  	[tilespmem:s25+$0x14F30] =	vst v2;
	p0 =	slt.s32 s28, $0x1  }
.Ltmp5:
0xaa: {  	[tilespmem:s25+$0x10030] =	vst v0;
	(pc) =	sbr.rel @p0 .LBB2_8-.Ltmp5, $4  }
0xab: {  	[tilespmem:s25+$0x14F40] =	vst v2  }
0xac: {  	[tilespmem:s25+$0x10040] =	vst v0  }
0xad: {  	[tilespmem:s25+$0x14F50] =	vst v2  }
0xae: {  	[tilespmem:s25+$0x10050] =	vst v0  }
0xaf: {  	s25 =	simm.s32 $0x14F30  }
0xb0: {  	v3 =	vld [tilespmem:s25+$0xFFFFFFD0];
	_ =	sdelay $0x4  }
0xb1: {  	[tilespmem:$0x19E00] =	vst v3  }
0xb2: {  	v3 =	vld [tilespmem:s25+$0xFFFFFFE0];
	_ =	sdelay $0x4  }
0xb3: {  	[tilespmem:$0x19E10] =	vst v3  }
0xb4: {  	v3 =	vld [tilespmem:s25+$0xFFFFFFF0];
	_ =	sdelay $0x4  }
0xb5: {  	[tilespmem:$0x19E20] =	vst v3  }
0xb6: {  	v3 =	vld [tilespmem:s25+$0x0];
	_ =	sdelay $0x4  }
0xb7: {  	[tilespmem:$0x19E30] =	vst v3  }
0xb8: {  	v3 =	vld [tilespmem:s25+$0x10];
	_ =	sdelay $0x4  }
0xb9: {  	[tilespmem:$0x19E40] =	vst v3  }
0xba: {  	v3 =	vld [tilespmem:s25+$0x20];
	_ =	sdelay $0x4  }
0xbb: {  	s26 =	simm.s32 $0x10000;
	[tilespmem:$0x19E50] =	vst v3  }
0xbc: {  	[tilespmem:s19], [sflag:$0x1] =	stream.indirect.gather [hbm4b:s4+s18], $0x80, s26, s18, $0xb8;
	[tilespmem:$0x1FA80] =	vst v63  }
0xbd: {  	p0 =	sne.s32 s28, $0x1;
	_ =	swait.ge [sflag:s17], $0x3000  }
.Ltmp6:
0xbe: {  	[sflag:s17] =	ssyncset.done $0x0;
	(pc) =	sbr.rel @!p0 .LBB2_7-.Ltmp6, $4  }
0xbf: {  	[sflag:s17] =	ssyncadd.s32 $0xFFFFD000  }
0xc0: {  	[spmem:s1] =	stream.indirect.scatter.add.f32 [tilespmem:s19], [sflag:$0x2], $0x80, s20, s18, $0xb8;
	[tilespmem:$0x1FA80] =	vst v63  }
0xc1: {  	_ =	swait.ge [sflag:s13], $0x3000  }
0xc2: {  	s28 =	sadd.s32 $0xFFFFFFFF, s28;
	[sflag:s13] =	ssyncset.done $0x0  }
.LBB2_6:
0xc3: {  	[sflag:s13] =	ssyncadd.s32 $0xFFFFD000;
	s26 =	sadd.s32 $0x60, s26;
	s25 =	sadd.s32 $0x60, s25  }
0xc4: {  	p0 =	sne.s32 s28, $0x1;
	s28 =	sadd.s32 $0xFFFFFFFF, s28;
	v3 =	vld [tilespmem:s25+$0xFFFFFFD0];
	_ =	sdelay $0x4  }
0xc5: {  	[tilespmem:$0x19E00] =	vst v3  }
0xc6: {  	v3 =	vld [tilespmem:s25+$0xFFFFFFE0];
	_ =	sdelay $0x4  }
0xc7: {  	[tilespmem:$0x19E10] =	vst v3  }
0xc8: {  	v3 =	vld [tilespmem:s25+$0xFFFFFFF0];
	_ =	sdelay $0x4  }
0xc9: {  	[tilespmem:$0x19E20] =	vst v3  }
0xca: {  	v3 =	vld [tilespmem:s25+$0x0];
	_ =	sdelay $0x4  }
0xcb: {  	[tilespmem:$0x19E30] =	vst v3  }
0xcc: {  	v3 =	vld [tilespmem:s25+$0x10];
	_ =	sdelay $0x4  }
0xcd: {  	[tilespmem:$0x19E40] =	vst v3  }
0xce: {  	v3 =	vld [tilespmem:s25+$0x20];
	_ =	sdelay $0x4  }
0xcf: {  	[tilespmem:$0x19E50] =	vst v3  }
0xd0: {  	[tilespmem:s19], [sflag:$0x1] =	stream.indirect.gather [hbm4b:s4+s18], $0x80, s26, s18, $0xb8;
	[tilespmem:$0x1FA80] =	vst v63  }
0xd1: {  	_ =	swait.ge [sflag:s17], $0x3000  }
.Ltmp7:
0xd2: {  	[sflag:s17] =	ssyncset.done $0x0;
	(pc) =	sbr.rel @p0 .LBB2_6-.Ltmp7, $4  }
0xd3: {  	[sflag:s17] =	ssyncadd.s32 $0xFFFFD000  }
0xd4: {  	[spmem:s1] =	stream.indirect.scatter.add.f32 [tilespmem:s19], [sflag:$0x2], $0x80, s20, s18, $0xb8;
	[tilespmem:$0x1FA80] =	vst v63  }
0xd5: {  	_ =	swait.ge [sflag:s13], $0x3000  }
0xd6: {  	[sflag:s13] =	ssyncset.done $0x0  }
.Ltmp8:
0xd7: {  	_ = 	snop;
	(pc) =	sbr.rel .LBB2_7-.Ltmp8, $1  }
0xd8: {  	_ =	sdelay $0x3  }
.LBB2_10:
0xd9: {  	_ =	sfence.sel $0x180000  }
0xda: {  	[bflag:$0x0] =	sbarrier.arrive $0xFFFF  }
0xdb: {  	p0 =	sne.s32 s2, $0x0;
	_ =	strace $0x9000004A  }
0xdc: {  	s0 =	sadd.s32 @!p0 $0x100000, s0;
	[bflag:$0x2] =	sbarrier.arrive $0xFFFF  }
0xdd: {  	[sflag:s0] =	ssyncadd.tile.s32 @!p0 $0x1;
	_ =	shalt  }
.Lfunc_end2:
_tile_overlayer_lowered:
.L_overlay_start_2:
0xde: {  	(tag) =	ssettag $0x2  }
0xdf: {  	s0 =	rddreg [dreg:$0x0];
	s2 =	stileid.u32  }
0xe0: {  	s1 =	rddreg [dreg:$0x1];
	p0 =	sne.s32 s2, $0x0  }
0xe1: {  	s3 =	rddreg [dreg:$0x2];
	[bflag:$0x3] =	sbarrier.arrive $0xFFFF;
	s2 =	simm.s32 @!p0 $0x1C02  }
0xe2: {  	[timem:s3], [sflag:s2] =	dma.local @!p0 [hbm:s0], s1  }
0xe3: {  	s0 =	simm.s32 @!p0 $0x2  }
0xe4: {  	_ =	swait.ge @!p0 [sflag:s0], s1  }
0xe5: {  	s1 =	ssub.s32 @!p0 $0x0, s1;
	[sflag:s0] =	ssyncset.done @!p0 $0x0  }
0xe6: {  	[sflag:s0] =	ssyncadd.s32 @!p0 s1  }
0xe7: {  	[bflag:$0x3] =	sbarrier.arrive $0xFFFF  }
0xe8: {  	_ =	shalt  }

// kernel: kernel.7.cloned.1.call-start
scs
__scs_entry_jumppad:
0x0: {  	(pc) =	sbr.rel $0x88, $3  }
0x1: {  	(tag) =	ssettag $0x0;
	lr =	simm.s32 $0x1  }
0x2: {  	[smem:$0x3F95] =	sst lr;
	_ =	strace $0xD0000000  }
0x3: {  	_ = 	snop  }
0x4: {  	_ = 	snop  }
0x5: {  	_ = 	snop  }
0x6: {  	_ = 	snop  }
0x7: {  	_ = 	snop  }
__scs_overlays_trampoline_lowered:
0x8: {  	[smem:$0x3FA4] =	sst s0  }
0x9: {  	[smem:$0x3FA5] =	sst s1  }
0xa: {  	[smem:$0x3FA6] =	sst s2  }
0xb: {  	[smem:$0x3FA7] =	sst s3  }
0xc: {  	[smem:$0x3FA8] =	sst s4  }
0xd: {  	[smem:$0x3FA9] =	sst s5  }
0xe: {  	[smem:$0x3FAA] =	sst s6  }
0xf: {  	[smem:$0x3FAB] =	sst s7  }
0x10: {  	[smem:$0x3FAC] =	sst s8  }
0x11: {  	[smem:$0x3FAD] =	sst s9;
	s0 =	simm.s32 @!p0 $0x0  }
0x12: {  	s1 =	sld [smem:$0x3F93];
	s0 =	simm.s32 @p0 $0x1  }
0x13: {  	[smem:$0x3FAE] =	sst s0;
	s0 =	simm.s32 @!p1 $0x0  }
0x14: {  	s2 =	sld [smem:$0x3F92];
	s0 =	simm.s32 @p1 $0x1  }
0x15: {  	[smem:$0x3FAF] =	sst s0;
	s0 =	simm.s32 @!p2 $0x0  }
0x16: {  	s3 =	sld [smem:$0x3FDB];
	s0 =	simm.s32 @p2 $0x1  }
0x17: {  	s4 =	simm.s32 $0x1BF5;
	[smem:$0x3FB1] =	sst s0  }
0x18: {  	s0 =	sld [smem:$0x3F94];
	_ =	swait.ge [sflag:s4], $0x0  }
0x19: {  	s7 =	sld [smem:$0x3F95]  }
0x1a: {  	s8 =	sadd.s32 $0xFFFFE003, lr  }
0x1b: {  	s9 =	sadd.s32 $0xFFFFFEF7, lr;
	s5 =	simm.s32 $0xFFFFFFFF;
	p2 =	slt.u32 s8, $0xFFFFF086  }
0x1c: {  	p1 =	slt.u32 s9, $0xF7A;
	s5 =	simm.s32 @!p2 $0x0  }
0x1d: {  	s5 =	simm.s32 @p1 $0x1;
	p0 =	seq.s32 s7, s2  }
0x1e: {  	s7 =	smul.u32 @!p0 $0xF7A, s2;
	p2 =	seq.s32 @!p0 s5, $0x0  }
0x1f: {  	s9 =	smul.u32 $0xF7A, s1;
	s8 =	simm.s32 @!p0 $0x1BF5;
	p2 =	por !p2, p0  }
0x20: {  	[sflag:s8] =	ssyncset.s32 @!p0 $0xFFFFF086;
	s6 =	sadd.s32 @!p0 s3, s7;
	s7 =	simm.s32 @!p0 $0x108  }
0x21: {  	s3 =	sadd.s32 s3, s9;
	s6 =	sadd.s32 @!p0 $0x88, s6;
	s7 =	simm.s32 @p2 $0x1082  }
0x22: {  	[simem:s7], [sflag:s8] =	dma.local @!p0 [hbm:s6], $0xF7A  }
0x23: {  	s9 =	sor.u32 $0xD0000000, s2;
	s6 =	simm.s32 $0x108;
	_ =	swait.ge @!p0 [sflag:s8], $0x0  }
0x24: {  	s3 =	sadd.s32 $0x88, s3;
	s6 =	simm.s32 @!p1 $0x1082;
	[sflag:s4] =	ssyncset.s32 $0xFFFFF086  }
0x25: {  	[simem:s6], [sflag:s4] =	dma.local [hbm:s3], $0xF7A  }
0x26: {  	[smem:$0x3F95] =	sst s1;
	(tag) =	ssettag s2;
	_ =	strace s9  }
0x27: {  	s1 =	sld [smem:$0x3FA5]  }
0x28: {  	s2 =	sld [smem:$0x3FA6]  }
0x29: {  	s4 =	sld [smem:$0x3FA8]  }
0x2a: {  	p0 =	seq.s32 s5, $0x0;
	s5 =	sld [smem:$0x3FA9]  }
0x2b: {  	s6 =	sld [smem:$0x3FAA]  }
0x2c: {  	s7 =	sld [smem:$0x3FAB]  }
0x2d: {  	s3 =	simm.s32 $0x108;
	s8 =	sld [smem:$0x3FAC]  }
0x2e: {  	s3 =	simm.s32 @!p0 $0x1082;
	s9 =	sld [smem:$0x3FAD]  }
0x2f: {  	lr =	sadd.s32 s0, s3;
	s0 =	sld [smem:$0x3FA4]  }
0x30: {  	s3 =	sld [smem:$0x3FA7]  }
0x31: {  	[smem:$0x3FB0] =	sst s10  }
0x32: {  	s10 =	sld [smem:$0x3FAE];
	_ =	sdelay $0x3  }
0x33: {  	p0 =	seq.s32 s10, $0x1;
	s10 =	sld [smem:$0x3FB0];
	_ =	sdelay $0x3  }
0x34: {  	[smem:$0x3FB0] =	sst s10  }
0x35: {  	s10 =	sld [smem:$0x3FAF];
	_ =	sdelay $0x3  }
0x36: {  	p1 =	seq.s32 s10, $0x1;
	s10 =	sld [smem:$0x3FB0];
	_ =	sdelay $0x3  }
0x37: {  	[smem:$0x3FB0] =	sst s10  }
0x38: {  	s10 =	sld [smem:$0x3FB1]  }
0x39: {  	_ = 	snop;
	(pc) =	sbr.ind lr, $3  }
0x3a: {  	_ = 	snop  }
0x3b: {  	_ = 	snop  }
0x3c: {  	p2 =	seq.s32 s10, $0x1;
	s10 =	sld [smem:$0x3FB0]  }
0x3d: {  	_ =	shalt  }
0x3e: {  	_ =	shalt  }
0x3f: {  	_ =	shalt  }
0x40: {  	_ =	shalt  }
0x41: {  	_ =	shalt  }
0x42: {  	_ =	shalt  }
0x43: {  	_ =	shalt  }
0x44: {  	_ =	shalt  }
0x45: {  	_ =	shalt  }
0x46: {  	_ =	shalt  }
0x47: {  	_ =	shalt  }
0x48: {  	_ =	shalt  }
0x49: {  	_ =	shalt  }
0x4a: {  	_ =	shalt  }
0x4b: {  	_ =	shalt  }
0x4c: {  	_ =	shalt  }
0x4d: {  	_ =	shalt  }
0x4e: {  	_ =	shalt  }
0x4f: {  	_ =	shalt  }
0x50: {  	_ =	shalt  }
0x51: {  	_ =	shalt  }
0x52: {  	_ =	shalt  }
0x53: {  	_ =	shalt  }
0x54: {  	_ =	shalt  }
0x55: {  	_ =	shalt  }
0x56: {  	_ =	shalt  }
0x57: {  	_ =	shalt  }
0x58: {  	_ =	shalt  }
0x59: {  	_ =	shalt  }
0x5a: {  	_ =	shalt  }
0x5b: {  	_ =	shalt  }
0x5c: {  	_ =	shalt  }
0x5d: {  	_ =	shalt  }
0x5e: {  	_ =	shalt  }
0x5f: {  	_ =	shalt  }
0x60: {  	_ =	shalt  }
0x61: {  	_ =	shalt  }
0x62: {  	_ =	shalt  }
0x63: {  	_ =	shalt  }
0x64: {  	_ =	shalt  }
0x65: {  	_ =	shalt  }
0x66: {  	_ =	shalt  }
0x67: {  	_ =	shalt  }
0x68: {  	_ =	shalt  }
0x69: {  	_ =	shalt  }
0x6a: {  	_ =	shalt  }
0x6b: {  	_ =	shalt  }
0x6c: {  	_ =	shalt  }
0x6d: {  	_ =	shalt  }
0x6e: {  	_ =	shalt  }
0x6f: {  	_ =	shalt  }
0x70: {  	_ =	shalt  }
0x71: {  	_ =	shalt  }
0x72: {  	_ =	shalt  }
0x73: {  	_ =	shalt  }
0x74: {  	_ =	shalt  }
0x75: {  	_ =	shalt  }
0x76: {  	_ =	shalt  }
0x77: {  	_ =	shalt  }
0x78: {  	_ =	shalt  }
0x79: {  	_ =	shalt  }
0x7a: {  	_ =	shalt  }
0x7b: {  	_ =	shalt  }
0x7c: {  	_ =	shalt  }
0x7d: {  	_ =	shalt  }
0x7e: {  	_ =	shalt  }
0x7f: {  	_ =	shalt  }
0x80: {  	_ =	shalt  }
0x81: {  	_ =	shalt  }
0x82: {  	_ =	shalt  }
0x83: {  	_ =	shalt  }
0x84: {  	_ =	shalt  }
0x85: {  	_ =	shalt  }
0x86: {  	_ =	shalt  }
0x87: {  	_ =	shalt  }
.Lfunc_end0:
.L_simem_size_0:
called_computation_lowered:
.L_overlay_start_0:
0x88: {  	s2 =	sld [smem:$0x3FD9]  }
0x89: {  	s3 =	sld [smem:$0x3FFE];
	_ =	sdelay $0x1  }
0x8a: {  	s1 =	srdreg.scid  }
0x8b: {  	s0 =	sand.u32 $0x1, s1  }
0x8c: {  	s17 =	sshll.u32 s0, $0xA;
	s2 =	sadd.s32 s3, s2  }
0x8d: {  	s2 =	sadd.s32 s2, s17  }
0x8e: {  	[smem:$0x3FBC] =	sst s2  }
0x8f: {  	_ = 	snop  }
0x90: {  	s2 =	sld [smem:$0x3FD0];
	(tm) =	ssettm $0x1  }
0x91: {  	s18 =	sld [smem:$0x3FFB];
	_ =	sdelay $0x3  }
0x92: {  	_ =	strace s18  }
0x93: {  	s3 =	sld [smem:$0x3FFC];
	_ =	sdelay $0x3  }
0x94: {  	_ =	strace s3  }
0x95: {  	s3 =	sld [smem:$0x3FFD];
	_ =	sdelay $0x3  }
0x96: {  	_ =	strace s3  }
0x97: {  	_ =	strace $0x8FFFFFFF  }
0x98: {  	s19 =	sld [smem:$0x3FDB];
	_ =	sdelay $0x1  }
0x99: {  	s4 =	simm.s32 $_scs_section_size  }
0x9a: {  	s5 =	simm.s32 $_size__tile_overlayer_lowered;
	s6 =	simm.s32 $_tile_overlayer_lowered  }
0x9b: {  	s22 =	simm.s32 $0x1BFF;
	s21 =	sshll.u32 s6, $0x1;
	s3 =	sadd.s32 s4, s19  }
0x9c: {  	s7 =	simm.s32 $0x0;
	s20 =	sshll.u32 s5, $0x1;
	s5 =	sadd.s32 s21, s3  }
0x9d: {  	[timem:s7], [sflag:s22] =	dma.local [hbm:s5], s20  }
0x9e: {  	_ =	swait.ge [sflag:s22], s20  }
0x9f: {  	s4 =	ssub.s32 $0x0, s20;
	[sflag:s22] =	ssyncset.done $0x0  }
0xa0: {  	[sflag:s22] =	ssyncadd.s32 s4;
	_ =	sdelay $0x1  }
0xa1: {  	s23 =	simm.s32 $0x1B8B  }
0xa2: {  	_ =	swait.ge [sflag:s23], $0x1  }
0xa3: {  	[sflag:s23] =	ssyncset.done $0x0  }
0xa4: {  	s25 =	simm.s32 $0x1B8E;
	s24 =	sld [smem:$0x3FFE];
	[sflag:s23] =	ssyncadd.s32 $0xFFFFFFFF  }
0xa5: {  	s26 =	simm.s32 $execute0_lowered;
	[smem:$0x3FD2] =	sst s25  }
0xa6: {  	s5 =	sshll.u32 s26, $0x1;
	_ =	strace $0x80000046;
	[dreg:$0x1] =	wrdreg $0xFFFFFFFF  }
0xa7: {  	s28 =	simm.s32 $_size_execute0_lowered;
	s3 =	sadd.s32 s3, s5;
	[dreg:$0x0] =	wrdreg $0x0  }
0xa8: {  	s5 =	sshll.u32 s28, $0x1;
	[dreg:$0x2] =	wrdreg s3  }
0xa9: {  	[dreg:$0x3] =	wrdreg s5  }
0xaa: {  	[dreg:$0x4] =	wrdreg $0xC0  }
0xab: {  	_ =	task [dreg:s7], $0x5FFFF  }
0xac: {  	[dreg:$0x1] =	wrdreg $0xFFFFFFFF  }
0xad: {  	[dreg:$0x0] =	wrdreg $0x60  }
0xae: {  	[dreg:$0x2] =	wrdreg s24  }
0xaf: {  	[dreg:$0x3] =	wrdreg s2  }
0xb0: {  	[dreg:$0x4] =	wrdreg $0x1CE800  }
0xb1: {  	[dreg:$0x5] =	wrdreg $0x9  }
0xb2: {  	_ =	task.clear_ibuf [dreg:s7], $0x6FFFF;
	_ =	strace $0x90000046  }
0xb3: {  	s29 =	simm.s32 $0x9;
	_ =	strace $0x80000048  }
0xb4: {  	_ =	swait.ge [sflag:s29], $0x1  }
0xb5: {  	[sflag:s29] =	ssyncadd.s32 $0xFFFFFFFF  }
0xb6: {  	_ =	strace $0x90000048  }
0xb7: {  	_ =	sfence  }
0xb8: {  	s30 =	sld [smem:$0x0];
	_ =	sdelay $0x2  }
0xb9: {  	s31 =	sshll.u32 s1, $0xD;
	s1 =	sshrl.u32 s1, $0x2  }
0xba: {  	s3 =	sand.u32 $0x4000, s31;
	s1 =	sadd.s32 s1, s30  }
0xbb: {  	s0 =	sor.u32 s3, s0;
	s1 =	sshll.u32 s1, $0x11  }
0xbc: {  	s0 =	sor.u32 s1, s0  }
0xbd: {  	s0 =	sadd.s32 $0x8F2B, s0  }
0xbe: {  	[sflag:s0] =	ssyncadd.remote.s32 $0x1  }
0xbf: {  	_ =	sfence.sel $0xFFFF  }
0xc0: {  	[dreg:$0x0] =	wrdreg $0xFFFFFFFF;
	(pc) =	sbr.abs _section_cstart, $3  }
0xc1: {  	[dreg:$0x1] =	wrdreg $0xFFFFFFFF  }
0xc2: {  	_ =	task.clear_ibuf [dreg:s7], $0x2FFFF;
	_ =	strace $0x9FFFFFFF  }
0xc3: {  	(tm) =	ssettm $0x7FFFFFFF  }
tec
execute0_lowered:
.L_overlay_start_1:
0x0: {  	(tag) =	ssettag $0x1  }
0x1: {  	s0 =	rddreg [dreg:$0x0]  }
0x2: {  	s1 =	rddreg [dreg:$0x1]  }
0x3: {  	s2 =	rddreg [dreg:$0x2];
	s4 =	simm.s32 $0x0;
	s12 =	stileid.u32  }
0x4: {  	s6 =	srdreg.scid;
	s18 =	simm.s32 $0x2;
	s20 =	simm.s32 $0x14F00  }
0x5: {  	s21 =	simm.s32 $0x10000;
	s22 =	simm.s32 $0x1;
	s23 =	simm.s32 $0x60  }
0x6: {  	s25 =	simm.s32 $0x19E00;
	s26 =	simm.s32 $0x0;
	[smem:$0x7FF] =	sst s4  }
0x7: {  	s3 =	sshll.u32 s12, $0xC;
	s7 =	smul.u32 $0x580, s12;
	s5 =	sadd.s32 $0x32600, s0  }
0x8: {  	s6 =	sand.u32 $0x1, s6;
	s11 =	smul.u32 $0xB000, s12;
	s8 =	sadd.s32 $0x88400, s0  }
0x9: {  	s30 =	sshll.u32 s12, $0x6;
	_ =	strace $0x80000047;
	s3 =	sadd.s32 s3, s0  }
0xa: {  	s9 =	ssub.s32 $0x2, s6;
	s13 =	sshll.u32 s6, $0x10;
	s24 =	smul.u32 $0x2800, s6  }
0xb: {  	s10 =	sadd.s32 s7, s0;
	s7 =	sadd.s32 $0x87E00, s0;
	s29 =	sshrl.u32 s9, $0x1  }
0xc: {  	s11 =	sshrl.u32 s11, $0x2;
	s0 =	ssub.s32 s9, s29;
	s9 =	smul.u32 $0x50, s12  }
.Ltmp0:
0xd: {  	s13 =	sadd.s32 s13, s3;
	s17 =	sadd.s32 s11, s2;
	(pc) =	sbr.rel .LBB2_1-.Ltmp0, $4  }
0xe: {  	s12 =	smul.u32 $0xA000, s12;
	s10 =	sadd.s32 $0x82600, s10;
	s31 =	sadd.s32 $0x12600, s13  }
0xf: {  	s11 =	sor.u32 $0x1C02, s30;
	s13 =	sadd.s32 $0x2600, s3;
	[dreg:$0x4] =	wrdreg s31  }
0x10: {  	s16 =	smax.u32 s0, $0x1;
	s17 =	sshrl.u32 s17, $0x3;
	s14 =	sshrl.u32 s12, $0x2  }
0x11: {  	v1 =	vimm.s32 $0x0;
	v2 =	vimm.s32 $0x500;
	v0 =	vmov s24;
	s15 =	sor.u32 s24, s9;
	s24 =	simm.s32 $0x19E80;
	s14 =	sadd.s32 s14, s2  }
.LBB2_15:
0x12: {  	s26 =	sadd.s32 $0x1, s26  }
0x13: {  	p0 =	sne.s32 s26, s16  }
.Ltmp1:
0x14: {  	_ = 	snop;
	(pc) =	sbr.rel @!p0 .LBB2_16-.Ltmp1, $1  }
0x15: {  	_ =	sdelay $0x3  }
.LBB2_1:
0x16: {  	[spmem:s17], [sflag:s11] =	dma.local [hbm:s10], $0x580  }
0x17: {  	_ =	swait.ge [sflag:s18], $0x580  }
0x18: {  	[sflag:s18] =	ssyncset.done $0x0  }
0x19: {  	s0 =	rddreg [dreg:$0x4];
	[sflag:s18] =	ssyncadd.s32 $0xFFFFFA80  }
0x1a: {  	[tilespmem:s4], [sflag:$0x2] =	stream.linear.gather [hbm4b:s0+s4], $0x7D00, $0x38;
	[tilespmem:$0x1FA80] =	vst v63  }
0x1b: {  	_ =	swait.ge [sflag:s18], $0x7D00  }
0x1c: {  	[sflag:s18] =	ssyncset.done $0x0  }
0x1d: {  	s31 =	simm.s32 $0x8000;
	[sflag:s18] =	ssyncadd.s32 $0xFFFF8300  }
0x1e: {  	[tilespmem:s31], [sflag:$0x2] =	stream.linear.gather [hbm4b:s13+s4], $0x7D00, $0x38;
	[tilespmem:$0x1FA80] =	vst v63  }
.Ltmp2:
0x1f: {  	_ =	swait.ge [sflag:s18], $0x7D00;
	(pc) =	sbr.rel .LBB2_2-.Ltmp2, $4  }
0x20: {  	[sflag:s18] =	ssyncset.done $0x0  }
0x21: {  	[sflag:s18] =	ssyncadd.s32 $0xFFFF8300  }
0x22: {  	[bflag:$0x0] =	sbarrier.arrive $0xFFFF  }
0x23: {  	s28 =	simm.s32 $0x0  }
.LBB2_12:
0x24: {  	[sflag:s18] =	ssyncadd.s32 $0xFFFFD000  }
.LBB2_13:
0x25: {  	s3 =	sadd.s32 s9, s29  }
0x26: {  	s3 =	sshll.u32 s3, $0x4  }
0x27: {  	[bflag:$0x0] =	sbarrier.arrive $0xFFFF;
	s3 =	sadd.s32 s1, s3  }
0x28: {  	[hbm:s3], [sflag:s11] =	dma.local [spmem:s0], $0x500  }
0x29: {  	_ =	swait.ge [sflag:s18], $0x500  }
0x2a: {  	[sflag:s18] =	ssyncset.done $0x0  }
0x2b: {  	[sflag:s18] =	ssyncadd.s32 $0xFFFFFB00  }
0x2c: {  	[spmem:s17], [sflag:s11] =	dma.local [hbm:s10], $0x580  }
0x2d: {  	_ =	swait.ge [sflag:s18], $0x580  }
0x2e: {  	[sflag:s18] =	ssyncset.done $0x0  }
0x2f: {  	[sflag:s18] =	ssyncadd.s32 $0xFFFFFA80  }
0x30: {  	[bflag:$0x0] =	sbarrier.arrive $0xFFFF  }
.LBB2_14:
0x31: {  	s28 =	sadd.s32 $0x1, s28  }
0x32: {  	p0 =	sne.s32 s28, $0x8  }
.Ltmp3:
0x33: {  	_ = 	snop;
	(pc) =	sbr.rel @!p0 .LBB2_15-.Ltmp3, $1  }
0x34: {  	_ =	sdelay $0x3  }
.LBB2_2:
0x35: {  	s0 =	simm.s32 $0x0  }
0x36: {  	v4 =	vld [tilespmem:s0+$0x8000];
	_ =	sdelay $0x1  }
0x37: {  	s29 =	smul.u32 $0x500, s28  }
0x38: {  	v5 =	vld [tilespmem:s0+$0x8010]  }
0x39: {  	v6 =	vld [tilespmem:s0+$0x8020];
	v3 =	vmov s29  }
0x3a: {  	v7 =	vsub.s32 v4, v3;
	v4 =	vld [tilespmem:s0+$0x8030];
	_ =	sdelay $0x1  }
0x3b: {  	vm3 =	vlt.u32 v7, $0x500  }
0x3c: {  	v5 =	vsub.s32 v5, v3;
	v8 =	vsel vm3, $0x1, v1  }
0x3d: {  	v6 =	vsub.s32 v6, v3;
	vm1 =	vlt.u32 v5, $0x500;
	(xrf0) =	vadd.scan.msk.s32 $0xffff, v8  }
0x3e: {  	vm2 =	vlt.u32 v6, $0x500;
	v58 =	vsel vm1, $0x1, v1;
	v59 =	vsub.s32 v4, v3  }
0x3f: {  	(xrf0) =	vadd.scan.msk.s32 $0xffff, v58;
	v4 =	vsel vm2, $0x1, v1;
	vm4 =	vlt.u32 v59, $0x500  }
0x40: {  	(xrf0) =	vadd.scan.msk.s32 $0xffff, v4;
	v4 =	vsel vm4, $0x1, v1  }
0x41: {  	v9 =	vld [tilespmem:s0+$0x8040];
	_ =	sdelay $0x1  }
0x42: {  	(xrf0) =	vadd.scan.msk.s32 $0xffff, v4;
	v4, _, _ =	vpop (xrf0)  }
0x43: {  	(v2sf) =	vpush v4, $0xF  }
0x44: {  	v10, _, _ =	vpop (xrf0)  }
0x45: {  	v9 =	vsub.s32 v9, v3;
	(v2sf) =	vpush v10, $0xF  }
0x46: {  	vm0 =	vlt.u32 v9, $0x500;
	v11, _, _ =	vpop (xrf0)  }
0x47: {  	v12 =	vsel vm0, $0x1, v1;
	(v2sf) =	vpush v11, $0xF  }
0x48: {  	(xrf0) =	vadd.scan.msk.s32 $0xffff, v12;
	v60, _, _ =	vpop (xrf0)  }
0x49: {  	(v2sf) =	vpush v60, $0xF;
	_ =	sdelay $0x4  }
0x4a: {  	v13, _, _ =	vpop (xrf0)  }
0x4b: {  	(v2sf) =	vpush v13, $0xF  }
0x4c: {  	s3 =	simm.s32 $0x0;
	v14 =	vsel vm3, $0xFFFFFFFF, v1  }
0x4d: {  	v14 =	vadd.s32 s3, v14  }
0x4e: {  	v15 =	vsel vm1, $0xFFFFFFFF, v1;
	v14 =	vadd.s32 v4, v14;
	s19 =	spop (v2sf)  }
0x4f: {  	v16 =	vld [tilespmem:s0+$0x0];
	v10 =	vadd.s32 v15, v10;
	s3 =	sadd.s32 $0x0, s19  }
0x50: {  	v17 =	vld [tilespmem:s0+$0x30];
	v61 =	vsel vm2, $0xFFFFFFFF, v1;
	s30 =	spop (v2sf);
	v10 =	vadd.s32 s3, v10  }
0x51: {  	v18 =	vld [tilespmem:s0+$0x10];
	v11 =	vadd.s32 v61, v11;
	s3 =	sadd.s32 s3, s30  }
0x52: {  	v62 =	vld [tilespmem:s0+$0x20];
	v19 =	vsel vm4, $0xFFFFFFFF, v1;
	s30 =	spop (v2sf);
	v11 =	vadd.s32 s3, v11  }
0x53: {  	v4 =	vld [tilespmem:s0+$0x40];
	[tilespmem:v14+s20+$0x0] =	vst.idx.msk vm3, v7;
	v7 =	vadd.s32 v19, v60;
	s12 =	sadd.s32 s3, s30  }
0x54: {  	v63 =	vsel vm0, $0xFFFFFFFF, v1;
	[tilespmem:v14+s21+$0x0] =	vst.idx.msk vm3, v16;
	s19 =	spop (v2sf);
	v7 =	vadd.s32 s12, v7  }
0x55: {  	s3 =	sadd.s32 s12, s19;
	[tilespmem:v10+s20+$0x0] =	vst.idx.msk vm1, v5;
	v5 =	vadd.s32 v63, v13  }
0x56: {  	[tilespmem:v10+s21+$0x0] =	vst.idx.msk vm1, v18;
	v5 =	vadd.s32 s3, v5  }
0x57: {  	[tilespmem:v11+s20+$0x0] =	vst.idx.msk vm2, v6  }
0x58: {  	[tilespmem:v11+s21+$0x0] =	vst.idx.msk vm2, v62  }
0x59: {  	[tilespmem:v7+s20+$0x0] =	vst.idx.msk vm4, v59  }
0x5a: {  	s30 =	spop (v2sf);
	[tilespmem:v7+s21+$0x0] =	vst.idx.msk vm4, v17  }
0x5b: {  	s31 =	simm.s32 $0x200;
	s0 =	simm.s32 $0x400;
	s30 =	sadd.s32 s3, s30;
	[tilespmem:v5+s20+$0x0] =	vst.idx.msk vm0, v9  }
.LBB2_3:
0x5c: {  	p0 =	sne.s32 s0, $0x1F200  }
0x5d: {  	s3 =	sshra.s32 s31, $0x2;
	[tilespmem:v5+s21+$0x0] =	vst.idx.msk vm0, v4;
	s31 =	smov.u32 s0;
	s0 =	sadd.s32 $0x200, s0  }
0x5e: {  	v4 =	vld [tilespmem:s3+$0x8000]  }
0x5f: {  	v5 =	vld [tilespmem:s3+$0x8010]  }
0x60: {  	v6 =	vld [tilespmem:s3+$0x8020]  }
0x61: {  	v7 =	vld [tilespmem:s3+$0x8030]  }
0x62: {  	v8 =	vld [tilespmem:s3+$0x8040]  }
0x63: {  	v9 =	vsub.s32 v4, v3  }
0x64: {  	vm4 =	vlt.u32 v9, $0x500;
	v5 =	vsub.s32 v5, v3  }
0x65: {  	v4 =	vsel vm4, $0x1, v1;
	vm2 =	vlt.u32 v5, $0x500;
	v6 =	vsub.s32 v6, v3  }
0x66: {  	v10 =	vsel vm2, $0x1, v1;
	vm1 =	vlt.u32 v6, $0x500;
	v7 =	vsub.s32 v7, v3;
	(xrf0) =	vadd.scan.msk.s32 $0xffff, v4  }
0x67: {  	v4 =	vsel vm1, $0x1, v1;
	vm3 =	vlt.u32 v7, $0x500;
	v8 =	vsub.s32 v8, v3;
	(xrf0) =	vadd.scan.msk.s32 $0xffff, v10  }
0x68: {  	v10 =	vsel vm3, $0x1, v1;
	vm0 =	vlt.u32 v8, $0x500;
	(xrf0) =	vadd.scan.msk.s32 $0xffff, v4  }
0x69: {  	v4 =	vsel vm0, $0x1, v1;
	(xrf0) =	vadd.scan.msk.s32 $0xffff, v10  }
0x6a: {  	(xrf0) =	vadd.scan.msk.s32 $0xffff, v4  }
0x6b: {  	v4 =	vsel vm4, $0xFFFFFFFF, v1  }
0x6c: {  	v4 =	vadd.s32 s30, v4;
	v10, _, _ =	vpop (xrf0)  }
0x6d: {  	v11 =	vadd.s32 v10, v4;
	v12, _, _ =	vpop (xrf0);
	(v2sf) =	vpush v10, $0xF  }
0x6e: {  	v10, _, _ =	vpop (xrf0);
	(v2sf) =	vpush v12, $0xF  }
0x6f: {  	v13, _, _ =	vpop (xrf0);
	(v2sf) =	vpush v10, $0xF  }
0x70: {  	v14, _, _ =	vpop (xrf0);
	(v2sf) =	vpush v13, $0xF  }
0x71: {  	(v2sf) =	vpush v14, $0xF;
	_ =	sdelay $0xa  }
0x72: {  	v15 =	vsel vm2, $0xFFFFFFFF, v1;
	v4 =	vld [tilespmem:s3+$0x40];
	s19 =	spop (v2sf)  }
0x73: {  	v12 =	vadd.s32 v15, v12;
	v16 =	vld [tilespmem:s3+$0x0];
	s19 =	sadd.s32 s30, s19;
	s30 =	spop (v2sf)  }
0x74: {  	v15 =	vsel vm1, $0xFFFFFFFF, v1;
	v17 =	vld [tilespmem:s3+$0x30];
	v12 =	vadd.s32 s19, v12;
	s19 =	sadd.s32 s19, s30;
	s30 =	spop (v2sf)  }
0x75: {  	v10 =	vadd.s32 v15, v10;
	v18 =	vld [tilespmem:s3+$0x10];
	s12 =	sadd.s32 s19, s30;
	s30 =	spop (v2sf)  }
0x76: {  	v19 =	vsel vm3, $0xFFFFFFFF, v1;
	v10 =	vadd.s32 s19, v10;
	v15 =	vld [tilespmem:s3+$0x20];
	s3 =	sadd.s32 s12, s30;
	s19 =	spop (v2sf)  }
0x77: {  	[tilespmem:v11+s20+$0x0] =	vst.idx.msk vm4, v9;
	v9 =	vadd.s32 v19, v13;
	s30 =	sadd.s32 s3, s19  }
0x78: {  	v13 =	vsel vm0, $0xFFFFFFFF, v1;
	[tilespmem:v11+s21+$0x0] =	vst.idx.msk vm4, v16;
	v9 =	vadd.s32 s12, v9  }
0x79: {  	[tilespmem:v12+s20+$0x0] =	vst.idx.msk vm2, v5;
	v5 =	vadd.s32 v13, v14  }
0x7a: {  	[tilespmem:v12+s21+$0x0] =	vst.idx.msk vm2, v18;
	v5 =	vadd.s32 s3, v5  }
.Ltmp4:
0x7b: {  	[tilespmem:v10+s20+$0x0] =	vst.idx.msk vm1, v6;
	(pc) =	sbr.rel @p0 .LBB2_3-.Ltmp4, $4  }
0x7c: {  	[tilespmem:v10+s21+$0x0] =	vst.idx.msk vm1, v15  }
0x7d: {  	[tilespmem:v9+s20+$0x0] =	vst.idx.msk vm3, v7  }
0x7e: {  	[tilespmem:v9+s21+$0x0] =	vst.idx.msk vm3, v17  }
0x7f: {  	[tilespmem:v5+s20+$0x0] =	vst.idx.msk vm0, v8  }
0x80: {  	_ =	sdelay $0x4  }
0x81: {  	s0 =	sshra.s32 s31, $0x2;
	[tilespmem:v5+s21+$0x0] =	vst.idx.msk vm0, v4  }
0x82: {  	v4 =	vld [tilespmem:s0+$0x8000];
	_ =	sdelay $0x2  }
0x83: {  	v5 =	vld [tilespmem:s0+$0x8010]  }
0x84: {  	v6 =	vld [tilespmem:s0+$0x8020]  }
0x85: {  	v7 =	vld [tilespmem:s0+$0x8030];
	v4 =	vsub.s32 v4, v3  }
0x86: {  	v52 =	vld [tilespmem:s0+$0x8040];
	vm3 =	vlt.u32 v4, $0x500  }
0x87: {  	v8 =	vsel vm3, $0x1, v1  }
0x88: {  	v5 =	vsub.s32 v5, v3;
	(xrf0) =	vadd.scan.msk.s32 $0xffff, v8  }
0x89: {  	v6 =	vsub.s32 v6, v3;
	vm15 =	vlt.u32 v5, $0x500  }
0x8a: {  	v7 =	vsub.s32 v7, v3;
	vm1 =	vlt.u32 v6, $0x500;
	v9 =	vsel vm15, $0x1, v1  }
0x8b: {  	v3 =	vsub.s32 v52, v3;
	vm2 =	vlt.u32 v7, $0x500;
	v53 =	vsel vm1, $0x1, v1;
	(xrf0) =	vadd.scan.msk.s32 $0xffff, v9  }
0x8c: {  	vm4 =	vlt.u32 v3, $0x500;
	v54 =	vsel vm2, $0x1, v1;
	(xrf0) =	vadd.scan.msk.s32 $0xffff, v53  }
0x8d: {  	v56 =	vsel vm4, $0x1, v1;
	(xrf0) =	vadd.scan.msk.s32 $0xffff, v54  }
0x8e: {  	v55, _, _ =	vpop (xrf0);
	(xrf0) =	vadd.scan.msk.s32 $0xffff, v56  }
0x8f: {  	(v2sf) =	vpush v55, $0xF;
	_ =	sdelay $0x1  }
0x90: {  	v10, _, _ =	vpop (xrf0)  }
0x91: {  	(v2sf) =	vpush v10, $0xF;
	v57, _, _ =	vpop (xrf0)  }
0x92: {  	(v2sf) =	vpush v57, $0xF;
	v11, _, _ =	vpop (xrf0)  }
0x93: {  	(v2sf) =	vpush v11, $0xF;
	v12, _, _ =	vpop (xrf0)  }
0x94: {  	(v2sf) =	vpush v12, $0xF;
	_ =	sdelay $0x6  }
0x95: {  	v13 =	vsel vm3, $0xFFFFFFFF, v1  }
0x96: {  	v13 =	vadd.s32 s30, v13  }
0x97: {  	v58 =	vsel vm15, $0xFFFFFFFF, v1;
	v8 =	vadd.s32 v55, v13;
	s3 =	spop (v2sf)  }
0x98: {  	v15 =	vld [tilespmem:s0+$0x0];
	v10 =	vadd.s32 v58, v10;
	s3 =	sadd.s32 s30, s3  }
0x99: {  	v14 =	vld [tilespmem:s0+$0x40];
	v10 =	vadd.s32 s3, v10  }
0x9a: {  	v16 =	vld [tilespmem:s0+$0x30];
	v59 =	vsel vm1, $0xFFFFFFFF, v1;
	s12 =	spop (v2sf)  }
0x9b: {  	v17 =	vld [tilespmem:s0+$0x10];
	v9 =	vadd.s32 v59, v57;
	s3 =	sadd.s32 s3, s12;
	s31 =	spop (v2sf)  }
0x9c: {  	v60 =	vld [tilespmem:s0+$0x20];
	v18 =	vsel vm2, $0xFFFFFFFF, v1;
	v62 =	vsel vm4, $0xFFFFFFFF, v1;
	[tilespmem:v8+s20+$0x0] =	vst.idx.msk vm3, v4;
	v9 =	vadd.s32 s3, v9;
	s3 =	sadd.s32 s3, s31;
	s12 =	spop (v2sf)  }
0x9d: {  	v61 =	vadd.s32 v18, v11;
	[tilespmem:v8+s21+$0x0] =	vst.idx.msk vm3, v15;
	v63 =	vadd.s32 v62, v12;
	s0 =	sadd.s32 s3, s12;
	s19 =	spop (v2sf)  }
0x9e: {  	v4 =	vadd.s32 s3, v61;
	[tilespmem:v10+s20+$0x0] =	vst.idx.msk vm15, v5;
	v5 =	vadd.s32 s0, v63;
	s0 =	sadd.s32 s0, s19  }
0x9f: {  	s3 =	sadd.s32 $0x5F, s0  }
0xa0: {  	[tilespmem:v10+s21+$0x0] =	vst.idx.msk vm15, v17;
	s31 =	smulhi.u32 $0x2AAAAAAB, s3;
	s19 =	sshra.s32 s3, $0x1F  }
0xa1: {  	[tilespmem:v9+s20+$0x0] =	vst.idx.msk vm1, v6;
	s19 =	smul.u32 $0x2AAAAAAB, s19  }
0xa2: {  	[tilespmem:v9+s21+$0x0] =	vst.idx.msk vm1, v60  }
0xa3: {  	[tilespmem:v4+s20+$0x0] =	vst.idx.msk vm2, v7;
	s12 =	sadd.s32 s19, s31  }
0xa4: {  	[tilespmem:v4+s21+$0x0] =	vst.idx.msk vm2, v16;
	s19 =	sshrl.u32 s12, $0x1F;
	s12 =	sshra.s32 s12, $0x4  }
0xa5: {  	[tilespmem:v5+s20+$0x0] =	vst.idx.msk vm4, v3;
	s12 =	sadd.s32 s19, s12  }
0xa6: {  	[tilespmem:v5+s21+$0x0] =	vst.idx.msk vm4, v14;
	s19 =	smul.u32 $0xFFFFFFA0, s12  }
0xa7: {  	s30 =	ssub.s32 $0xFFFFFFA1, s0;
	[tilespmem:s0+$0x14F00] =	vst v2  }
0xa8: {  	p0 =	slt.s32 s3, $0x1;
	[tilespmem:s0+$0x10000] =	vst v0;
	p1 =	sne.s32 s19, s30  }
0xa9: {  	[tilespmem:s0+$0x14F10] =	vst v2;
	p0 =	por !p0, !p1  }
0xaa: {  	s3 =	simm.s32 $0x1;
	[tilespmem:s0+$0x10010] =	vst v0;
	p0 =	por !p0, !p0  }
0xab: {  	[tilespmem:s0+$0x14F20] =	vst v2;
	s3 =	simm.s32 @!p0 $0x0  }
0xac: {  	[tilespmem:s0+$0x10020] =	vst v0;
	s30 =	ssub.s32 s12, s3  }
0xad: {  	[tilespmem:s0+$0x14F30] =	vst v2;
	p0 =	slt.s32 s30, $0x1  }
.Ltmp5:
0xae: {  	[tilespmem:s0+$0x10030] =	vst v0;
	(pc) =	sbr.rel @p0 .LBB2_8-.Ltmp5, $4  }
0xaf: {  	[tilespmem:s0+$0x14F40] =	vst v2  }
0xb0: {  	[tilespmem:s0+$0x10040] =	vst v0  }
0xb1: {  	[tilespmem:s0+$0x14F50] =	vst v2  }
0xb2: {  	[tilespmem:s0+$0x10050] =	vst v0  }
0xb3: {  	s0 =	simm.s32 $0x14F30  }
0xb4: {  	v3 =	vld [tilespmem:s0+$0xFFFFFFD0];
	_ =	sdelay $0x4  }
0xb5: {  	[tilespmem:$0x19E00] =	vst v3  }
0xb6: {  	v3 =	vld [tilespmem:s0+$0xFFFFFFE0];
	_ =	sdelay $0x4  }
0xb7: {  	[tilespmem:$0x19E10] =	vst v3  }
0xb8: {  	v3 =	vld [tilespmem:s0+$0xFFFFFFF0];
	_ =	sdelay $0x4  }
0xb9: {  	[tilespmem:$0x19E20] =	vst v3  }
0xba: {  	v3 =	vld [tilespmem:s0+$0x0];
	_ =	sdelay $0x4  }
0xbb: {  	[tilespmem:$0x19E30] =	vst v3  }
0xbc: {  	v3 =	vld [tilespmem:s0+$0x10];
	_ =	sdelay $0x4  }
0xbd: {  	[tilespmem:$0x19E40] =	vst v3  }
0xbe: {  	v3 =	vld [tilespmem:s0+$0x20];
	_ =	sdelay $0x4  }
0xbf: {  	s3 =	simm.s32 $0x10000;
	[tilespmem:$0x19E50] =	vst v3  }
0xc0: {  	[tilespmem:s24], [sflag:$0x1] =	stream.indirect.gather [hbm4b:s5+s23], $0x80, s3, s23, $0xb8;
	[tilespmem:$0x1FA80] =	vst v63  }
0xc1: {  	p1 =	sne.s32 s30, $0x1;
	_ =	swait.ge [sflag:s22], $0x3000  }
.Ltmp6:
0xc2: {  	[sflag:s22] =	ssyncset.done $0x0;
	(pc) =	sbr.rel @!p1 .LBB2_7-.Ltmp6, $4  }
0xc3: {  	[sflag:s22] =	ssyncadd.s32 $0xFFFFD000  }
0xc4: {  	[spmem:s2] =	stream.indirect.scatter.add.f32 [tilespmem:s24], [sflag:$0x2], $0x80, s25, s23, $0xb8;
	[tilespmem:$0x1FA80] =	vst v63  }
0xc5: {  	_ =	swait.ge [sflag:s18], $0x3000  }
0xc6: {  	s31 =	sadd.s32 $0xFFFFFFFF, s30;
	[sflag:s18] =	ssyncset.done $0x0  }
.LBB2_6:
0xc7: {  	[sflag:s18] =	ssyncadd.s32 $0xFFFFD000;
	s3 =	sadd.s32 $0x60, s3;
	s0 =	sadd.s32 $0x60, s0  }
0xc8: {  	p1 =	sne.s32 s31, $0x1;
	s31 =	sadd.s32 $0xFFFFFFFF, s31;
	v3 =	vld [tilespmem:s0+$0xFFFFFFD0];
	_ =	sdelay $0x4  }
0xc9: {  	[tilespmem:$0x19E00] =	vst v3  }
0xca: {  	v3 =	vld [tilespmem:s0+$0xFFFFFFE0];
	_ =	sdelay $0x4  }
0xcb: {  	[tilespmem:$0x19E10] =	vst v3  }
0xcc: {  	v3 =	vld [tilespmem:s0+$0xFFFFFFF0];
	_ =	sdelay $0x4  }
0xcd: {  	[tilespmem:$0x19E20] =	vst v3  }
0xce: {  	v3 =	vld [tilespmem:s0+$0x0];
	_ =	sdelay $0x4  }
0xcf: {  	[tilespmem:$0x19E30] =	vst v3  }
0xd0: {  	v3 =	vld [tilespmem:s0+$0x10];
	_ =	sdelay $0x4  }
0xd1: {  	[tilespmem:$0x19E40] =	vst v3  }
0xd2: {  	v3 =	vld [tilespmem:s0+$0x20];
	_ =	sdelay $0x4  }
0xd3: {  	[tilespmem:$0x19E50] =	vst v3  }
0xd4: {  	[tilespmem:s24], [sflag:$0x1] =	stream.indirect.gather [hbm4b:s5+s23], $0x80, s3, s23, $0xb8;
	[tilespmem:$0x1FA80] =	vst v63  }
0xd5: {  	_ =	swait.ge [sflag:s22], $0x3000  }
.Ltmp7:
0xd6: {  	[sflag:s22] =	ssyncset.done $0x0;
	(pc) =	sbr.rel @p1 .LBB2_6-.Ltmp7, $4  }
0xd7: {  	[sflag:s22] =	ssyncadd.s32 $0xFFFFD000  }
0xd8: {  	[spmem:s2] =	stream.indirect.scatter.add.f32 [tilespmem:s24], [sflag:$0x2], $0x80, s25, s23, $0xb8;
	[tilespmem:$0x1FA80] =	vst v63  }
0xd9: {  	_ =	swait.ge [sflag:s18], $0x3000  }
0xda: {  	[sflag:s18] =	ssyncset.done $0x0  }
.LBB2_7:
0xdb: {  	[sflag:s18] =	ssyncadd.s32 $0xFFFFD000  }
.LBB2_8:
0xdc: {  	s0 =	sadd.s32 s29, s15  }
0xdd: {  	s0 =	sshll.u32 s0, $0x4  }
0xde: {  	[bflag:$0x0] =	sbarrier.arrive $0xFFFF;
	s3 =	sadd.s32 s8, s0;
	s0 =	sshrl.u32 s14, $0x3  }
0xdf: {  	[hbm:s3], [sflag:s11] =	dma.local [spmem:s0], $0x500  }
0xe0: {  	_ =	swait.ge [sflag:s18], $0x500  }
0xe1: {  	s31 =	sshrl.u32 s28, $0x2;
	[sflag:s18] =	ssyncset.done $0x0  }
0xe2: {  	p1 =	sne.s32 s6, s31;
	[sflag:s18] =	ssyncadd.s32 $0xFFFFFB00  }
0xe3: {  	[spmem:s17], [sflag:s11] =	dma.local [hbm:s10], $0x580  }
.Ltmp8:
0xe4: {  	_ =	swait.ge [sflag:s18], $0x580;
	(pc) =	sbr.rel @p1 .LBB2_14-.Ltmp8, $3  }
0xe5: {  	[sflag:s18] =	ssyncset.done $0x0  }
0xe6: {  	[sflag:s18] =	ssyncadd.s32 $0xFFFFFA80  }
0xe7: {  	[bflag:$0x0] =	sbarrier.arrive $0xFFFF;
	_ =	sdelay $0x1  }
.Ltmp9:
0xe8: {  	(pc) =	sbr.rel @p0 .LBB2_13-.Ltmp9, $4  }
0xe9: {  	[tilespmem:s24], [sflag:$0x2] =	stream.linear.gather [hbm4b:s7+s4], $0x3000, $0x38;
	[tilespmem:$0x1FA80] =	vst v63  }
0xea: {  	_ =	swait.ge [sflag:s18], $0x3000  }
0xeb: {  	[sflag:s18] =	ssyncset.done $0x0  }
0xec: {  	s3 =	simm.s32 $0x14F30;
	[sflag:s18] =	ssyncadd.s32 $0xFFFFD000  }
0xed: {  	v3 =	vld [tilespmem:s3+$0xFFFFFFD0];
	_ =	sdelay $0x4  }
0xee: {  	[tilespmem:$0x19E00] =	vst v3  }
0xef: {  	v3 =	vld [tilespmem:s3+$0xFFFFFFE0];
	_ =	sdelay $0x4  }
0xf0: {  	[tilespmem:$0x19E10] =	vst v3  }
0xf1: {  	v3 =	vld [tilespmem:s3+$0xFFFFFFF0];
	_ =	sdelay $0x4  }
0xf2: {  	[tilespmem:$0x19E20] =	vst v3  }
0xf3: {  	v3 =	vld [tilespmem:s3+$0x0];
	_ =	sdelay $0x4  }
0xf4: {  	[tilespmem:$0x19E30] =	vst v3  }
0xf5: {  	v3 =	vld [tilespmem:s3+$0x10];
	_ =	sdelay $0x4  }
0xf6: {  	[tilespmem:$0x19E40] =	vst v3  }
0xf7: {  	v3 =	vld [tilespmem:s3+$0x20];
	_ =	sdelay $0x2  }
0xf8: {  	p0 =	sne.s32 s30, $0x1  }
.Ltmp10:
0xf9: {  	_ = 	snop;
	(pc) =	sbr.rel @!p0 .LBB2_12-.Ltmp10, $4  }
0xfa: {  	[tilespmem:$0x19E50] =	vst v3  }
0xfb: {  	[spmem:s2] =	stream.indirect.scatter.add.f32 [tilespmem:s24], [sflag:$0x2], $0x80, s25, s23, $0xb8;
	[tilespmem:$0x1FA80] =	vst v63  }
0xfc: {  	_ =	swait.ge [sflag:s18], $0x3000  }
0xfd: {  	s30 =	sadd.s32 $0xFFFFFFFF, s30;
	[sflag:s18] =	ssyncset.done $0x0  }
.LBB2_11:
0xfe: {  	p0 =	sne.s32 s30, $0x1;
	[sflag:s18] =	ssyncadd.s32 $0xFFFFD000;
	s3 =	sadd.s32 $0x60, s3  }
0xff: {  	s30 =	sadd.s32 $0xFFFFFFFF, s30;
	v3 =	vld [tilespmem:s3+$0xFFFFFFD0];
	_ =	sdelay $0x4  }
0x100: {  	[tilespmem:$0x19E00] =	vst v3  }
0x101: {  	v3 =	vld [tilespmem:s3+$0xFFFFFFE0];
	_ =	sdelay $0x4  }
0x102: {  	[tilespmem:$0x19E10] =	vst v3  }
0x103: {  	v3 =	vld [tilespmem:s3+$0xFFFFFFF0];
	_ =	sdelay $0x4  }
0x104: {  	[tilespmem:$0x19E20] =	vst v3  }
0x105: {  	v3 =	vld [tilespmem:s3+$0x0];
	_ =	sdelay $0x4  }
0x106: {  	[tilespmem:$0x19E30] =	vst v3  }
0x107: {  	v3 =	vld [tilespmem:s3+$0x10];
	_ =	sdelay $0x4  }
0x108: {  	[tilespmem:$0x19E40] =	vst v3  }
0x109: {  	v3 =	vld [tilespmem:s3+$0x20];
	_ =	sdelay $0x3  }
.Ltmp11:
0x10a: {  	(pc) =	sbr.rel @p0 .LBB2_11-.Ltmp11, $4  }
0x10b: {  	[tilespmem:$0x19E50] =	vst v3  }
0x10c: {  	[spmem:s2] =	stream.indirect.scatter.add.f32 [tilespmem:s24], [sflag:$0x2], $0x80, s25, s23, $0xb8;
	[tilespmem:$0x1FA80] =	vst v63  }
0x10d: {  	_ =	swait.ge [sflag:s18], $0x3000  }
0x10e: {  	[sflag:s18] =	ssyncset.done $0x0  }
.Ltmp12:
0x10f: {  	_ = 	snop;
	(pc) =	sbr.rel .LBB2_12-.Ltmp12, $1  }
0x110: {  	_ =	sdelay $0x3  }
.LBB2_16:
0x111: {  	_ =	sfence.sel $0x180000  }
0x112: {  	[bflag:$0x0] =	sbarrier.arrive $0xFFFF  }
0x113: {  	_ =	strace $0x90000047  }
0x114: {  	s0 =	stileid.u32;
	[bflag:$0x2] =	sbarrier.arrive $0xFFFF  }
0x115: {  	p0 =	sne.s32 s0, $0x0;
	s0 =	rddreg [dreg:$0x3]  }
0x116: {  	s0 =	sadd.s32 @!p0 $0x100000, s0  }
0x117: {  	[sflag:s0] =	ssyncadd.tile.s32 @!p0 $0x1;
	_ =	shalt  }
.Lfunc_end2:
_tile_overlayer_lowered:
.L_overlay_start_2:
0x118: {  	(tag) =	ssettag $0x2  }
0x119: {  	s0 =	rddreg [dreg:$0x0];
	s2 =	stileid.u32  }
0x11a: {  	s1 =	rddreg [dreg:$0x1];
	p0 =	sne.s32 s2, $0x0  }
0x11b: {  	s3 =	rddreg [dreg:$0x2];
	[bflag:$0x3] =	sbarrier.arrive $0xFFFF;
	s2 =	simm.s32 @!p0 $0x1C02  }
0x11c: {  	[timem:s3], [sflag:s2] =	dma.local @!p0 [hbm:s0], s1  }
0x11d: {  	s0 =	simm.s32 @!p0 $0x2  }
0x11e: {  	_ =	swait.ge @!p0 [sflag:s0], s1  }
0x11f: {  	s1 =	ssub.s32 @!p0 $0x0, s1;
	[sflag:s0] =	ssyncset.done @!p0 $0x0  }
0x120: {  	[sflag:s0] =	ssyncadd.s32 @!p0 s1  }
0x121: {  	[bflag:$0x3] =	sbarrier.arrive $0xFFFF  }
0x122: {  	_ =	shalt  }

</sc_bundles>
